<compile_context>
chip_gen: v7x
topology: tpu7x:2x2x1
jax: 0.10.2.dev20260603
libtpu: 0.0.44.dev20260713+nightly
codegen_flags: <defaults>
</compile_context>

<pallas_src>
import jax
import jax.numpy as jnp
from jax import lax
from jax.experimental import pallas as pl
from jax.experimental.pallas import tpu as pltpu
from jax.experimental.pallas import tpu_sc as plsc

B = 16384
D = 24
DS = 25
DP = 128
NC = 2
NS = 16
NW = NC * NS
BPW = B // NW
L = 16
NCHUNK = 4
CROWS = BPW // NCHUNK
GPC = CROWS // L


def _sc_body(weeks_hbm, seasons_hbm, hol_hbm, w_hbm,
             wk_idx_hbm, dy_idx_hbm, hl_idx_hbm,
             out_hbm,
             weeks_v, seasons_v, hol_v,
             wsc_v, comb_v,
             wk_v, dy_v, hl_v, stage_v, w_v, sem):
    wid = lax.axis_index("s") * NC + lax.axis_index("c")
    base = wid * BPW

    cps = [
        pltpu.make_async_copy(weeks_hbm, weeks_v, sem),
        pltpu.make_async_copy(seasons_hbm, seasons_v, sem),
        pltpu.make_async_copy(hol_hbm, hol_v, sem),
        pltpu.make_async_copy(w_hbm, w_v.at[pl.ds(0, 3)], sem),
        pltpu.make_async_copy(wk_idx_hbm.at[pl.ds(base, BPW)], wk_v, sem),
        pltpu.make_async_copy(dy_idx_hbm.at[pl.ds(base, BPW)], dy_v, sem),
        pltpu.make_async_copy(hl_idx_hbm.at[pl.ds(base, BPW)], hl_v, sem),
    ]
    for cp in cps:
        cp.start()
    for cp in cps:
        cp.wait()

    wv = w_v[pl.ds(0, L)]
    w1 = jnp.full((L,), wv[0], jnp.float32)
    w2 = jnp.full((L,), wv[1], jnp.float32)
    w3 = jnp.full((L,), wv[2], jnp.float32)
    lane = lax.iota(jnp.int32, L)

    for r in range(53):
        for off in (0, 8):
            wsc_v[pl.ds(r * DS + off, L)] = w1 * weeks_v[r, pl.ds(off, L)]

    for s in range(7):
        for h in range(2):
            r = (s * 2 + h) * DS
            for off in (0, 8):
                comb_v[pl.ds(r + off, L)] = (
                    w2 * seasons_v[s, pl.ds(off, L)]
                    + w3 * hol_v[h, pl.ds(off, L)]
                )

    dcols = []
    for t in range(D):
        x = lane + t
        dcols.append(jnp.where(x >= D, x - D, x))

    def group(g, carry):
        b0 = g * L
        wk = wk_v[pl.ds(b0, L)] * DS
        cb = dy_v[pl.ds(b0, L)] * (2 * DS) + hl_v[pl.ds(b0, L)] * DS
        rows = b0 + lane
        ilp = 6
        for t in range(D // ilp):
            ts = tuple(t + k * (D // ilp) for k in range(ilp))
            ab = [(plsc.load_gather(wsc_v, [wk + dcols[tt]]),
                   plsc.load_gather(comb_v, [cb + dcols[tt]])) for tt in ts]
            for tt, (a, b) in zip(ts, ab):
                plsc.store_scatter(stage_v, [rows, dcols[tt]], a + b)
        return carry

    out_cps = []
    for c in range(NCHUNK):
        lax.fori_loop(c * GPC, (c + 1) * GPC, group, 0)
        cp = pltpu.make_async_copy(
            stage_v.at[pl.ds(c * CROWS, CROWS)],
            out_hbm.at[pl.ds(base + c * CROWS, CROWS)],
            sem,
        )
        cp.start()
        out_cps.append(cp)
    for cp in out_cps:
        cp.wait()


def kernel(weeks, seasons, holidays_tab, w1, w2, w3, week_idx, day_idx, holiday_idx):
    w = jnp.stack([w1, w2, w3])
    mesh = plsc.VectorSubcoreMesh(core_axis_name="c", subcore_axis_name="s")
    f = pl.kernel(
        _sc_body,
        mesh=mesh,
        compiler_params=pltpu.CompilerParams(needs_layout_passes=False),
        out_type=jax.ShapeDtypeStruct((B, DP), jnp.float32),
        scratch_types=[
            pltpu.VMEM((53, D), jnp.float32),
            pltpu.VMEM((7, D), jnp.float32),
            pltpu.VMEM((2, D), jnp.float32),
            pltpu.VMEM((53 * DS + 8,), jnp.float32),
            pltpu.VMEM((14 * DS + 8,), jnp.float32),
            pltpu.VMEM((BPW,), jnp.int32),
            pltpu.VMEM((BPW,), jnp.int32),
            pltpu.VMEM((BPW,), jnp.int32),
            pltpu.VMEM((BPW, DP), jnp.float32),
            pltpu.VMEM((L,), jnp.float32),
            pltpu.SemaphoreType.DMA,
        ],
    )
    padded = f(weeks, seasons, holidays_tab, w,
               week_idx, day_idx, holiday_idx)
    return padded[:, :D]

# --- scband reference (transcript-rebuilt; emitter-appended) ---
"""Pipeline reference for scband-naive-model-34316788695388 (READ-ONLY COPY).

The authoritative reference and input builder live on the scoring server;
editing this copy changes nothing except your own understanding.
"""

import jax, jax.numpy as jnp
import numpy as np

B = 16384

def setup_inputs(seed: int = 0) -> dict:
    key = jax.random.key(seed)
    ks = jax.random.split(key, 9)
    weeks = jax.random.normal(ks[0], (53, 24), dtype=jnp.float32)
    seasons = jax.random.normal(ks[1], (7, 24), dtype=jnp.float32)
    holidays_tab = jax.random.normal(ks[2], (2, 24), dtype=jnp.float32)
    w1 = jax.random.normal(ks[3], (), dtype=jnp.float32)
    w2 = jax.random.normal(ks[4], (), dtype=jnp.float32)
    w3 = jax.random.normal(ks[5], (), dtype=jnp.float32)
    week_idx = jax.random.randint(ks[6], (B,), 0, 53, dtype=jnp.int32)
    day_idx = jax.random.randint(ks[7], (B,), 0, 7, dtype=jnp.int32)
    holiday_idx = jax.random.randint(ks[8], (B,), 0, 2, dtype=jnp.int32)
    return {
        'weeks': weeks,
        'seasons': seasons,
        'holidays_tab': holidays_tab,
        'w1': w1,
        'w2': w2,
        'w3': w3,
        'week_idx': week_idx,
        'day_idx': day_idx,
        'holiday_idx': holiday_idx,
    }


def reference(weeks, seasons, holidays_tab, w1, w2, w3, week_idx, day_idx, holiday_idx):
    # Batched reinterpretation of NaiveModel.forward:
    #   out = w1 * weeks[week] + w2 * seasons[day] + w3 * holidays[is_holiday]
    # Each lookup is an embedding gather over the corresponding table.
    e_week = jnp.take(weeks, week_idx, axis=0)          # [B, 24]
    e_season = jnp.take(seasons, day_idx, axis=0)       # [B, 24]
    e_holiday = jnp.take(holidays_tab, holiday_idx, axis=0)  # [B, 24]
    out = w1 * e_week + w2 * e_season + w3 * e_holiday
    return out

if __name__ == "__main__":
    import jax
    _d = setup_inputs()
    print(jax.jit(kernel)(*tuple(_d.values())))

</pallas_src>

<mosaic_0001>
#map = affine_map<(d0, d1) -> (0, 0)>
#map1 = affine_map<(d0, d1) -> (0)>
module attributes {stable_mosaic.version = 14 : i64} {
  func.func @_sc_body(%arg0: i32, %arg1: i32, %arg2: memref<53x24xf32, #tpu.memory_space<hbm>>, %arg3: memref<7x24xf32, #tpu.memory_space<hbm>>, %arg4: memref<2x24xf32, #tpu.memory_space<hbm>>, %arg5: memref<3xf32, #tpu.memory_space<hbm>>, %arg6: memref<16384xi32, #tpu.memory_space<hbm>>, %arg7: memref<16384xi32, #tpu.memory_space<hbm>>, %arg8: memref<16384xi32, #tpu.memory_space<hbm>>, %arg9: memref<16384x128xf32, #tpu.memory_space<hbm>>, %arg10: memref<53x24xf32, #tpu.memory_space<vmem>>, %arg11: memref<7x24xf32, #tpu.memory_space<vmem>>, %arg12: memref<2x24xf32, #tpu.memory_space<vmem>>, %arg13: memref<1333xf32, #tpu.memory_space<vmem>>, %arg14: memref<358xf32, #tpu.memory_space<vmem>>, %arg15: memref<512xi32, #tpu.memory_space<vmem>>, %arg16: memref<512xi32, #tpu.memory_space<vmem>>, %arg17: memref<512xi32, #tpu.memory_space<vmem>>, %arg18: memref<512x128xf32, #tpu.memory_space<vmem>>, %arg19: memref<16xf32, #tpu.memory_space<vmem>>, %arg20: memref<!tpu.dma_semaphore, #tpu.memory_space<semaphore_mem>>) attributes {dimension_semantics = [#tpu.dimension_semantics<core_parallel>, #tpu.dimension_semantics<subcore_parallel>], iteration_bounds = array<i64: 2, 16>, scalar_prefetch = 0 : i64, scratch_operands = 11 : i64, tpu.core_type = #tpu.core_type<sc_vector_subcore>, window_params = [{transform_indices = #map}, {transform_indices = #map}, {transform_indices = #map}, {transform_indices = #map1}, {transform_indices = #map1}, {transform_indices = #map1}, {transform_indices = #map1}, {transform_indices = #map}]} {
    %mul3A = arith.constant 2 : i32
    %mul3A_0 = arith.muli %arg1, %mul3A : i32
    %add3A = arith.addi %mul3A_0, %arg0 : i32
    %mul3A_1 = arith.constant 512 : i32
    %mul3A_2 = arith.muli %add3A, %mul3A_1 : i32
    tpu.enqueue_dma source(%arg2 : memref<53x24xf32, #tpu.memory_space<hbm>>) target(%arg10 : memref<53x24xf32, #tpu.memory_space<vmem>>) target_semaphore(%arg20 : memref<!tpu.dma_semaphore, #tpu.memory_space<semaphore_mem>>)
    tpu.enqueue_dma source(%arg3 : memref<7x24xf32, #tpu.memory_space<hbm>>) target(%arg11 : memref<7x24xf32, #tpu.memory_space<vmem>>) target_semaphore(%arg20 : memref<!tpu.dma_semaphore, #tpu.memory_space<semaphore_mem>>)
    tpu.enqueue_dma source(%arg4 : memref<2x24xf32, #tpu.memory_space<hbm>>) target(%arg12 : memref<2x24xf32, #tpu.memory_space<vmem>>) target_semaphore(%arg20 : memref<!tpu.dma_semaphore, #tpu.memory_space<semaphore_mem>>)
    %dma_start3A = arith.constant 0 : i32
    %dma_start3A_3 = tpu.memref_slice %arg19[%dma_start3A] : memref<16xf32, #tpu.memory_space<vmem>> -> memref<3xf32, #tpu.memory_space<vmem>>
    %dma_start3A_4 = arith.constant 0 : i32
    %dma_start3A_5 = tpu.memref_slice %arg19[%dma_start3A_4] : memref<16xf32, #tpu.memory_space<vmem>> -> memref<3xf32, #tpu.memory_space<vmem>>
    tpu.enqueue_dma source(%arg5 : memref<3xf32, #tpu.memory_space<hbm>>) target(%dma_start3A_5 : memref<3xf32, #tpu.memory_space<vmem>>) target_semaphore(%arg20 : memref<!tpu.dma_semaphore, #tpu.memory_space<semaphore_mem>>)
    %dma_start3A_6 = tpu.memref_slice %arg6[%mul3A_2] : memref<16384xi32, #tpu.memory_space<hbm>> -> memref<512xi32, #tpu.memory_space<hbm>>
    %dma_start3A_7 = tpu.memref_slice %arg6[%mul3A_2] : memref<16384xi32, #tpu.memory_space<hbm>> -> memref<512xi32, #tpu.memory_space<hbm>>
    tpu.enqueue_dma source(%dma_start3A_7 : memref<512xi32, #tpu.memory_space<hbm>>) target(%arg15 : memref<512xi32, #tpu.memory_space<vmem>>) target_semaphore(%arg20 : memref<!tpu.dma_semaphore, #tpu.memory_space<semaphore_mem>>)
    %dma_start3A_8 = tpu.memref_slice %arg7[%mul3A_2] : memref<16384xi32, #tpu.memory_space<hbm>> -> memref<512xi32, #tpu.memory_space<hbm>>
    %dma_start3A_9 = tpu.memref_slice %arg7[%mul3A_2] : memref<16384xi32, #tpu.memory_space<hbm>> -> memref<512xi32, #tpu.memory_space<hbm>>
    tpu.enqueue_dma source(%dma_start3A_9 : memref<512xi32, #tpu.memory_space<hbm>>) target(%arg16 : memref<512xi32, #tpu.memory_space<vmem>>) target_semaphore(%arg20 : memref<!tpu.dma_semaphore, #tpu.memory_space<semaphore_mem>>)
    %dma_start3A_10 = tpu.memref_slice %arg8[%mul3A_2] : memref<16384xi32, #tpu.memory_space<hbm>> -> memref<512xi32, #tpu.memory_space<hbm>>
    %dma_start3A_11 = tpu.memref_slice %arg8[%mul3A_2] : memref<16384xi32, #tpu.memory_space<hbm>> -> memref<512xi32, #tpu.memory_space<hbm>>
    tpu.enqueue_dma source(%dma_start3A_11 : memref<512xi32, #tpu.memory_space<hbm>>) target(%arg17 : memref<512xi32, #tpu.memory_space<vmem>>) target_semaphore(%arg20 : memref<!tpu.dma_semaphore, #tpu.memory_space<semaphore_mem>>)
    tpu.wait_dma2 semaphore(%arg20 : memref<!tpu.dma_semaphore, #tpu.memory_space<semaphore_mem>>) src(%arg2 : memref<53x24xf32, #tpu.memory_space<hbm>>) dst(%arg10 : memref<53x24xf32, #tpu.memory_space<vmem>>)
    tpu.wait_dma2 semaphore(%arg20 : memref<!tpu.dma_semaphore, #tpu.memory_space<semaphore_mem>>) src(%arg3 : memref<7x24xf32, #tpu.memory_space<hbm>>) dst(%arg11 : memref<7x24xf32, #tpu.memory_space<vmem>>)
    tpu.wait_dma2 semaphore(%arg20 : memref<!tpu.dma_semaphore, #tpu.memory_space<semaphore_mem>>) src(%arg4 : memref<2x24xf32, #tpu.memory_space<hbm>>) dst(%arg12 : memref<2x24xf32, #tpu.memory_space<vmem>>)
    %dma_wait3A = arith.constant 0 : i32
    %dma_wait3A_12 = tpu.memref_slice %arg19[%dma_wait3A] : memref<16xf32, #tpu.memory_space<vmem>> -> memref<3xf32, #tpu.memory_space<vmem>>
    %dma_wait3A_13 = arith.constant 0 : i32
    %dma_wait3A_14 = tpu.memref_slice %arg19[%dma_wait3A_13] : memref<16xf32, #tpu.memory_space<vmem>> -> memref<3xf32, #tpu.memory_space<vmem>>
    tpu.wait_dma2 semaphore(%arg20 : memref<!tpu.dma_semaphore, #tpu.memory_space<semaphore_mem>>) src(%arg5 : memref<3xf32, #tpu.memory_space<hbm>>) dst(%dma_wait3A_14 : memref<3xf32, #tpu.memory_space<vmem>>)
    %dma_wait3A_15 = tpu.memref_slice %arg6[%mul3A_2] : memref<16384xi32, #tpu.memory_space<hbm>> -> memref<512xi32, #tpu.memory_space<hbm>>
    %dma_wait3A_16 = tpu.memref_slice %arg6[%mul3A_2] : memref<16384xi32, #tpu.memory_space<hbm>> -> memref<512xi32, #tpu.memory_space<hbm>>
    tpu.wait_dma2 semaphore(%arg20 : memref<!tpu.dma_semaphore, #tpu.memory_space<semaphore_mem>>) src(%dma_wait3A_16 : memref<512xi32, #tpu.memory_space<hbm>>) dst(%arg15 : memref<512xi32, #tpu.memory_space<vmem>>)
    %dma_wait3A_17 = tpu.memref_slice %arg7[%mul3A_2] : memref<16384xi32, #tpu.memory_space<hbm>> -> memref<512xi32, #tpu.memory_space<hbm>>
    %dma_wait3A_18 = tpu.memref_slice %arg7[%mul3A_2] : memref<16384xi32, #tpu.memory_space<hbm>> -> memref<512xi32, #tpu.memory_space<hbm>>
    tpu.wait_dma2 semaphore(%arg20 : memref<!tpu.dma_semaphore, #tpu.memory_space<semaphore_mem>>) src(%dma_wait3A_18 : memref<512xi32, #tpu.memory_space<hbm>>) dst(%arg16 : memref<512xi32, #tpu.memory_space<vmem>>)
    %dma_wait3A_19 = tpu.memref_slice %arg8[%mul3A_2] : memref<16384xi32, #tpu.memory_space<hbm>> -> memref<512xi32, #tpu.memory_space<hbm>>
    %dma_wait3A_20 = tpu.memref_slice %arg8[%mul3A_2] : memref<16384xi32, #tpu.memory_space<hbm>> -> memref<512xi32, #tpu.memory_space<hbm>>
    tpu.wait_dma2 semaphore(%arg20 : memref<!tpu.dma_semaphore, #tpu.memory_space<semaphore_mem>>) src(%dma_wait3A_20 : memref<512xi32, #tpu.memory_space<hbm>>) dst(%arg17 : memref<512xi32, #tpu.memory_space<vmem>>)
    %get3A = arith.constant 0 : index
    %get3A_21 = tpu.vector_load %arg19[%get3A] {strides = array<i32>} : memref<16xf32, #tpu.memory_space<vmem>>, vector<16xf32>,
    %slice3A = vector.extract_strided_slice %get3A_21 {offsets = [0], sizes = [1], strides = [1]} : vector<16xf32> to vector<1xf32>
    %squeeze3A = vector.extract %slice3A[0] : f32 from vector<1xf32>
    %broadcast_in_dim3A = vector.broadcast %squeeze3A : f32 to vector<16xf32>
    %slice3A_22 = vector.extract_strided_slice %get3A_21 {offsets = [1], sizes = [1], strides = [1]} : vector<16xf32> to vector<1xf32>
    %squeeze3A_23 = vector.extract %slice3A_22[0] : f32 from vector<1xf32>
    %broadcast_in_dim3A_24 = vector.broadcast %squeeze3A_23 : f32 to vector<16xf32>
    %slice3A_25 = vector.extract_strided_slice %get3A_21 {offsets = [2], sizes = [1], strides = [1]} : vector<16xf32> to vector<1xf32>
    %squeeze3A_26 = vector.extract %slice3A_25[0] : f32 from vector<1xf32>
    %broadcast_in_dim3A_27 = vector.broadcast %squeeze3A_26 : f32 to vector<16xf32>
    %iota3A = tpu.iota {dimensions = array<i32: 0>} : vector<16xi32>
    %get3A_28 = arith.constant 0 : i32
    %get3A_29 = arith.index_cast %get3A_28 : i32 to index
    %get3A_30 = arith.constant 0 : index
    %get3A_31 = tpu.vector_load %arg10[%get3A_29, %get3A_30] {strides = array<i32>} : memref<53x24xf32, #tpu.memory_space<vmem>>, vector<16xf32>,
    %mul3A_32 = arith.mulf %broadcast_in_dim3A, %get3A_31 : vector<16xf32>
    %swap3A = arith.constant 0 : index
    %swap3A_33 = tpu.vector_load %arg13[%swap3A] {strides = array<i32>} : memref<1333xf32, #tpu.memory_space<vmem>>, vector<16xf32>,
    tpu.vector_store %arg13[%swap3A], %mul3A_32 {strides = array<i32>} : memref<1333xf32, #tpu.memory_space<vmem>>, vector<16xf32>,
    %get3A_34 = arith.constant 0 : i32
    %get3A_35 = arith.index_cast %get3A_34 : i32 to index
    %get3A_36 = arith.constant 8 : index
    %get3A_37 = tpu.vector_load %arg10[%get3A_35, %get3A_36] {strides = array<i32>} : memref<53x24xf32, #tpu.memory_space<vmem>>, vector<16xf32>,
    %mul3A_38 = arith.mulf %broadcast_in_dim3A, %get3A_37 : vector<16xf32>
    %swap3A_39 = arith.constant 8 : index
    %swap3A_40 = tpu.vector_load %arg13[%swap3A_39] {strides = array<i32>} : memref<1333xf32, #tpu.memory_space<vmem>>, vector<16xf32>,
    tpu.vector_store %arg13[%swap3A_39], %mul3A_38 {strides = array<i32>} : memref<1333xf32, #tpu.memory_space<vmem>>, vector<16xf32>,
    %get3A_41 = arith.constant 1 : i32
    %get3A_42 = arith.index_cast %get3A_41 : i32 to index
    %get3A_43 = arith.constant 0 : index
    %get3A_44 = tpu.vector_load %arg10[%get3A_42, %get3A_43] {strides = array<i32>} : memref<53x24xf32, #tpu.memory_space<vmem>>, vector<16xf32>,
    %mul3A_45 = arith.mulf %broadcast_in_dim3A, %get3A_44 : vector<16xf32>
    %swap3A_46 = arith.constant 25 : index
    %swap3A_47 = tpu.vector_load %arg13[%swap3A_46] {strides = array<i32>} : memref<1333xf32, #tpu.memory_space<vmem>>, vector<16xf32>,
    tpu.vector_store %arg13[%swap3A_46], %mul3A_45 {strides = array<i32>} : memref<1333xf32, #tpu.memory_space<vmem>>, vector<16xf32>,
    %get3A_48 = arith.constant 1 : i32
    %get3A_49 = arith.index_cast %get3A_48 : i32 to index
    %get3A_50 = arith.constant 8 : index
    %get3A_51 = tpu.vector_load %arg10[%get3A_49, %get3A_50] {strides = array<i32>} : memref<53x24xf32, #tpu.memory_space<vmem>>, vector<16xf32>,
    %mul3A_52 = arith.mulf %broadcast_in_dim3A, %get3A_51 : vector<16xf32>
    %swap3A_53 = arith.constant 33 : index
    %swap3A_54 = tpu.vector_load %arg13[%swap3A_53] {strides = array<i32>} : memref<1333xf32, #tpu.memory_space<vmem>>, vector<16xf32>,
    tpu.vector_store %arg13[%swap3A_53], %mul3A_52 {strides = array<i32>} : memref<1333xf32, #tpu.memory_space<vmem>>, vector<16xf32>,
    %get3A_55 = arith.constant 2 : i32
    %get3A_56 = arith.index_cast %get3A_55 : i32 to index
    %get3A_57 = arith.constant 0 : index
    %get3A_58 = tpu.vector_load %arg10[%get3A_56, %get3A_57] {strides = array<i32>} : memref<53x24xf32, #tpu.memory_space<vmem>>, vector<16xf32>,
    %mul3A_59 = arith.mulf %broadcast_in_dim3A, %get3A_58 : vector<16xf32>
    %swap3A_60 = arith.constant 50 : index
    %swap3A_61 = tpu.vector_load %arg13[%swap3A_60] {strides = array<i32>} : memref<1333xf32, #tpu.memory_space<vmem>>, vector<16xf32>,
    tpu.vector_store %arg13[%swap3A_60], %mul3A_59 {strides = array<i32>} : memref<1333xf32, #tpu.memory_space<vmem>>, vector<16xf32>,
    %get3A_62 = arith.constant 2 : i32
    %get3A_63 = arith.index_cast %get3A_62 : i32 to index
    %get3A_64 = arith.constant 8 : index
    %get3A_65 = tpu.vector_load %arg10[%get3A_63, %get3A_64] {strides = array<i32>} : memref<53x24xf32, #tpu.memory_space<vmem>>, vector<16xf32>,
    %mul3A_66 = arith.mulf %broadcast_in_dim3A, %get3A_65 : vector<16xf32>
    %swap3A_67 = arith.constant 58 : index
    %swap3A_68 = tpu.vector_load %arg13[%swap3A_67] {strides = array<i32>} : memref<1333xf32, #tpu.memory_space<vmem>>, vector<16xf32>,
    tpu.vector_store %arg13[%swap3A_67], %mul3A_66 {strides = array<i32>} : memref<1333xf32, #tpu.memory_space<vmem>>, vector<16xf32>,
    %get3A_69 = arith.constant 3 : i32
    %get3A_70 = arith.index_cast %get3A_69 : i32 to index
    %get3A_71 = arith.constant 0 : index
    %get3A_72 = tpu.vector_load %arg10[%get3A_70, %get3A_71] {strides = array<i32>} : memref<53x24xf32, #tpu.memory_space<vmem>>, vector<16xf32>,
    %mul3A_73 = arith.mulf %broadcast_in_dim3A, %get3A_72 : vector<16xf32>
    %swap3A_74 = arith.constant 75 : index
    %swap3A_75 = tpu.vector_load %arg13[%swap3A_74] {strides = array<i32>} : memref<1333xf32, #tpu.memory_space<vmem>>, vector<16xf32>,
    tpu.vector_store %arg13[%swap3A_74], %mul3A_73 {strides = array<i32>} : memref<1333xf32, #tpu.memory_space<vmem>>, vector<16xf32>,
    %get3A_76 = arith.constant 3 : i32
    %get3A_77 = arith.index_cast %get3A_76 : i32 to index
    %get3A_78 = arith.constant 8 : index
    %get3A_79 = tpu.vector_load %arg10[%get3A_77, %get3A_78] {strides = array<i32>} : memref<53x24xf32, #tpu.memory_space<vmem>>, vector<16xf32>,
    %mul3A_80 = arith.mulf %broadcast_in_dim3A, %get3A_79 : vector<16xf32>
    %swap3A_81 = arith.constant 83 : index
    %swap3A_82 = tpu.vector_load %arg13[%swap3A_81] {strides = array<i32>} : memref<1333xf32, #tpu.memory_space<vmem>>, vector<16xf32>,
    tpu.vector_store %arg13[%swap3A_81], %mul3A_80 {strides = array<i32>} : memref<1333xf32, #tpu.memory_space<vmem>>, vector<16xf32>,
    %get3A_83 = arith.constant 4 : i32
    %get3A_84 = arith.index_cast %get3A_83 : i32 to index
    %get3A_85 = arith.constant 0 : index
    %get3A_86 = tpu.vector_load %arg10[%get3A_84, %get3A_85] {strides = array<i32>} : memref<53x24xf32, #tpu.memory_space<vmem>>, vector<16xf32>,
    %mul3A_87 = arith.mulf %broadcast_in_dim3A, %get3A_86 : vector<16xf32>
    %swap3A_88 = arith.constant 100 : index
    %swap3A_89 = tpu.vector_load %arg13[%swap3A_88] {strides = array<i32>} : memref<1333xf32, #tpu.memory_space<vmem>>, vector<16xf32>,
    tpu.vector_store %arg13[%swap3A_88], %mul3A_87 {strides = array<i32>} : memref<1333xf32, #tpu.memory_space<vmem>>, vector<16xf32>,
    %get3A_90 = arith.constant 4 : i32
    %get3A_91 = arith.index_cast %get3A_90 : i32 to index
    %get3A_92 = arith.constant 8 : index
    %get3A_93 = tpu.vector_load %arg10[%get3A_91, %get3A_92] {strides = array<i32>} : memref<53x24xf32, #tpu.memory_space<vmem>>, vector<16xf32>,
    %mul3A_94 = arith.mulf %broadcast_in_dim3A, %get3A_93 : vector<16xf32>
    %swap3A_95 = arith.constant 108 : index
    %swap3A_96 = tpu.vector_load %arg13[%swap3A_95] {strides = array<i32>} : memref<1333xf32, #tpu.memory_space<vmem>>, vector<16xf32>,
    tpu.vector_store %arg13[%swap3A_95], %mul3A_94 {strides = array<i32>} : memref<1333xf32, #tpu.memory_space<vmem>>, vector<16xf32>,
    %get3A_97 = arith.constant 5 : i32
    %get3A_98 = arith.index_cast %get3A_97 : i32 to index
    %get3A_99 = arith.constant 0 : index
    %get3A_100 = tpu.vector_load %arg10[%get3A_98, %get3A_99] {strides = array<i32>} : memref<53x24xf32, #tpu.memory_space<vmem>>, vector<16xf32>,
    %mul3A_101 = arith.mulf %broadcast_in_dim3A, %get3A_100 : vector<16xf32>
    %swap3A_102 = arith.constant 125 : index
    %swap3A_103 = tpu.vector_load %arg13[%swap3A_102] {strides = array<i32>} : memref<1333xf32, #tpu.memory_space<vmem>>, vector<16xf32>,
    tpu.vector_store %arg13[%swap3A_102], %mul3A_101 {strides = array<i32>} : memref<1333xf32, #tpu.memory_space<vmem>>, vector<16xf32>,
    %get3A_104 = arith.constant 5 : i32
    %get3A_105 = arith.index_cast %get3A_104 : i32 to index
    %get3A_106 = arith.constant 8 : index
    %get3A_107 = tpu.vector_load %arg10[%get3A_105, %get3A_106] {strides = array<i32>} : memref<53x24xf32, #tpu.memory_space<vmem>>, vector<16xf32>,
    %mul3A_108 = arith.mulf %broadcast_in_dim3A, %get3A_107 : vector<16xf32>
    %swap3A_109 = arith.constant 133 : index
    %swap3A_110 = tpu.vector_load %arg13[%swap3A_109] {strides = array<i32>} : memref<1333xf32, #tpu.memory_space<vmem>>, vector<16xf32>,
    tpu.vector_store %arg13[%swap3A_109], %mul3A_108 {strides = array<i32>} : memref<1333xf32, #tpu.memory_space<vmem>>, vector<16xf32>,
    %get3A_111 = arith.constant 6 : i32
    %get3A_112 = arith.index_cast %get3A_111 : i32 to index
    %get3A_113 = arith.constant 0 : index
    %get3A_114 = tpu.vector_load %arg10[%get3A_112, %get3A_113] {strides = array<i32>} : memref<53x24xf32, #tpu.memory_space<vmem>>, vector<16xf32>,
    %mul3A_115 = arith.mulf %broadcast_in_dim3A, %get3A_114 : vector<16xf32>
    %swap3A_116 = arith.constant 150 : index
    %swap3A_117 = tpu.vector_load %arg13[%swap3A_116] {strides = array<i32>} : memref<1333xf32, #tpu.memory_space<vmem>>, vector<16xf32>,
    tpu.vector_store %arg13[%swap3A_116], %mul3A_115 {strides = array<i32>} : memref<1333xf32, #tpu.memory_space<vmem>>, vector<16xf32>,
    %get3A_118 = arith.constant 6 : i32
    %get3A_119 = arith.index_cast %get3A_118 : i32 to index
    %get3A_120 = arith.constant 8 : index
    %get3A_121 = tpu.vector_load %arg10[%get3A_119, %get3A_120] {strides = array<i32>} : memref<53x24xf32, #tpu.memory_space<vmem>>, vector<16xf32>,
    %mul3A_122 = arith.mulf %broadcast_in_dim3A, %get3A_121 : vector<16xf32>
    %swap3A_123 = arith.constant 158 : index
    %swap3A_124 = tpu.vector_load %arg13[%swap3A_123] {strides = array<i32>} : memref<1333xf32, #tpu.memory_space<vmem>>, vector<16xf32>,
    tpu.vector_store %arg13[%swap3A_123], %mul3A_122 {strides = array<i32>} : memref<1333xf32, #tpu.memory_space<vmem>>, vector<16xf32>,
    %get3A_125 = arith.constant 7 : i32
    %get3A_126 = arith.index_cast %get3A_125 : i32 to index
    %get3A_127 = arith.constant 0 : index
    %get3A_128 = tpu.vector_load %arg10[%get3A_126, %get3A_127] {strides = array<i32>} : memref<53x24xf32, #tpu.memory_space<vmem>>, vector<16xf32>,
    %mul3A_129 = arith.mulf %broadcast_in_dim3A, %get3A_128 : vector<16xf32>
    %swap3A_130 = arith.constant 175 : index
    %swap3A_131 = tpu.vector_load %arg13[%swap3A_130] {strides = array<i32>} : memref<1333xf32, #tpu.memory_space<vmem>>, vector<16xf32>,
    tpu.vector_store %arg13[%swap3A_130], %mul3A_129 {strides = array<i32>} : memref<1333xf32, #tpu.memory_space<vmem>>, vector<16xf32>,
    %get3A_132 = arith.constant 7 : i32
    %get3A_133 = arith.index_cast %get3A_132 : i32 to index
    %get3A_134 = arith.constant 8 : index
    %get3A_135 = tpu.vector_load %arg10[%get3A_133, %get3A_134] {strides = array<i32>} : memref<53x24xf32, #tpu.memory_space<vmem>>, vector<16xf32>,
    %mul3A_136 = arith.mulf %broadcast_in_dim3A, %get3A_135 : vector<16xf32>
    %swap3A_137 = arith.constant 183 : index
    %swap3A_138 = tpu.vector_load %arg13[%swap3A_137] {strides = array<i32>} : memref<1333xf32, #tpu.memory_space<vmem>>, vector<16xf32>,
    tpu.vector_store %arg13[%swap3A_137], %mul3A_136 {strides = array<i32>} : memref<1333xf32, #tpu.memory_space<vmem>>, vector<16xf32>,
    %get3A_139 = arith.constant 8 : i32
    %get3A_140 = arith.index_cast %get3A_139 : i32 to index
    %get3A_141 = arith.constant 0 : index
    %get3A_142 = tpu.vector_load %arg10[%get3A_140, %get3A_141] {strides = array<i32>} : memref<53x24xf32, #tpu.memory_space<vmem>>, vector<16xf32>,
    %mul3A_143 = arith.mulf %broadcast_in_dim3A, %get3A_142 : vector<16xf32>
    %swap3A_144 = arith.constant 200 : index
    %swap3A_145 = tpu.vector_load %arg13[%swap3A_144] {strides = array<i32>} : memref<1333xf32, #tpu.memory_space<vmem>>, vector<16xf32>,
    tpu.vector_store %arg13[%swap3A_144], %mul3A_143 {strides = array<i32>} : memref<1333xf32, #tpu.memory_space<vmem>>, vector<16xf32>,
    %get3A_146 = arith.constant 8 : i32
    %get3A_147 = arith.index_cast %get3A_146 : i32 to index
    %get3A_148 = arith.constant 8 : index
    %get3A_149 = tpu.vector_load %arg10[%get3A_147, %get3A_148] {strides = array<i32>} : memref<53x24xf32, #tpu.memory_space<vmem>>, vector<16xf32>,
    %mul3A_150 = arith.mulf %broadcast_in_dim3A, %get3A_149 : vector<16xf32>
    %swap3A_151 = arith.constant 208 : index
    %swap3A_152 = tpu.vector_load %arg13[%swap3A_151] {strides = array<i32>} : memref<1333xf32, #tpu.memory_space<vmem>>, vector<16xf32>,
    tpu.vector_store %arg13[%swap3A_151], %mul3A_150 {strides = array<i32>} : memref<1333xf32, #tpu.memory_space<vmem>>, vector<16xf32>,
    %get3A_153 = arith.constant 9 : i32
    %get3A_154 = arith.index_cast %get3A_153 : i32 to index
    %get3A_155 = arith.constant 0 : index
    %get3A_156 = tpu.vector_load %arg10[%get3A_154, %get3A_155] {strides = array<i32>} : memref<53x24xf32, #tpu.memory_space<vmem>>, vector<16xf32>,
    %mul3A_157 = arith.mulf %broadcast_in_dim3A, %get3A_156 : vector<16xf32>
    %swap3A_158 = arith.constant 225 : index
    %swap3A_159 = tpu.vector_load %arg13[%swap3A_158] {strides = array<i32>} : memref<1333xf32, #tpu.memory_space<vmem>>, vector<16xf32>,
    tpu.vector_store %arg13[%swap3A_158], %mul3A_157 {strides = array<i32>} : memref<1333xf32, #tpu.memory_space<vmem>>, vector<16xf32>,
    %get3A_160 = arith.constant 9 : i32
    %get3A_161 = arith.index_cast %get3A_160 : i32 to index
    %get3A_162 = arith.constant 8 : index
    %get3A_163 = tpu.vector_load %arg10[%get3A_161, %get3A_162] {strides = array<i32>} : memref<53x24xf32, #tpu.memory_space<vmem>>, vector<16xf32>,
    %mul3A_164 = arith.mulf %broadcast_in_dim3A, %get3A_163 : vector<16xf32>
    %swap3A_165 = arith.constant 233 : index
    %swap3A_166 = tpu.vector_load %arg13[%swap3A_165] {strides = array<i32>} : memref<1333xf32, #tpu.memory_space<vmem>>, vector<16xf32>,
    tpu.vector_store %arg13[%swap3A_165], %mul3A_164 {strides = array<i32>} : memref<1333xf32, #tpu.memory_space<vmem>>, vector<16xf32>,
    %get3A_167 = arith.constant 10 : i32
    %get3A_168 = arith.index_cast %get3A_167 : i32 to index
    %get3A_169 = arith.constant 0 : index
    %get3A_170 = tpu.vector_load %arg10[%get3A_168, %get3A_169] {strides = array<i32>} : memref<53x24xf32, #tpu.memory_space<vmem>>, vector<16xf32>,
    %mul3A_171 = arith.mulf %broadcast_in_dim3A, %get3A_170 : vector<16xf32>
    %swap3A_172 = arith.constant 250 : index
    %swap3A_173 = tpu.vector_load %arg13[%swap3A_172] {strides = array<i32>} : memref<1333xf32, #tpu.memory_space<vmem>>, vector<16xf32>,
    tpu.vector_store %arg13[%swap3A_172], %mul3A_171 {strides = array<i32>} : memref<1333xf32, #tpu.memory_space<vmem>>, vector<16xf32>,
    %get3A_174 = arith.constant 10 : i32
    %get3A_175 = arith.index_cast %get3A_174 : i32 to index
    %get3A_176 = arith.constant 8 : index
    %get3A_177 = tpu.vector_load %arg10[%get3A_175, %get3A_176] {strides = array<i32>} : memref<53x24xf32, #tpu.memory_space<vmem>>, vector<16xf32>,
    %mul3A_178 = arith.mulf %broadcast_in_dim3A, %get3A_177 : vector<16xf32>
    %swap3A_179 = arith.constant 258 : index
    %swap3A_180 = tpu.vector_load %arg13[%swap3A_179] {strides = array<i32>} : memref<1333xf32, #tpu.memory_space<vmem>>, vector<16xf32>,
    tpu.vector_store %arg13[%swap3A_179], %mul3A_178 {strides = array<i32>} : memref<1333xf32, #tpu.memory_space<vmem>>, vector<16xf32>,
    %get3A_181 = arith.constant 11 : i32
    %get3A_182 = arith.index_cast %get3A_181 : i32 to index
    %get3A_183 = arith.constant 0 : index
    %get3A_184 = tpu.vector_load %arg10[%get3A_182, %get3A_183] {strides = array<i32>} : memref<53x24xf32, #tpu.memory_space<vmem>>, vector<16xf32>,
    %mul3A_185 = arith.mulf %broadcast_in_dim3A, %get3A_184 : vector<16xf32>
    %swap3A_186 = arith.constant 275 : index
    %swap3A_187 = tpu.vector_load %arg13[%swap3A_186] {strides = array<i32>} : memref<1333xf32, #tpu.memory_space<vmem>>, vector<16xf32>,
    tpu.vector_store %arg13[%swap3A_186], %mul3A_185 {strides = array<i32>} : memref<1333xf32, #tpu.memory_space<vmem>>, vector<16xf32>,
    %get3A_188 = arith.constant 11 : i32
    %get3A_189 = arith.index_cast %get3A_188 : i32 to index
    %get3A_190 = arith.constant 8 : index
    %get3A_191 = tpu.vector_load %arg10[%get3A_189, %get3A_190] {strides = array<i32>} : memref<53x24xf32, #tpu.memory_space<vmem>>, vector<16xf32>,
    %mul3A_192 = arith.mulf %broadcast_in_dim3A, %get3A_191 : vector<16xf32>
    %swap3A_193 = arith.constant 283 : index
    %swap3A_194 = tpu.vector_load %arg13[%swap3A_193] {strides = array<i32>} : memref<1333xf32, #tpu.memory_space<vmem>>, vector<16xf32>,
    tpu.vector_store %arg13[%swap3A_193], %mul3A_192 {strides = array<i32>} : memref<1333xf32, #tpu.memory_space<vmem>>, vector<16xf32>,
    %get3A_195 = arith.constant 12 : i32
    %get3A_196 = arith.index_cast %get3A_195 : i32 to index
    %get3A_197 = arith.constant 0 : index
    %get3A_198 = tpu.vector_load %arg10[%get3A_196, %get3A_197] {strides = array<i32>} : memref<53x24xf32, #tpu.memory_space<vmem>>, vector<16xf32>,
    %mul3A_199 = arith.mulf %broadcast_in_dim3A, %get3A_198 : vector<16xf32>
    %swap3A_200 = arith.constant 300 : index
    %swap3A_201 = tpu.vector_load %arg13[%swap3A_200] {strides = array<i32>} : memref<1333xf32, #tpu.memory_space<vmem>>, vector<16xf32>,
    tpu.vector_store %arg13[%swap3A_200], %mul3A_199 {strides = array<i32>} : memref<1333xf32, #tpu.memory_space<vmem>>, vector<16xf32>,
    %get3A_202 = arith.constant 12 : i32
    %get3A_203 = arith.index_cast %get3A_202 : i32 to index
    %get3A_204 = arith.constant 8 : index
    %get3A_205 = tpu.vector_load %arg10[%get3A_203, %get3A_204] {strides = array<i32>} : memref<53x24xf32, #tpu.memory_space<vmem>>, vector<16xf32>,
    %mul3A_206 = arith.mulf %broadcast_in_dim3A, %get3A_205 : vector<16xf32>
    %swap3A_207 = arith.constant 308 : index
    %swap3A_208 = tpu.vector_load %arg13[%swap3A_207] {strides = array<i32>} : memref<1333xf32, #tpu.memory_space<vmem>>, vector<16xf32>,
    tpu.vector_store %arg13[%swap3A_207], %mul3A_206 {strides = array<i32>} : memref<1333xf32, #tpu.memory_space<vmem>>, vector<16xf32>,
    %get3A_209 = arith.constant 13 : i32
    %get3A_210 = arith.index_cast %get3A_209 : i32 to index
    %get3A_211 = arith.constant 0 : index
    %get3A_212 = tpu.vector_load %arg10[%get3A_210, %get3A_211] {strides = array<i32>} : memref<53x24xf32, #tpu.memory_space<vmem>>, vector<16xf32>,
    %mul3A_213 = arith.mulf %broadcast_in_dim3A, %get3A_212 : vector<16xf32>
    %swap3A_214 = arith.constant 325 : index
    %swap3A_215 = tpu.vector_load %arg13[%swap3A_214] {strides = array<i32>} : memref<1333xf32, #tpu.memory_space<vmem>>, vector<16xf32>,
    tpu.vector_store %arg13[%swap3A_214], %mul3A_213 {strides = array<i32>} : memref<1333xf32, #tpu.memory_space<vmem>>, vector<16xf32>,
    %get3A_216 = arith.constant 13 : i32
    %get3A_217 = arith.index_cast %get3A_216 : i32 to index
    %get3A_218 = arith.constant 8 : index
    %get3A_219 = tpu.vector_load %arg10[%get3A_217, %get3A_218] {strides = array<i32>} : memref<53x24xf32, #tpu.memory_space<vmem>>, vector<16xf32>,
    %mul3A_220 = arith.mulf %broadcast_in_dim3A, %get3A_219 : vector<16xf32>
    %swap3A_221 = arith.constant 333 : index
    %swap3A_222 = tpu.vector_load %arg13[%swap3A_221] {strides = array<i32>} : memref<1333xf32, #tpu.memory_space<vmem>>, vector<16xf32>,
    tpu.vector_store %arg13[%swap3A_221], %mul3A_220 {strides = array<i32>} : memref<1333xf32, #tpu.memory_space<vmem>>, vector<16xf32>,
    %get3A_223 = arith.constant 14 : i32
    %get3A_224 = arith.index_cast %get3A_223 : i32 to index
    %get3A_225 = arith.constant 0 : index
    %get3A_226 = tpu.vector_load %arg10[%get3A_224, %get3A_225] {strides = array<i32>} : memref<53x24xf32, #tpu.memory_space<vmem>>, vector<16xf32>,
    %mul3A_227 = arith.mulf %broadcast_in_dim3A, %get3A_226 : vector<16xf32>
    %swap3A_228 = arith.constant 350 : index
    %swap3A_229 = tpu.vector_load %arg13[%swap3A_228] {strides = array<i32>} : memref<1333xf32, #tpu.memory_space<vmem>>, vector<16xf32>,
    tpu.vector_store %arg13[%swap3A_228], %mul3A_227 {strides = array<i32>} : memref<1333xf32, #tpu.memory_space<vmem>>, vector<16xf32>,
    %get3A_230 = arith.constant 14 : i32
    %get3A_231 = arith.index_cast %get3A_230 : i32 to index
    %get3A_232 = arith.constant 8 : index
    %get3A_233 = tpu.vector_load %arg10[%get3A_231, %get3A_232] {strides = array<i32>} : memref<53x24xf32, #tpu.memory_space<vmem>>, vector<16xf32>,
    %mul3A_234 = arith.mulf %broadcast_in_dim3A, %get3A_233 : vector<16xf32>
    %swap3A_235 = arith.constant 358 : index
    %swap3A_236 = tpu.vector_load %arg13[%swap3A_235] {strides = array<i32>} : memref<1333xf32, #tpu.memory_space<vmem>>, vector<16xf32>,
    tpu.vector_store %arg13[%swap3A_235], %mul3A_234 {strides = array<i32>} : memref<1333xf32, #tpu.memory_space<vmem>>, vector<16xf32>,
    %get3A_237 = arith.constant 15 : i32
    %get3A_238 = arith.index_cast %get3A_237 : i32 to index
    %get3A_239 = arith.constant 0 : index
    %get3A_240 = tpu.vector_load %arg10[%get3A_238, %get3A_239] {strides = array<i32>} : memref<53x24xf32, #tpu.memory_space<vmem>>, vector<16xf32>,
    %mul3A_241 = arith.mulf %broadcast_in_dim3A, %get3A_240 : vector<16xf32>
    %swap3A_242 = arith.constant 375 : index
    %swap3A_243 = tpu.vector_load %arg13[%swap3A_242] {strides = array<i32>} : memref<1333xf32, #tpu.memory_space<vmem>>, vector<16xf32>,
    tpu.vector_store %arg13[%swap3A_242], %mul3A_241 {strides = array<i32>} : memref<1333xf32, #tpu.memory_space<vmem>>, vector<16xf32>,
    %get3A_244 = arith.constant 15 : i32
    %get3A_245 = arith.index_cast %get3A_244 : i32 to index
    %get3A_246 = arith.constant 8 : index
    %get3A_247 = tpu.vector_load %arg10[%get3A_245, %get3A_246] {strides = array<i32>} : memref<53x24xf32, #tpu.memory_space<vmem>>, vector<16xf32>,
    %mul3A_248 = arith.mulf %broadcast_in_dim3A, %get3A_247 : vector<16xf32>
    %swap3A_249 = arith.constant 383 : index
    %swap3A_250 = tpu.vector_load %arg13[%swap3A_249] {strides = array<i32>} : memref<1333xf32, #tpu.memory_space<vmem>>, vector<16xf32>,
    tpu.vector_store %arg13[%swap3A_249], %mul3A_248 {strides = array<i32>} : memref<1333xf32, #tpu.memory_space<vmem>>, vector<16xf32>,
    %get3A_251 = arith.constant 16 : i32
    %get3A_252 = arith.index_cast %get3A_251 : i32 to index
    %get3A_253 = arith.constant 0 : index
    %get3A_254 = tpu.vector_load %arg10[%get3A_252, %get3A_253] {strides = array<i32>} : memref<53x24xf32, #tpu.memory_space<vmem>>, vector<16xf32>,
    %mul3A_255 = arith.mulf %broadcast_in_dim3A, %get3A_254 : vector<16xf32>
    %swap3A_256 = arith.constant 400 : index
    %swap3A_257 = tpu.vector_load %arg13[%swap3A_256] {strides = array<i32>} : memref<1333xf32, #tpu.memory_space<vmem>>, vector<16xf32>,
    tpu.vector_store %arg13[%swap3A_256], %mul3A_255 {strides = array<i32>} : memref<1333xf32, #tpu.memory_space<vmem>>, vector<16xf32>,
    %get3A_258 = arith.constant 16 : i32
    %get3A_259 = arith.index_cast %get3A_258 : i32 to index
    %get3A_260 = arith.constant 8 : index
    %get3A_261 = tpu.vector_load %arg10[%get3A_259, %get3A_260] {strides = array<i32>} : memref<53x24xf32, #tpu.memory_space<vmem>>, vector<16xf32>,
    %mul3A_262 = arith.mulf %broadcast_in_dim3A, %get3A_261 : vector<16xf32>
    %swap3A_263 = arith.constant 408 : index
    %swap3A_264 = tpu.vector_load %arg13[%swap3A_263] {strides = array<i32>} : memref<1333xf32, #tpu.memory_space<vmem>>, vector<16xf32>,
    tpu.vector_store %arg13[%swap3A_263], %mul3A_262 {strides = array<i32>} : memref<1333xf32, #tpu.memory_space<vmem>>, vector<16xf32>,
    %get3A_265 = arith.constant 17 : i32
    %get3A_266 = arith.index_cast %get3A_265 : i32 to index
    %get3A_267 = arith.constant 0 : index
    %get3A_268 = tpu.vector_load %arg10[%get3A_266, %get3A_267] {strides = array<i32>} : memref<53x24xf32, #tpu.memory_space<vmem>>, vector<16xf32>,
    %mul3A_269 = arith.mulf %broadcast_in_dim3A, %get3A_268 : vector<16xf32>
    %swap3A_270 = arith.constant 425 : index
    %swap3A_271 = tpu.vector_load %arg13[%swap3A_270] {strides = array<i32>} : memref<1333xf32, #tpu.memory_space<vmem>>, vector<16xf32>,
    tpu.vector_store %arg13[%swap3A_270], %mul3A_269 {strides = array<i32>} : memref<1333xf32, #tpu.memory_space<vmem>>, vector<16xf32>,
    %get3A_272 = arith.constant 17 : i32
    %get3A_273 = arith.index_cast %get3A_272 : i32 to index
    %get3A_274 = arith.constant 8 : index
    %get3A_275 = tpu.vector_load %arg10[%get3A_273, %get3A_274] {strides = array<i32>} : memref<53x24xf32, #tpu.memory_space<vmem>>, vector<16xf32>,
    %mul3A_276 = arith.mulf %broadcast_in_dim3A, %get3A_275 : vector<16xf32>
    %swap3A_277 = arith.constant 433 : index
    %swap3A_278 = tpu.vector_load %arg13[%swap3A_277] {strides = array<i32>} : memref<1333xf32, #tpu.memory_space<vmem>>, vector<16xf32>,
    tpu.vector_store %arg13[%swap3A_277], %mul3A_276 {strides = array<i32>} : memref<1333xf32, #tpu.memory_space<vmem>>, vector<16xf32>,
    %get3A_279 = arith.constant 18 : i32
    %get3A_280 = arith.index_cast %get3A_279 : i32 to index
    %get3A_281 = arith.constant 0 : index
    %get3A_282 = tpu.vector_load %arg10[%get3A_280, %get3A_281] {strides = array<i32>} : memref<53x24xf32, #tpu.memory_space<vmem>>, vector<16xf32>,
    %mul3A_283 = arith.mulf %broadcast_in_dim3A, %get3A_282 : vector<16xf32>
    %swap3A_284 = arith.constant 450 : index
    %swap3A_285 = tpu.vector_load %arg13[%swap3A_284] {strides = array<i32>} : memref<1333xf32, #tpu.memory_space<vmem>>, vector<16xf32>,
    tpu.vector_store %arg13[%swap3A_284], %mul3A_283 {strides = array<i32>} : memref<1333xf32, #tpu.memory_space<vmem>>, vector<16xf32>,
    %get3A_286 = arith.constant 18 : i32
    %get3A_287 = arith.index_cast %get3A_286 : i32 to index
    %get3A_288 = arith.constant 8 : index
    %get3A_289 = tpu.vector_load %arg10[%get3A_287, %get3A_288] {strides = array<i32>} : memref<53x24xf32, #tpu.memory_space<vmem>>, vector<16xf32>,
    %mul3A_290 = arith.mulf %broadcast_in_dim3A, %get3A_289 : vector<16xf32>
    %swap3A_291 = arith.constant 458 : index
    %swap3A_292 = tpu.vector_load %arg13[%swap3A_291] {strides = array<i32>} : memref<1333xf32, #tpu.memory_space<vmem>>, vector<16xf32>,
    tpu.vector_store %arg13[%swap3A_291], %mul3A_290 {strides = array<i32>} : memref<1333xf32, #tpu.memory_space<vmem>>, vector<16xf32>,
    %get3A_293 = arith.constant 19 : i32
    %get3A_294 = arith.index_cast %get3A_293 : i32 to index
    %get3A_295 = arith.constant 0 : index
    %get3A_296 = tpu.vector_load %arg10[%get3A_294, %get3A_295] {strides = array<i32>} : memref<53x24xf32, #tpu.memory_space<vmem>>, vector<16xf32>,
    %mul3A_297 = arith.mulf %broadcast_in_dim3A, %get3A_296 : vector<16xf32>
    %swap3A_298 = arith.constant 475 : index
    %swap3A_299 = tpu.vector_load %arg13[%swap3A_298] {strides = array<i32>} : memref<1333xf32, #tpu.memory_space<vmem>>, vector<16xf32>,
    tpu.vector_store %arg13[%swap3A_298], %mul3A_297 {strides = array<i32>} : memref<1333xf32, #tpu.memory_space<vmem>>, vector<16xf32>,
    %get3A_300 = arith.constant 19 : i32
    %get3A_301 = arith.index_cast %get3A_300 : i32 to index
    %get3A_302 = arith.constant 8 : index
    %get3A_303 = tpu.vector_load %arg10[%get3A_301, %get3A_302] {strides = array<i32>} : memref<53x24xf32, #tpu.memory_space<vmem>>, vector<16xf32>,
    %mul3A_304 = arith.mulf %broadcast_in_dim3A, %get3A_303 : vector<16xf32>
    %swap3A_305 = arith.constant 483 : index
    %swap3A_306 = tpu.vector_load %arg13[%swap3A_305] {strides = array<i32>} : memref<1333xf32, #tpu.memory_space<vmem>>, vector<16xf32>,
    tpu.vector_store %arg13[%swap3A_305], %mul3A_304 {strides = array<i32>} : memref<1333xf32, #tpu.memory_space<vmem>>, vector<16xf32>,
    %get3A_307 = arith.constant 20 : i32
    %get3A_308 = arith.index_cast %get3A_307 : i32 to index
    %get3A_309 = arith.constant 0 : index
    %get3A_310 = tpu.vector_load %arg10[%get3A_308, %get3A_309] {strides = array<i32>} : memref<53x24xf32, #tpu.memory_space<vmem>>, vector<16xf32>,
    %mul3A_311 = arith.mulf %broadcast_in_dim3A, %get3A_310 : vector<16xf32>
    %swap3A_312 = arith.constant 500 : index
    %swap3A_313 = tpu.vector_load %arg13[%swap3A_312] {strides = array<i32>} : memref<1333xf32, #tpu.memory_space<vmem>>, vector<16xf32>,
    tpu.vector_store %arg13[%swap3A_312], %mul3A_311 {strides = array<i32>} : memref<1333xf32, #tpu.memory_space<vmem>>, vector<16xf32>,
    %get3A_314 = arith.constant 20 : i32
    %get3A_315 = arith.index_cast %get3A_314 : i32 to index
    %get3A_316 = arith.constant 8 : index
    %get3A_317 = tpu.vector_load %arg10[%get3A_315, %get3A_316] {strides = array<i32>} : memref<53x24xf32, #tpu.memory_space<vmem>>, vector<16xf32>,
    %mul3A_318 = arith.mulf %broadcast_in_dim3A, %get3A_317 : vector<16xf32>
    %swap3A_319 = arith.constant 508 : index
    %swap3A_320 = tpu.vector_load %arg13[%swap3A_319] {strides = array<i32>} : memref<1333xf32, #tpu.memory_space<vmem>>, vector<16xf32>,
    tpu.vector_store %arg13[%swap3A_319], %mul3A_318 {strides = array<i32>} : memref<1333xf32, #tpu.memory_space<vmem>>, vector<16xf32>,
    %get3A_321 = arith.constant 21 : i32
    %get3A_322 = arith.index_cast %get3A_321 : i32 to index
    %get3A_323 = arith.constant 0 : index
    %get3A_324 = tpu.vector_load %arg10[%get3A_322, %get3A_323] {strides = array<i32>} : memref<53x24xf32, #tpu.memory_space<vmem>>, vector<16xf32>,
    %mul3A_325 = arith.mulf %broadcast_in_dim3A, %get3A_324 : vector<16xf32>
    %swap3A_326 = arith.constant 525 : index
    %swap3A_327 = tpu.vector_load %arg13[%swap3A_326] {strides = array<i32>} : memref<1333xf32, #tpu.memory_space<vmem>>, vector<16xf32>,
    tpu.vector_store %arg13[%swap3A_326], %mul3A_325 {strides = array<i32>} : memref<1333xf32, #tpu.memory_space<vmem>>, vector<16xf32>,
    %get3A_328 = arith.constant 21 : i32
    %get3A_329 = arith.index_cast %get3A_328 : i32 to index
    %get3A_330 = arith.constant 8 : index
    %get3A_331 = tpu.vector_load %arg10[%get3A_329, %get3A_330] {strides = array<i32>} : memref<53x24xf32, #tpu.memory_space<vmem>>, vector<16xf32>,
    %mul3A_332 = arith.mulf %broadcast_in_dim3A, %get3A_331 : vector<16xf32>
    %swap3A_333 = arith.constant 533 : index
    %swap3A_334 = tpu.vector_load %arg13[%swap3A_333] {strides = array<i32>} : memref<1333xf32, #tpu.memory_space<vmem>>, vector<16xf32>,
    tpu.vector_store %arg13[%swap3A_333], %mul3A_332 {strides = array<i32>} : memref<1333xf32, #tpu.memory_space<vmem>>, vector<16xf32>,
    %get3A_335 = arith.constant 22 : i32
    %get3A_336 = arith.index_cast %get3A_335 : i32 to index
    %get3A_337 = arith.constant 0 : index
    %get3A_338 = tpu.vector_load %arg10[%get3A_336, %get3A_337] {strides = array<i32>} : memref<53x24xf32, #tpu.memory_space<vmem>>, vector<16xf32>,
    %mul3A_339 = arith.mulf %broadcast_in_dim3A, %get3A_338 : vector<16xf32>
    %swap3A_340 = arith.constant 550 : index
    %swap3A_341 = tpu.vector_load %arg13[%swap3A_340] {strides = array<i32>} : memref<1333xf32, #tpu.memory_space<vmem>>, vector<16xf32>,
    tpu.vector_store %arg13[%swap3A_340], %mul3A_339 {strides = array<i32>} : memref<1333xf32, #tpu.memory_space<vmem>>, vector<16xf32>,
    %get3A_342 = arith.constant 22 : i32
    %get3A_343 = arith.index_cast %get3A_342 : i32 to index
    %get3A_344 = arith.constant 8 : index
    %get3A_345 = tpu.vector_load %arg10[%get3A_343, %get3A_344] {strides = array<i32>} : memref<53x24xf32, #tpu.memory_space<vmem>>, vector<16xf32>,
    %mul3A_346 = arith.mulf %broadcast_in_dim3A, %get3A_345 : vector<16xf32>
    %swap3A_347 = arith.constant 558 : index
    %swap3A_348 = tpu.vector_load %arg13[%swap3A_347] {strides = array<i32>} : memref<1333xf32, #tpu.memory_space<vmem>>, vector<16xf32>,
    tpu.vector_store %arg13[%swap3A_347], %mul3A_346 {strides = array<i32>} : memref<1333xf32, #tpu.memory_space<vmem>>, vector<16xf32>,
    %get3A_349 = arith.constant 23 : i32
    %get3A_350 = arith.index_cast %get3A_349 : i32 to index
    %get3A_351 = arith.constant 0 : index
    %get3A_352 = tpu.vector_load %arg10[%get3A_350, %get3A_351] {strides = array<i32>} : memref<53x24xf32, #tpu.memory_space<vmem>>, vector<16xf32>,
    %mul3A_353 = arith.mulf %broadcast_in_dim3A, %get3A_352 : vector<16xf32>
    %swap3A_354 = arith.constant 575 : index
    %swap3A_355 = tpu.vector_load %arg13[%swap3A_354] {strides = array<i32>} : memref<1333xf32, #tpu.memory_space<vmem>>, vector<16xf32>,
    tpu.vector_store %arg13[%swap3A_354], %mul3A_353 {strides = array<i32>} : memref<1333xf32, #tpu.memory_space<vmem>>, vector<16xf32>,
    %get3A_356 = arith.constant 23 : i32
    %get3A_357 = arith.index_cast %get3A_356 : i32 to index
    %get3A_358 = arith.constant 8 : index
    %get3A_359 = tpu.vector_load %arg10[%get3A_357, %get3A_358] {strides = array<i32>} : memref<53x24xf32, #tpu.memory_space<vmem>>, vector<16xf32>,
    %mul3A_360 = arith.mulf %broadcast_in_dim3A, %get3A_359 : vector<16xf32>
    %swap3A_361 = arith.constant 583 : index
    %swap3A_362 = tpu.vector_load %arg13[%swap3A_361] {strides = array<i32>} : memref<1333xf32, #tpu.memory_space<vmem>>, vector<16xf32>,
    tpu.vector_store %arg13[%swap3A_361], %mul3A_360 {strides = array<i32>} : memref<1333xf32, #tpu.memory_space<vmem>>, vector<16xf32>,
    %get3A_363 = arith.constant 24 : i32
    %get3A_364 = arith.index_cast %get3A_363 : i32 to index
    %get3A_365 = arith.constant 0 : index
    %get3A_366 = tpu.vector_load %arg10[%get3A_364, %get3A_365] {strides = array<i32>} : memref<53x24xf32, #tpu.memory_space<vmem>>, vector<16xf32>,
    %mul3A_367 = arith.mulf %broadcast_in_dim3A, %get3A_366 : vector<16xf32>
    %swap3A_368 = arith.constant 600 : index
    %swap3A_369 = tpu.vector_load %arg13[%swap3A_368] {strides = array<i32>} : memref<1333xf32, #tpu.memory_space<vmem>>, vector<16xf32>,
    tpu.vector_store %arg13[%swap3A_368], %mul3A_367 {strides = array<i32>} : memref<1333xf32, #tpu.memory_space<vmem>>, vector<16xf32>,
    %get3A_370 = arith.constant 24 : i32
    %get3A_371 = arith.index_cast %get3A_370 : i32 to index
    %get3A_372 = arith.constant 8 : index
    %get3A_373 = tpu.vector_load %arg10[%get3A_371, %get3A_372] {strides = array<i32>} : memref<53x24xf32, #tpu.memory_space<vmem>>, vector<16xf32>,
    %mul3A_374 = arith.mulf %broadcast_in_dim3A, %get3A_373 : vector<16xf32>
    %swap3A_375 = arith.constant 608 : index
    %swap3A_376 = tpu.vector_load %arg13[%swap3A_375] {strides = array<i32>} : memref<1333xf32, #tpu.memory_space<vmem>>, vector<16xf32>,
    tpu.vector_store %arg13[%swap3A_375], %mul3A_374 {strides = array<i32>} : memref<1333xf32, #tpu.memory_space<vmem>>, vector<16xf32>,
    %get3A_377 = arith.constant 25 : i32
    %get3A_378 = arith.index_cast %get3A_377 : i32 to index
    %get3A_379 = arith.constant 0 : index
    %get3A_380 = tpu.vector_load %arg10[%get3A_378, %get3A_379] {strides = array<i32>} : memref<53x24xf32, #tpu.memory_space<vmem>>, vector<16xf32>,
    %mul3A_381 = arith.mulf %broadcast_in_dim3A, %get3A_380 : vector<16xf32>
    %swap3A_382 = arith.constant 625 : index
    %swap3A_383 = tpu.vector_load %arg13[%swap3A_382] {strides = array<i32>} : memref<1333xf32, #tpu.memory_space<vmem>>, vector<16xf32>,
    tpu.vector_store %arg13[%swap3A_382], %mul3A_381 {strides = array<i32>} : memref<1333xf32, #tpu.memory_space<vmem>>, vector<16xf32>,
    %get3A_384 = arith.constant 25 : i32
    %get3A_385 = arith.index_cast %get3A_384 : i32 to index
    %get3A_386 = arith.constant 8 : index
    %get3A_387 = tpu.vector_load %arg10[%get3A_385, %get3A_386] {strides = array<i32>} : memref<53x24xf32, #tpu.memory_space<vmem>>, vector<16xf32>,
    %mul3A_388 = arith.mulf %broadcast_in_dim3A, %get3A_387 : vector<16xf32>
    %swap3A_389 = arith.constant 633 : index
    %swap3A_390 = tpu.vector_load %arg13[%swap3A_389] {strides = array<i32>} : memref<1333xf32, #tpu.memory_space<vmem>>, vector<16xf32>,
    tpu.vector_store %arg13[%swap3A_389], %mul3A_388 {strides = array<i32>} : memref<1333xf32, #tpu.memory_space<vmem>>, vector<16xf32>,
    %get3A_391 = arith.constant 26 : i32
    %get3A_392 = arith.index_cast %get3A_391 : i32 to index
    %get3A_393 = arith.constant 0 : index
    %get3A_394 = tpu.vector_load %arg10[%get3A_392, %get3A_393] {strides = array<i32>} : memref<53x24xf32, #tpu.memory_space<vmem>>, vector<16xf32>,
    %mul3A_395 = arith.mulf %broadcast_in_dim3A, %get3A_394 : vector<16xf32>
    %swap3A_396 = arith.constant 650 : index
    %swap3A_397 = tpu.vector_load %arg13[%swap3A_396] {strides = array<i32>} : memref<1333xf32, #tpu.memory_space<vmem>>, vector<16xf32>,
    tpu.vector_store %arg13[%swap3A_396], %mul3A_395 {strides = array<i32>} : memref<1333xf32, #tpu.memory_space<vmem>>, vector<16xf32>,
    %get3A_398 = arith.constant 26 : i32
    %get3A_399 = arith.index_cast %get3A_398 : i32 to index
    %get3A_400 = arith.constant 8 : index
    %get3A_401 = tpu.vector_load %arg10[%get3A_399, %get3A_400] {strides = array<i32>} : memref<53x24xf32, #tpu.memory_space<vmem>>, vector<16xf32>,
    %mul3A_402 = arith.mulf %broadcast_in_dim3A, %get3A_401 : vector<16xf32>
    %swap3A_403 = arith.constant 658 : index
    %swap3A_404 = tpu.vector_load %arg13[%swap3A_403] {strides = array<i32>} : memref<1333xf32, #tpu.memory_space<vmem>>, vector<16xf32>,
    tpu.vector_store %arg13[%swap3A_403], %mul3A_402 {strides = array<i32>} : memref<1333xf32, #tpu.memory_space<vmem>>, vector<16xf32>,
    %get3A_405 = arith.constant 27 : i32
    %get3A_406 = arith.index_cast %get3A_405 : i32 to index
    %get3A_407 = arith.constant 0 : index
    %get3A_408 = tpu.vector_load %arg10[%get3A_406, %get3A_407] {strides = array<i32>} : memref<53x24xf32, #tpu.memory_space<vmem>>, vector<16xf32>,
    %mul3A_409 = arith.mulf %broadcast_in_dim3A, %get3A_408 : vector<16xf32>
    %swap3A_410 = arith.constant 675 : index
    %swap3A_411 = tpu.vector_load %arg13[%swap3A_410] {strides = array<i32>} : memref<1333xf32, #tpu.memory_space<vmem>>, vector<16xf32>,
    tpu.vector_store %arg13[%swap3A_410], %mul3A_409 {strides = array<i32>} : memref<1333xf32, #tpu.memory_space<vmem>>, vector<16xf32>,
    %get3A_412 = arith.constant 27 : i32
    %get3A_413 = arith.index_cast %get3A_412 : i32 to index
    %get3A_414 = arith.constant 8 : index
    %get3A_415 = tpu.vector_load %arg10[%get3A_413, %get3A_414] {strides = array<i32>} : memref<53x24xf32, #tpu.memory_space<vmem>>, vector<16xf32>,
    %mul3A_416 = arith.mulf %broadcast_in_dim3A, %get3A_415 : vector<16xf32>
    %swap3A_417 = arith.constant 683 : index
    %swap3A_418 = tpu.vector_load %arg13[%swap3A_417] {strides = array<i32>} : memref<1333xf32, #tpu.memory_space<vmem>>, vector<16xf32>,
    tpu.vector_store %arg13[%swap3A_417], %mul3A_416 {strides = array<i32>} : memref<1333xf32, #tpu.memory_space<vmem>>, vector<16xf32>,
    %get3A_419 = arith.constant 28 : i32
    %get3A_420 = arith.index_cast %get3A_419 : i32 to index
    %get3A_421 = arith.constant 0 : index
    %get3A_422 = tpu.vector_load %arg10[%get3A_420, %get3A_421] {strides = array<i32>} : memref<53x24xf32, #tpu.memory_space<vmem>>, vector<16xf32>,
    %mul3A_423 = arith.mulf %broadcast_in_dim3A, %get3A_422 : vector<16xf32>
    %swap3A_424 = arith.constant 700 : index
    %swap3A_425 = tpu.vector_load %arg13[%swap3A_424] {strides = array<i32>} : memref<1333xf32, #tpu.memory_space<vmem>>, vector<16xf32>,
    tpu.vector_store %arg13[%swap3A_424], %mul3A_423 {strides = array<i32>} : memref<1333xf32, #tpu.memory_space<vmem>>, vector<16xf32>,
    %get3A_426 = arith.constant 28 : i32
    %get3A_427 = arith.index_cast %get3A_426 : i32 to index
    %get3A_428 = arith.constant 8 : index
    %get3A_429 = tpu.vector_load %arg10[%get3A_427, %get3A_428] {strides = array<i32>} : memref<53x24xf32, #tpu.memory_space<vmem>>, vector<16xf32>,
    %mul3A_430 = arith.mulf %broadcast_in_dim3A, %get3A_429 : vector<16xf32>
    %swap3A_431 = arith.constant 708 : index
    %swap3A_432 = tpu.vector_load %arg13[%swap3A_431] {strides = array<i32>} : memref<1333xf32, #tpu.memory_space<vmem>>, vector<16xf32>,
    tpu.vector_store %arg13[%swap3A_431], %mul3A_430 {strides = array<i32>} : memref<1333xf32, #tpu.memory_space<vmem>>, vector<16xf32>,
    %get3A_433 = arith.constant 29 : i32
    %get3A_434 = arith.index_cast %get3A_433 : i32 to index
    %get3A_435 = arith.constant 0 : index
    %get3A_436 = tpu.vector_load %arg10[%get3A_434, %get3A_435] {strides = array<i32>} : memref<53x24xf32, #tpu.memory_space<vmem>>, vector<16xf32>,
    %mul3A_437 = arith.mulf %broadcast_in_dim3A, %get3A_436 : vector<16xf32>
    %swap3A_438 = arith.constant 725 : index
    %swap3A_439 = tpu.vector_load %arg13[%swap3A_438] {strides = array<i32>} : memref<1333xf32, #tpu.memory_space<vmem>>, vector<16xf32>,
    tpu.vector_store %arg13[%swap3A_438], %mul3A_437 {strides = array<i32>} : memref<1333xf32, #tpu.memory_space<vmem>>, vector<16xf32>,
    %get3A_440 = arith.constant 29 : i32
    %get3A_441 = arith.index_cast %get3A_440 : i32 to index
    %get3A_442 = arith.constant 8 : index
    %get3A_443 = tpu.vector_load %arg10[%get3A_441, %get3A_442] {strides = array<i32>} : memref<53x24xf32, #tpu.memory_space<vmem>>, vector<16xf32>,
    %mul3A_444 = arith.mulf %broadcast_in_dim3A, %get3A_443 : vector<16xf32>
    %swap3A_445 = arith.constant 733 : index
    %swap3A_446 = tpu.vector_load %arg13[%swap3A_445] {strides = array<i32>} : memref<1333xf32, #tpu.memory_space<vmem>>, vector<16xf32>,
    tpu.vector_store %arg13[%swap3A_445], %mul3A_444 {strides = array<i32>} : memref<1333xf32, #tpu.memory_space<vmem>>, vector<16xf32>,
    %get3A_447 = arith.constant 30 : i32
    %get3A_448 = arith.index_cast %get3A_447 : i32 to index
    %get3A_449 = arith.constant 0 : index
    %get3A_450 = tpu.vector_load %arg10[%get3A_448, %get3A_449] {strides = array<i32>} : memref<53x24xf32, #tpu.memory_space<vmem>>, vector<16xf32>,
    %mul3A_451 = arith.mulf %broadcast_in_dim3A, %get3A_450 : vector<16xf32>
    %swap3A_452 = arith.constant 750 : index
    %swap3A_453 = tpu.vector_load %arg13[%swap3A_452] {strides = array<i32>} : memref<1333xf32, #tpu.memory_space<vmem>>, vector<16xf32>,
    tpu.vector_store %arg13[%swap3A_452], %mul3A_451 {strides = array<i32>} : memref<1333xf32, #tpu.memory_space<vmem>>, vector<16xf32>,
    %get3A_454 = arith.constant 30 : i32
    %get3A_455 = arith.index_cast %get3A_454 : i32 to index
    %get3A_456 = arith.constant 8 : index
    %get3A_457 = tpu.vector_load %arg10[%get3A_455, %get3A_456] {strides = array<i32>} : memref<53x24xf32, #tpu.memory_space<vmem>>, vector<16xf32>,
    %mul3A_458 = arith.mulf %broadcast_in_dim3A, %get3A_457 : vector<16xf32>
    %swap3A_459 = arith.constant 758 : index
    %swap3A_460 = tpu.vector_load %arg13[%swap3A_459] {strides = array<i32>} : memref<1333xf32, #tpu.memory_space<vmem>>, vector<16xf32>,
    tpu.vector_store %arg13[%swap3A_459], %mul3A_458 {strides = array<i32>} : memref<1333xf32, #tpu.memory_space<vmem>>, vector<16xf32>,
    %get3A_461 = arith.constant 31 : i32
    %get3A_462 = arith.index_cast %get3A_461 : i32 to index
    %get3A_463 = arith.constant 0 : index
    %get3A_464 = tpu.vector_load %arg10[%get3A_462, %get3A_463] {strides = array<i32>} : memref<53x24xf32, #tpu.memory_space<vmem>>, vector<16xf32>,
    %mul3A_465 = arith.mulf %broadcast_in_dim3A, %get3A_464 : vector<16xf32>
    %swap3A_466 = arith.constant 775 : index
    %swap3A_467 = tpu.vector_load %arg13[%swap3A_466] {strides = array<i32>} : memref<1333xf32, #tpu.memory_space<vmem>>, vector<16xf32>,
    tpu.vector_store %arg13[%swap3A_466], %mul3A_465 {strides = array<i32>} : memref<1333xf32, #tpu.memory_space<vmem>>, vector<16xf32>,
    %get3A_468 = arith.constant 31 : i32
    %get3A_469 = arith.index_cast %get3A_468 : i32 to index
    %get3A_470 = arith.constant 8 : index
    %get3A_471 = tpu.vector_load %arg10[%get3A_469, %get3A_470] {strides = array<i32>} : memref<53x24xf32, #tpu.memory_space<vmem>>, vector<16xf32>,
    %mul3A_472 = arith.mulf %broadcast_in_dim3A, %get3A_471 : vector<16xf32>
    %swap3A_473 = arith.constant 783 : index
    %swap3A_474 = tpu.vector_load %arg13[%swap3A_473] {strides = array<i32>} : memref<1333xf32, #tpu.memory_space<vmem>>, vector<16xf32>,
    tpu.vector_store %arg13[%swap3A_473], %mul3A_472 {strides = array<i32>} : memref<1333xf32, #tpu.memory_space<vmem>>, vector<16xf32>,
    %get3A_475 = arith.constant 32 : i32
    %get3A_476 = arith.index_cast %get3A_475 : i32 to index
    %get3A_477 = arith.constant 0 : index
    %get3A_478 = tpu.vector_load %arg10[%get3A_476, %get3A_477] {strides = array<i32>} : memref<53x24xf32, #tpu.memory_space<vmem>>, vector<16xf32>,
    %mul3A_479 = arith.mulf %broadcast_in_dim3A, %get3A_478 : vector<16xf32>
    %swap3A_480 = arith.constant 800 : index
    %swap3A_481 = tpu.vector_load %arg13[%swap3A_480] {strides = array<i32>} : memref<1333xf32, #tpu.memory_space<vmem>>, vector<16xf32>,
    tpu.vector_store %arg13[%swap3A_480], %mul3A_479 {strides = array<i32>} : memref<1333xf32, #tpu.memory_space<vmem>>, vector<16xf32>,
    %get3A_482 = arith.constant 32 : i32
    %get3A_483 = arith.index_cast %get3A_482 : i32 to index
    %get3A_484 = arith.constant 8 : index
    %get3A_485 = tpu.vector_load %arg10[%get3A_483, %get3A_484] {strides = array<i32>} : memref<53x24xf32, #tpu.memory_space<vmem>>, vector<16xf32>,
    %mul3A_486 = arith.mulf %broadcast_in_dim3A, %get3A_485 : vector<16xf32>
    %swap3A_487 = arith.constant 808 : index
    %swap3A_488 = tpu.vector_load %arg13[%swap3A_487] {strides = array<i32>} : memref<1333xf32, #tpu.memory_space<vmem>>, vector<16xf32>,
    tpu.vector_store %arg13[%swap3A_487], %mul3A_486 {strides = array<i32>} : memref<1333xf32, #tpu.memory_space<vmem>>, vector<16xf32>,
    %get3A_489 = arith.constant 33 : i32
    %get3A_490 = arith.index_cast %get3A_489 : i32 to index
    %get3A_491 = arith.constant 0 : index
    %get3A_492 = tpu.vector_load %arg10[%get3A_490, %get3A_491] {strides = array<i32>} : memref<53x24xf32, #tpu.memory_space<vmem>>, vector<16xf32>,
    %mul3A_493 = arith.mulf %broadcast_in_dim3A, %get3A_492 : vector<16xf32>
    %swap3A_494 = arith.constant 825 : index
    %swap3A_495 = tpu.vector_load %arg13[%swap3A_494] {strides = array<i32>} : memref<1333xf32, #tpu.memory_space<vmem>>, vector<16xf32>,
    tpu.vector_store %arg13[%swap3A_494], %mul3A_493 {strides = array<i32>} : memref<1333xf32, #tpu.memory_space<vmem>>, vector<16xf32>,
    %get3A_496 = arith.constant 33 : i32
    %get3A_497 = arith.index_cast %get3A_496 : i32 to index
    %get3A_498 = arith.constant 8 : index
    %get3A_499 = tpu.vector_load %arg10[%get3A_497, %get3A_498] {strides = array<i32>} : memref<53x24xf32, #tpu.memory_space<vmem>>, vector<16xf32>,
    %mul3A_500 = arith.mulf %broadcast_in_dim3A, %get3A_499 : vector<16xf32>
    %swap3A_501 = arith.constant 833 : index
    %swap3A_502 = tpu.vector_load %arg13[%swap3A_501] {strides = array<i32>} : memref<1333xf32, #tpu.memory_space<vmem>>, vector<16xf32>,
    tpu.vector_store %arg13[%swap3A_501], %mul3A_500 {strides = array<i32>} : memref<1333xf32, #tpu.memory_space<vmem>>, vector<16xf32>,
    %get3A_503 = arith.constant 34 : i32
    %get3A_504 = arith.index_cast %get3A_503 : i32 to index
    %get3A_505 = arith.constant 0 : index
    %get3A_506 = tpu.vector_load %arg10[%get3A_504, %get3A_505] {strides = array<i32>} : memref<53x24xf32, #tpu.memory_space<vmem>>, vector<16xf32>,
    %mul3A_507 = arith.mulf %broadcast_in_dim3A, %get3A_506 : vector<16xf32>
    %swap3A_508 = arith.constant 850 : index
    %swap3A_509 = tpu.vector_load %arg13[%swap3A_508] {strides = array<i32>} : memref<1333xf32, #tpu.memory_space<vmem>>, vector<16xf32>,
    tpu.vector_store %arg13[%swap3A_508], %mul3A_507 {strides = array<i32>} : memref<1333xf32, #tpu.memory_space<vmem>>, vector<16xf32>,
    %get3A_510 = arith.constant 34 : i32
    %get3A_511 = arith.index_cast %get3A_510 : i32 to index
    %get3A_512 = arith.constant 8 : index
    %get3A_513 = tpu.vector_load %arg10[%get3A_511, %get3A_512] {strides = array<i32>} : memref<53x24xf32, #tpu.memory_space<vmem>>, vector<16xf32>,
    %mul3A_514 = arith.mulf %broadcast_in_dim3A, %get3A_513 : vector<16xf32>
    %swap3A_515 = arith.constant 858 : index
    %swap3A_516 = tpu.vector_load %arg13[%swap3A_515] {strides = array<i32>} : memref<1333xf32, #tpu.memory_space<vmem>>, vector<16xf32>,
    tpu.vector_store %arg13[%swap3A_515], %mul3A_514 {strides = array<i32>} : memref<1333xf32, #tpu.memory_space<vmem>>, vector<16xf32>,
    %get3A_517 = arith.constant 35 : i32
    %get3A_518 = arith.index_cast %get3A_517 : i32 to index
    %get3A_519 = arith.constant 0 : index
    %get3A_520 = tpu.vector_load %arg10[%get3A_518, %get3A_519] {strides = array<i32>} : memref<53x24xf32, #tpu.memory_space<vmem>>, vector<16xf32>,
    %mul3A_521 = arith.mulf %broadcast_in_dim3A, %get3A_520 : vector<16xf32>
    %swap3A_522 = arith.constant 875 : index
    %swap3A_523 = tpu.vector_load %arg13[%swap3A_522] {strides = array<i32>} : memref<1333xf32, #tpu.memory_space<vmem>>, vector<16xf32>,
    tpu.vector_store %arg13[%swap3A_522], %mul3A_521 {strides = array<i32>} : memref<1333xf32, #tpu.memory_space<vmem>>, vector<16xf32>,
    %get3A_524 = arith.constant 35 : i32
    %get3A_525 = arith.index_cast %get3A_524 : i32 to index
    %get3A_526 = arith.constant 8 : index
    %get3A_527 = tpu.vector_load %arg10[%get3A_525, %get3A_526] {strides = array<i32>} : memref<53x24xf32, #tpu.memory_space<vmem>>, vector<16xf32>,
    %mul3A_528 = arith.mulf %broadcast_in_dim3A, %get3A_527 : vector<16xf32>
    %swap3A_529 = arith.constant 883 : index
    %swap3A_530 = tpu.vector_load %arg13[%swap3A_529] {strides = array<i32>} : memref<1333xf32, #tpu.memory_space<vmem>>, vector<16xf32>,
    tpu.vector_store %arg13[%swap3A_529], %mul3A_528 {strides = array<i32>} : memref<1333xf32, #tpu.memory_space<vmem>>, vector<16xf32>,
    %get3A_531 = arith.constant 36 : i32
    %get3A_532 = arith.index_cast %get3A_531 : i32 to index
    %get3A_533 = arith.constant 0 : index
    %get3A_534 = tpu.vector_load %arg10[%get3A_532, %get3A_533] {strides = array<i32>} : memref<53x24xf32, #tpu.memory_space<vmem>>, vector<16xf32>,
    %mul3A_535 = arith.mulf %broadcast_in_dim3A, %get3A_534 : vector<16xf32>
    %swap3A_536 = arith.constant 900 : index
    %swap3A_537 = tpu.vector_load %arg13[%swap3A_536] {strides = array<i32>} : memref<1333xf32, #tpu.memory_space<vmem>>, vector<16xf32>,
    tpu.vector_store %arg13[%swap3A_536], %mul3A_535 {strides = array<i32>} : memref<1333xf32, #tpu.memory_space<vmem>>, vector<16xf32>,
    %get3A_538 = arith.constant 36 : i32
    %get3A_539 = arith.index_cast %get3A_538 : i32 to index
    %get3A_540 = arith.constant 8 : index
    %get3A_541 = tpu.vector_load %arg10[%get3A_539, %get3A_540] {strides = array<i32>} : memref<53x24xf32, #tpu.memory_space<vmem>>, vector<16xf32>,
    %mul3A_542 = arith.mulf %broadcast_in_dim3A, %get3A_541 : vector<16xf32>
    %swap3A_543 = arith.constant 908 : index
    %swap3A_544 = tpu.vector_load %arg13[%swap3A_543] {strides = array<i32>} : memref<1333xf32, #tpu.memory_space<vmem>>, vector<16xf32>,
    tpu.vector_store %arg13[%swap3A_543], %mul3A_542 {strides = array<i32>} : memref<1333xf32, #tpu.memory_space<vmem>>, vector<16xf32>,
    %get3A_545 = arith.constant 37 : i32
    %get3A_546 = arith.index_cast %get3A_545 : i32 to index
    %get3A_547 = arith.constant 0 : index
    %get3A_548 = tpu.vector_load %arg10[%get3A_546, %get3A_547] {strides = array<i32>} : memref<53x24xf32, #tpu.memory_space<vmem>>, vector<16xf32>,
    %mul3A_549 = arith.mulf %broadcast_in_dim3A, %get3A_548 : vector<16xf32>
    %swap3A_550 = arith.constant 925 : index
    %swap3A_551 = tpu.vector_load %arg13[%swap3A_550] {strides = array<i32>} : memref<1333xf32, #tpu.memory_space<vmem>>, vector<16xf32>,
    tpu.vector_store %arg13[%swap3A_550], %mul3A_549 {strides = array<i32>} : memref<1333xf32, #tpu.memory_space<vmem>>, vector<16xf32>,
    %get3A_552 = arith.constant 37 : i32
    %get3A_553 = arith.index_cast %get3A_552 : i32 to index
    %get3A_554 = arith.constant 8 : index
    %get3A_555 = tpu.vector_load %arg10[%get3A_553, %get3A_554] {strides = array<i32>} : memref<53x24xf32, #tpu.memory_space<vmem>>, vector<16xf32>,
    %mul3A_556 = arith.mulf %broadcast_in_dim3A, %get3A_555 : vector<16xf32>
    %swap3A_557 = arith.constant 933 : index
    %swap3A_558 = tpu.vector_load %arg13[%swap3A_557] {strides = array<i32>} : memref<1333xf32, #tpu.memory_space<vmem>>, vector<16xf32>,
    tpu.vector_store %arg13[%swap3A_557], %mul3A_556 {strides = array<i32>} : memref<1333xf32, #tpu.memory_space<vmem>>, vector<16xf32>,
    %get3A_559 = arith.constant 38 : i32
    %get3A_560 = arith.index_cast %get3A_559 : i32 to index
    %get3A_561 = arith.constant 0 : index
    %get3A_562 = tpu.vector_load %arg10[%get3A_560, %get3A_561] {strides = array<i32>} : memref<53x24xf32, #tpu.memory_space<vmem>>, vector<16xf32>,
    %mul3A_563 = arith.mulf %broadcast_in_dim3A, %get3A_562 : vector<16xf32>
    %swap3A_564 = arith.constant 950 : index
    %swap3A_565 = tpu.vector_load %arg13[%swap3A_564] {strides = array<i32>} : memref<1333xf32, #tpu.memory_space<vmem>>, vector<16xf32>,
    tpu.vector_store %arg13[%swap3A_564], %mul3A_563 {strides = array<i32>} : memref<1333xf32, #tpu.memory_space<vmem>>, vector<16xf32>,
    %get3A_566 = arith.constant 38 : i32
    %get3A_567 = arith.index_cast %get3A_566 : i32 to index
    %get3A_568 = arith.constant 8 : index
    %get3A_569 = tpu.vector_load %arg10[%get3A_567, %get3A_568] {strides = array<i32>} : memref<53x24xf32, #tpu.memory_space<vmem>>, vector<16xf32>,
    %mul3A_570 = arith.mulf %broadcast_in_dim3A, %get3A_569 : vector<16xf32>
    %swap3A_571 = arith.constant 958 : index
    %swap3A_572 = tpu.vector_load %arg13[%swap3A_571] {strides = array<i32>} : memref<1333xf32, #tpu.memory_space<vmem>>, vector<16xf32>,
    tpu.vector_store %arg13[%swap3A_571], %mul3A_570 {strides = array<i32>} : memref<1333xf32, #tpu.memory_space<vmem>>, vector<16xf32>,
    %get3A_573 = arith.constant 39 : i32
    %get3A_574 = arith.index_cast %get3A_573 : i32 to index
    %get3A_575 = arith.constant 0 : index
    %get3A_576 = tpu.vector_load %arg10[%get3A_574, %get3A_575] {strides = array<i32>} : memref<53x24xf32, #tpu.memory_space<vmem>>, vector<16xf32>,
    %mul3A_577 = arith.mulf %broadcast_in_dim3A, %get3A_576 : vector<16xf32>
    %swap3A_578 = arith.constant 975 : index
    %swap3A_579 = tpu.vector_load %arg13[%swap3A_578] {strides = array<i32>} : memref<1333xf32, #tpu.memory_space<vmem>>, vector<16xf32>,
    tpu.vector_store %arg13[%swap3A_578], %mul3A_577 {strides = array<i32>} : memref<1333xf32, #tpu.memory_space<vmem>>, vector<16xf32>,
    %get3A_580 = arith.constant 39 : i32
    %get3A_581 = arith.index_cast %get3A_580 : i32 to index
    %get3A_582 = arith.constant 8 : index
    %get3A_583 = tpu.vector_load %arg10[%get3A_581, %get3A_582] {strides = array<i32>} : memref<53x24xf32, #tpu.memory_space<vmem>>, vector<16xf32>,
    %mul3A_584 = arith.mulf %broadcast_in_dim3A, %get3A_583 : vector<16xf32>
    %swap3A_585 = arith.constant 983 : index
    %swap3A_586 = tpu.vector_load %arg13[%swap3A_585] {strides = array<i32>} : memref<1333xf32, #tpu.memory_space<vmem>>, vector<16xf32>,
    tpu.vector_store %arg13[%swap3A_585], %mul3A_584 {strides = array<i32>} : memref<1333xf32, #tpu.memory_space<vmem>>, vector<16xf32>,
    %get3A_587 = arith.constant 40 : i32
    %get3A_588 = arith.index_cast %get3A_587 : i32 to index
    %get3A_589 = arith.constant 0 : index
    %get3A_590 = tpu.vector_load %arg10[%get3A_588, %get3A_589] {strides = array<i32>} : memref<53x24xf32, #tpu.memory_space<vmem>>, vector<16xf32>,
    %mul3A_591 = arith.mulf %broadcast_in_dim3A, %get3A_590 : vector<16xf32>
    %swap3A_592 = arith.constant 1000 : index
    %swap3A_593 = tpu.vector_load %arg13[%swap3A_592] {strides = array<i32>} : memref<1333xf32, #tpu.memory_space<vmem>>, vector<16xf32>,
    tpu.vector_store %arg13[%swap3A_592], %mul3A_591 {strides = array<i32>} : memref<1333xf32, #tpu.memory_space<vmem>>, vector<16xf32>,
    %get3A_594 = arith.constant 40 : i32
    %get3A_595 = arith.index_cast %get3A_594 : i32 to index
    %get3A_596 = arith.constant 8 : index
    %get3A_597 = tpu.vector_load %arg10[%get3A_595, %get3A_596] {strides = array<i32>} : memref<53x24xf32, #tpu.memory_space<vmem>>, vector<16xf32>,
    %mul3A_598 = arith.mulf %broadcast_in_dim3A, %get3A_597 : vector<16xf32>
    %swap3A_599 = arith.constant 1008 : index
    %swap3A_600 = tpu.vector_load %arg13[%swap3A_599] {strides = array<i32>} : memref<1333xf32, #tpu.memory_space<vmem>>, vector<16xf32>,
    tpu.vector_store %arg13[%swap3A_599], %mul3A_598 {strides = array<i32>} : memref<1333xf32, #tpu.memory_space<vmem>>, vector<16xf32>,
    %get3A_601 = arith.constant 41 : i32
    %get3A_602 = arith.index_cast %get3A_601 : i32 to index
    %get3A_603 = arith.constant 0 : index
    %get3A_604 = tpu.vector_load %arg10[%get3A_602, %get3A_603] {strides = array<i32>} : memref<53x24xf32, #tpu.memory_space<vmem>>, vector<16xf32>,
    %mul3A_605 = arith.mulf %broadcast_in_dim3A, %get3A_604 : vector<16xf32>
    %swap3A_606 = arith.constant 1025 : index
    %swap3A_607 = tpu.vector_load %arg13[%swap3A_606] {strides = array<i32>} : memref<1333xf32, #tpu.memory_space<vmem>>, vector<16xf32>,
    tpu.vector_store %arg13[%swap3A_606], %mul3A_605 {strides = array<i32>} : memref<1333xf32, #tpu.memory_space<vmem>>, vector<16xf32>,
    %get3A_608 = arith.constant 41 : i32
    %get3A_609 = arith.index_cast %get3A_608 : i32 to index
    %get3A_610 = arith.constant 8 : index
    %get3A_611 = tpu.vector_load %arg10[%get3A_609, %get3A_610] {strides = array<i32>} : memref<53x24xf32, #tpu.memory_space<vmem>>, vector<16xf32>,
    %mul3A_612 = arith.mulf %broadcast_in_dim3A, %get3A_611 : vector<16xf32>
    %swap3A_613 = arith.constant 1033 : index
    %swap3A_614 = tpu.vector_load %arg13[%swap3A_613] {strides = array<i32>} : memref<1333xf32, #tpu.memory_space<vmem>>, vector<16xf32>,
    tpu.vector_store %arg13[%swap3A_613], %mul3A_612 {strides = array<i32>} : memref<1333xf32, #tpu.memory_space<vmem>>, vector<16xf32>,
    %get3A_615 = arith.constant 42 : i32
    %get3A_616 = arith.index_cast %get3A_615 : i32 to index
    %get3A_617 = arith.constant 0 : index
    %get3A_618 = tpu.vector_load %arg10[%get3A_616, %get3A_617] {strides = array<i32>} : memref<53x24xf32, #tpu.memory_space<vmem>>, vector<16xf32>,
    %mul3A_619 = arith.mulf %broadcast_in_dim3A, %get3A_618 : vector<16xf32>
    %swap3A_620 = arith.constant 1050 : index
    %swap3A_621 = tpu.vector_load %arg13[%swap3A_620] {strides = array<i32>} : memref<1333xf32, #tpu.memory_space<vmem>>, vector<16xf32>,
    tpu.vector_store %arg13[%swap3A_620], %mul3A_619 {strides = array<i32>} : memref<1333xf32, #tpu.memory_space<vmem>>, vector<16xf32>,
    %get3A_622 = arith.constant 42 : i32
    %get3A_623 = arith.index_cast %get3A_622 : i32 to index
    %get3A_624 = arith.constant 8 : index
    %get3A_625 = tpu.vector_load %arg10[%get3A_623, %get3A_624] {strides = array<i32>} : memref<53x24xf32, #tpu.memory_space<vmem>>, vector<16xf32>,
    %mul3A_626 = arith.mulf %broadcast_in_dim3A, %get3A_625 : vector<16xf32>
    %swap3A_627 = arith.constant 1058 : index
    %swap3A_628 = tpu.vector_load %arg13[%swap3A_627] {strides = array<i32>} : memref<1333xf32, #tpu.memory_space<vmem>>, vector<16xf32>,
    tpu.vector_store %arg13[%swap3A_627], %mul3A_626 {strides = array<i32>} : memref<1333xf32, #tpu.memory_space<vmem>>, vector<16xf32>,
    %get3A_629 = arith.constant 43 : i32
    %get3A_630 = arith.index_cast %get3A_629 : i32 to index
    %get3A_631 = arith.constant 0 : index
    %get3A_632 = tpu.vector_load %arg10[%get3A_630, %get3A_631] {strides = array<i32>} : memref<53x24xf32, #tpu.memory_space<vmem>>, vector<16xf32>,
    %mul3A_633 = arith.mulf %broadcast_in_dim3A, %get3A_632 : vector<16xf32>
    %swap3A_634 = arith.constant 1075 : index
    %swap3A_635 = tpu.vector_load %arg13[%swap3A_634] {strides = array<i32>} : memref<1333xf32, #tpu.memory_space<vmem>>, vector<16xf32>,
    tpu.vector_store %arg13[%swap3A_634], %mul3A_633 {strides = array<i32>} : memref<1333xf32, #tpu.memory_space<vmem>>, vector<16xf32>,
    %get3A_636 = arith.constant 43 : i32
    %get3A_637 = arith.index_cast %get3A_636 : i32 to index
    %get3A_638 = arith.constant 8 : index
    %get3A_639 = tpu.vector_load %arg10[%get3A_637, %get3A_638] {strides = array<i32>} : memref<53x24xf32, #tpu.memory_space<vmem>>, vector<16xf32>,
    %mul3A_640 = arith.mulf %broadcast_in_dim3A, %get3A_639 : vector<16xf32>
    %swap3A_641 = arith.constant 1083 : index
    %swap3A_642 = tpu.vector_load %arg13[%swap3A_641] {strides = array<i32>} : memref<1333xf32, #tpu.memory_space<vmem>>, vector<16xf32>,
    tpu.vector_store %arg13[%swap3A_641], %mul3A_640 {strides = array<i32>} : memref<1333xf32, #tpu.memory_space<vmem>>, vector<16xf32>,
    %get3A_643 = arith.constant 44 : i32
    %get3A_644 = arith.index_cast %get3A_643 : i32 to index
    %get3A_645 = arith.constant 0 : index
    %get3A_646 = tpu.vector_load %arg10[%get3A_644, %get3A_645] {strides = array<i32>} : memref<53x24xf32, #tpu.memory_space<vmem>>, vector<16xf32>,
    %mul3A_647 = arith.mulf %broadcast_in_dim3A, %get3A_646 : vector<16xf32>
    %swap3A_648 = arith.constant 1100 : index
    %swap3A_649 = tpu.vector_load %arg13[%swap3A_648] {strides = array<i32>} : memref<1333xf32, #tpu.memory_space<vmem>>, vector<16xf32>,
    tpu.vector_store %arg13[%swap3A_648], %mul3A_647 {strides = array<i32>} : memref<1333xf32, #tpu.memory_space<vmem>>, vector<16xf32>,
    %get3A_650 = arith.constant 44 : i32
    %get3A_651 = arith.index_cast %get3A_650 : i32 to index
    %get3A_652 = arith.constant 8 : index
    %get3A_653 = tpu.vector_load %arg10[%get3A_651, %get3A_652] {strides = array<i32>} : memref<53x24xf32, #tpu.memory_space<vmem>>, vector<16xf32>,
    %mul3A_654 = arith.mulf %broadcast_in_dim3A, %get3A_653 : vector<16xf32>
    %swap3A_655 = arith.constant 1108 : index
    %swap3A_656 = tpu.vector_load %arg13[%swap3A_655] {strides = array<i32>} : memref<1333xf32, #tpu.memory_space<vmem>>, vector<16xf32>,
    tpu.vector_store %arg13[%swap3A_655], %mul3A_654 {strides = array<i32>} : memref<1333xf32, #tpu.memory_space<vmem>>, vector<16xf32>,
    %get3A_657 = arith.constant 45 : i32
    %get3A_658 = arith.index_cast %get3A_657 : i32 to index
    %get3A_659 = arith.constant 0 : index
    %get3A_660 = tpu.vector_load %arg10[%get3A_658, %get3A_659] {strides = array<i32>} : memref<53x24xf32, #tpu.memory_space<vmem>>, vector<16xf32>,
    %mul3A_661 = arith.mulf %broadcast_in_dim3A, %get3A_660 : vector<16xf32>
    %swap3A_662 = arith.constant 1125 : index
    %swap3A_663 = tpu.vector_load %arg13[%swap3A_662] {strides = array<i32>} : memref<1333xf32, #tpu.memory_space<vmem>>, vector<16xf32>,
    tpu.vector_store %arg13[%swap3A_662], %mul3A_661 {strides = array<i32>} : memref<1333xf32, #tpu.memory_space<vmem>>, vector<16xf32>,
    %get3A_664 = arith.constant 45 : i32
    %get3A_665 = arith.index_cast %get3A_664 : i32 to index
    %get3A_666 = arith.constant 8 : index
    %get3A_667 = tpu.vector_load %arg10[%get3A_665, %get3A_666] {strides = array<i32>} : memref<53x24xf32, #tpu.memory_space<vmem>>, vector<16xf32>,
    %mul3A_668 = arith.mulf %broadcast_in_dim3A, %get3A_667 : vector<16xf32>
    %swap3A_669 = arith.constant 1133 : index
    %swap3A_670 = tpu.vector_load %arg13[%swap3A_669] {strides = array<i32>} : memref<1333xf32, #tpu.memory_space<vmem>>, vector<16xf32>,
    tpu.vector_store %arg13[%swap3A_669], %mul3A_668 {strides = array<i32>} : memref<1333xf32, #tpu.memory_space<vmem>>, vector<16xf32>,
    %get3A_671 = arith.constant 46 : i32
    %get3A_672 = arith.index_cast %get3A_671 : i32 to index
    %get3A_673 = arith.constant 0 : index
    %get3A_674 = tpu.vector_load %arg10[%get3A_672, %get3A_673] {strides = array<i32>} : memref<53x24xf32, #tpu.memory_space<vmem>>, vector<16xf32>,
    %mul3A_675 = arith.mulf %broadcast_in_dim3A, %get3A_674 : vector<16xf32>
    %swap3A_676 = arith.constant 1150 : index
    %swap3A_677 = tpu.vector_load %arg13[%swap3A_676] {strides = array<i32>} : memref<1333xf32, #tpu.memory_space<vmem>>, vector<16xf32>,
    tpu.vector_store %arg13[%swap3A_676], %mul3A_675 {strides = array<i32>} : memref<1333xf32, #tpu.memory_space<vmem>>, vector<16xf32>,
    %get3A_678 = arith.constant 46 : i32
    %get3A_679 = arith.index_cast %get3A_678 : i32 to index
    %get3A_680 = arith.constant 8 : index
    %get3A_681 = tpu.vector_load %arg10[%get3A_679, %get3A_680] {strides = array<i32>} : memref<53x24xf32, #tpu.memory_space<vmem>>, vector<16xf32>,
    %mul3A_682 = arith.mulf %broadcast_in_dim3A, %get3A_681 : vector<16xf32>
    %swap3A_683 = arith.constant 1158 : index
    %swap3A_684 = tpu.vector_load %arg13[%swap3A_683] {strides = array<i32>} : memref<1333xf32, #tpu.memory_space<vmem>>, vector<16xf32>,
    tpu.vector_store %arg13[%swap3A_683], %mul3A_682 {strides = array<i32>} : memref<1333xf32, #tpu.memory_space<vmem>>, vector<16xf32>,
    %get3A_685 = arith.constant 47 : i32
    %get3A_686 = arith.index_cast %get3A_685 : i32 to index
    %get3A_687 = arith.constant 0 : index
    %get3A_688 = tpu.vector_load %arg10[%get3A_686, %get3A_687] {strides = array<i32>} : memref<53x24xf32, #tpu.memory_space<vmem>>, vector<16xf32>,
    %mul3A_689 = arith.mulf %broadcast_in_dim3A, %get3A_688 : vector<16xf32>
    %swap3A_690 = arith.constant 1175 : index
    %swap3A_691 = tpu.vector_load %arg13[%swap3A_690] {strides = array<i32>} : memref<1333xf32, #tpu.memory_space<vmem>>, vector<16xf32>,
    tpu.vector_store %arg13[%swap3A_690], %mul3A_689 {strides = array<i32>} : memref<1333xf32, #tpu.memory_space<vmem>>, vector<16xf32>,
    %get3A_692 = arith.constant 47 : i32
    %get3A_693 = arith.index_cast %get3A_692 : i32 to index
    %get3A_694 = arith.constant 8 : index
    %get3A_695 = tpu.vector_load %arg10[%get3A_693, %get3A_694] {strides = array<i32>} : memref<53x24xf32, #tpu.memory_space<vmem>>, vector<16xf32>,
    %mul3A_696 = arith.mulf %broadcast_in_dim3A, %get3A_695 : vector<16xf32>
    %swap3A_697 = arith.constant 1183 : index
    %swap3A_698 = tpu.vector_load %arg13[%swap3A_697] {strides = array<i32>} : memref<1333xf32, #tpu.memory_space<vmem>>, vector<16xf32>,
    tpu.vector_store %arg13[%swap3A_697], %mul3A_696 {strides = array<i32>} : memref<1333xf32, #tpu.memory_space<vmem>>, vector<16xf32>,
    %get3A_699 = arith.constant 48 : i32
    %get3A_700 = arith.index_cast %get3A_699 : i32 to index
    %get3A_701 = arith.constant 0 : index
    %get3A_702 = tpu.vector_load %arg10[%get3A_700, %get3A_701] {strides = array<i32>} : memref<53x24xf32, #tpu.memory_space<vmem>>, vector<16xf32>,
    %mul3A_703 = arith.mulf %broadcast_in_dim3A, %get3A_702 : vector<16xf32>
    %swap3A_704 = arith.constant 1200 : index
    %swap3A_705 = tpu.vector_load %arg13[%swap3A_704] {strides = array<i32>} : memref<1333xf32, #tpu.memory_space<vmem>>, vector<16xf32>,
    tpu.vector_store %arg13[%swap3A_704], %mul3A_703 {strides = array<i32>} : memref<1333xf32, #tpu.memory_space<vmem>>, vector<16xf32>,
    %get3A_706 = arith.constant 48 : i32
    %get3A_707 = arith.index_cast %get3A_706 : i32 to index
    %get3A_708 = arith.constant 8 : index
    %get3A_709 = tpu.vector_load %arg10[%get3A_707, %get3A_708] {strides = array<i32>} : memref<53x24xf32, #tpu.memory_space<vmem>>, vector<16xf32>,
    %mul3A_710 = arith.mulf %broadcast_in_dim3A, %get3A_709 : vector<16xf32>
    %swap3A_711 = arith.constant 1208 : index
    %swap3A_712 = tpu.vector_load %arg13[%swap3A_711] {strides = array<i32>} : memref<1333xf32, #tpu.memory_space<vmem>>, vector<16xf32>,
    tpu.vector_store %arg13[%swap3A_711], %mul3A_710 {strides = array<i32>} : memref<1333xf32, #tpu.memory_space<vmem>>, vector<16xf32>,
    %get3A_713 = arith.constant 49 : i32
    %get3A_714 = arith.index_cast %get3A_713 : i32 to index
    %get3A_715 = arith.constant 0 : index
    %get3A_716 = tpu.vector_load %arg10[%get3A_714, %get3A_715] {strides = array<i32>} : memref<53x24xf32, #tpu.memory_space<vmem>>, vector<16xf32>,
    %mul3A_717 = arith.mulf %broadcast_in_dim3A, %get3A_716 : vector<16xf32>
    %swap3A_718 = arith.constant 1225 : index
    %swap3A_719 = tpu.vector_load %arg13[%swap3A_718] {strides = array<i32>} : memref<1333xf32, #tpu.memory_space<vmem>>, vector<16xf32>,
    tpu.vector_store %arg13[%swap3A_718], %mul3A_717 {strides = array<i32>} : memref<1333xf32, #tpu.memory_space<vmem>>, vector<16xf32>,
    %get3A_720 = arith.constant 49 : i32
    %get3A_721 = arith.index_cast %get3A_720 : i32 to index
    %get3A_722 = arith.constant 8 : index
    %get3A_723 = tpu.vector_load %arg10[%get3A_721, %get3A_722] {strides = array<i32>} : memref<53x24xf32, #tpu.memory_space<vmem>>, vector<16xf32>,
    %mul3A_724 = arith.mulf %broadcast_in_dim3A, %get3A_723 : vector<16xf32>
    %swap3A_725 = arith.constant 1233 : index
    %swap3A_726 = tpu.vector_load %arg13[%swap3A_725] {strides = array<i32>} : memref<1333xf32, #tpu.memory_space<vmem>>, vector<16xf32>,
    tpu.vector_store %arg13[%swap3A_725], %mul3A_724 {strides = array<i32>} : memref<1333xf32, #tpu.memory_space<vmem>>, vector<16xf32>,
    %get3A_727 = arith.constant 50 : i32
    %get3A_728 = arith.index_cast %get3A_727 : i32 to index
    %get3A_729 = arith.constant 0 : index
    %get3A_730 = tpu.vector_load %arg10[%get3A_728, %get3A_729] {strides = array<i32>} : memref<53x24xf32, #tpu.memory_space<vmem>>, vector<16xf32>,
    %mul3A_731 = arith.mulf %broadcast_in_dim3A, %get3A_730 : vector<16xf32>
    %swap3A_732 = arith.constant 1250 : index
    %swap3A_733 = tpu.vector_load %arg13[%swap3A_732] {strides = array<i32>} : memref<1333xf32, #tpu.memory_space<vmem>>, vector<16xf32>,
    tpu.vector_store %arg13[%swap3A_732], %mul3A_731 {strides = array<i32>} : memref<1333xf32, #tpu.memory_space<vmem>>, vector<16xf32>,
    %get3A_734 = arith.constant 50 : i32
    %get3A_735 = arith.index_cast %get3A_734 : i32 to index
    %get3A_736 = arith.constant 8 : index
    %get3A_737 = tpu.vector_load %arg10[%get3A_735, %get3A_736] {strides = array<i32>} : memref<53x24xf32, #tpu.memory_space<vmem>>, vector<16xf32>,
    %mul3A_738 = arith.mulf %broadcast_in_dim3A, %get3A_737 : vector<16xf32>
    %swap3A_739 = arith.constant 1258 : index
    %swap3A_740 = tpu.vector_load %arg13[%swap3A_739] {strides = array<i32>} : memref<1333xf32, #tpu.memory_space<vmem>>, vector<16xf32>,
    tpu.vector_store %arg13[%swap3A_739], %mul3A_738 {strides = array<i32>} : memref<1333xf32, #tpu.memory_space<vmem>>, vector<16xf32>,
    %get3A_741 = arith.constant 51 : i32
    %get3A_742 = arith.index_cast %get3A_741 : i32 to index
    %get3A_743 = arith.constant 0 : index
    %get3A_744 = tpu.vector_load %arg10[%get3A_742, %get3A_743] {strides = array<i32>} : memref<53x24xf32, #tpu.memory_space<vmem>>, vector<16xf32>,
    %mul3A_745 = arith.mulf %broadcast_in_dim3A, %get3A_744 : vector<16xf32>
    %swap3A_746 = arith.constant 1275 : index
    %swap3A_747 = tpu.vector_load %arg13[%swap3A_746] {strides = array<i32>} : memref<1333xf32, #tpu.memory_space<vmem>>, vector<16xf32>,
    tpu.vector_store %arg13[%swap3A_746], %mul3A_745 {strides = array<i32>} : memref<1333xf32, #tpu.memory_space<vmem>>, vector<16xf32>,
    %get3A_748 = arith.constant 51 : i32
    %get3A_749 = arith.index_cast %get3A_748 : i32 to index
    %get3A_750 = arith.constant 8 : index
    %get3A_751 = tpu.vector_load %arg10[%get3A_749, %get3A_750] {strides = array<i32>} : memref<53x24xf32, #tpu.memory_space<vmem>>, vector<16xf32>,
    %mul3A_752 = arith.mulf %broadcast_in_dim3A, %get3A_751 : vector<16xf32>
    %swap3A_753 = arith.constant 1283 : index
    %swap3A_754 = tpu.vector_load %arg13[%swap3A_753] {strides = array<i32>} : memref<1333xf32, #tpu.memory_space<vmem>>, vector<16xf32>,
    tpu.vector_store %arg13[%swap3A_753], %mul3A_752 {strides = array<i32>} : memref<1333xf32, #tpu.memory_space<vmem>>, vector<16xf32>,
    %get3A_755 = arith.constant 52 : i32
    %get3A_756 = arith.index_cast %get3A_755 : i32 to index
    %get3A_757 = arith.constant 0 : index
    %get3A_758 = tpu.vector_load %arg10[%get3A_756, %get3A_757] {strides = array<i32>} : memref<53x24xf32, #tpu.memory_space<vmem>>, vector<16xf32>,
    %mul3A_759 = arith.mulf %broadcast_in_dim3A, %get3A_758 : vector<16xf32>
    %swap3A_760 = arith.constant 1300 : index
    %swap3A_761 = tpu.vector_load %arg13[%swap3A_760] {strides = array<i32>} : memref<1333xf32, #tpu.memory_space<vmem>>, vector<16xf32>,
    tpu.vector_store %arg13[%swap3A_760], %mul3A_759 {strides = array<i32>} : memref<1333xf32, #tpu.memory_space<vmem>>, vector<16xf32>,
    %get3A_762 = arith.constant 52 : i32
    %get3A_763 = arith.index_cast %get3A_762 : i32 to index
    %get3A_764 = arith.constant 8 : index
    %get3A_765 = tpu.vector_load %arg10[%get3A_763, %get3A_764] {strides = array<i32>} : memref<53x24xf32, #tpu.memory_space<vmem>>, vector<16xf32>,
    %mul3A_766 = arith.mulf %broadcast_in_dim3A, %get3A_765 : vector<16xf32>
    %swap3A_767 = arith.constant 1308 : index
    %swap3A_768 = tpu.vector_load %arg13[%swap3A_767] {strides = array<i32>} : memref<1333xf32, #tpu.memory_space<vmem>>, vector<16xf32>,
    tpu.vector_store %arg13[%swap3A_767], %mul3A_766 {strides = array<i32>} : memref<1333xf32, #tpu.memory_space<vmem>>, vector<16xf32>,
    %get3A_769 = arith.constant 0 : i32
    %get3A_770 = arith.index_cast %get3A_769 : i32 to index
    %get3A_771 = arith.constant 0 : index
    %get3A_772 = tpu.vector_load %arg11[%get3A_770, %get3A_771] {strides = array<i32>} : memref<7x24xf32, #tpu.memory_space<vmem>>, vector<16xf32>,
    %mul3A_773 = arith.mulf %broadcast_in_dim3A_24, %get3A_772 : vector<16xf32>
    %get3A_774 = arith.constant 0 : i32
    %get3A_775 = arith.index_cast %get3A_774 : i32 to index
    %get3A_776 = arith.constant 0 : index
    %get3A_777 = tpu.vector_load %arg12[%get3A_775, %get3A_776] {strides = array<i32>} : memref<2x24xf32, #tpu.memory_space<vmem>>, vector<16xf32>,
    %mul3A_778 = arith.mulf %broadcast_in_dim3A_27, %get3A_777 : vector<16xf32>
    %add3A_779 = arith.addf %mul3A_773, %mul3A_778 : vector<16xf32>
    %swap3A_780 = arith.constant 0 : index
    %swap3A_781 = tpu.vector_load %arg14[%swap3A_780] {strides = array<i32>} : memref<358xf32, #tpu.memory_space<vmem>>, vector<16xf32>,
    tpu.vector_store %arg14[%swap3A_780], %add3A_779 {strides = array<i32>} : memref<358xf32, #tpu.memory_space<vmem>>, vector<16xf32>,
    %get3A_782 = arith.constant 0 : i32
    %get3A_783 = arith.index_cast %get3A_782 : i32 to index
    %get3A_784 = arith.constant 8 : index
    %get3A_785 = tpu.vector_load %arg11[%get3A_783, %get3A_784] {strides = array<i32>} : memref<7x24xf32, #tpu.memory_space<vmem>>, vector<16xf32>,
    %mul3A_786 = arith.mulf %broadcast_in_dim3A_24, %get3A_785 : vector<16xf32>
    %get3A_787 = arith.constant 0 : i32
    %get3A_788 = arith.index_cast %get3A_787 : i32 to index
    %get3A_789 = arith.constant 8 : index
    %get3A_790 = tpu.vector_load %arg12[%get3A_788, %get3A_789] {strides = array<i32>} : memref<2x24xf32, #tpu.memory_space<vmem>>, vector<16xf32>,
    %mul3A_791 = arith.mulf %broadcast_in_dim3A_27, %get3A_790 : vector<16xf32>
    %add3A_792 = arith.addf %mul3A_786, %mul3A_791 : vector<16xf32>
    %swap3A_793 = arith.constant 8 : index
    %swap3A_794 = tpu.vector_load %arg14[%swap3A_793] {strides = array<i32>} : memref<358xf32, #tpu.memory_space<vmem>>, vector<16xf32>,
    tpu.vector_store %arg14[%swap3A_793], %add3A_792 {strides = array<i32>} : memref<358xf32, #tpu.memory_space<vmem>>, vector<16xf32>,
    %get3A_795 = arith.constant 0 : i32
    %get3A_796 = arith.index_cast %get3A_795 : i32 to index
    %get3A_797 = arith.constant 0 : index
    %get3A_798 = tpu.vector_load %arg11[%get3A_796, %get3A_797] {strides = array<i32>} : memref<7x24xf32, #tpu.memory_space<vmem>>, vector<16xf32>,
    %mul3A_799 = arith.mulf %broadcast_in_dim3A_24, %get3A_798 : vector<16xf32>
    %get3A_800 = arith.constant 1 : i32
    %get3A_801 = arith.index_cast %get3A_800 : i32 to index
    %get3A_802 = arith.constant 0 : index
    %get3A_803 = tpu.vector_load %arg12[%get3A_801, %get3A_802] {strides = array<i32>} : memref<2x24xf32, #tpu.memory_space<vmem>>, vector<16xf32>,
    %mul3A_804 = arith.mulf %broadcast_in_dim3A_27, %get3A_803 : vector<16xf32>
    %add3A_805 = arith.addf %mul3A_799, %mul3A_804 : vector<16xf32>
    %swap3A_806 = arith.constant 25 : index
    %swap3A_807 = tpu.vector_load %arg14[%swap3A_806] {strides = array<i32>} : memref<358xf32, #tpu.memory_space<vmem>>, vector<16xf32>,
    tpu.vector_store %arg14[%swap3A_806], %add3A_805 {strides = array<i32>} : memref<358xf32, #tpu.memory_space<vmem>>, vector<16xf32>,
    %get3A_808 = arith.constant 0 : i32
    %get3A_809 = arith.index_cast %get3A_808 : i32 to index
    %get3A_810 = arith.constant 8 : index
    %get3A_811 = tpu.vector_load %arg11[%get3A_809, %get3A_810] {strides = array<i32>} : memref<7x24xf32, #tpu.memory_space<vmem>>, vector<16xf32>,
    %mul3A_812 = arith.mulf %broadcast_in_dim3A_24, %get3A_811 : vector<16xf32>
    %get3A_813 = arith.constant 1 : i32
    %get3A_814 = arith.index_cast %get3A_813 : i32 to index
    %get3A_815 = arith.constant 8 : index
    %get3A_816 = tpu.vector_load %arg12[%get3A_814, %get3A_815] {strides = array<i32>} : memref<2x24xf32, #tpu.memory_space<vmem>>, vector<16xf32>,
    %mul3A_817 = arith.mulf %broadcast_in_dim3A_27, %get3A_816 : vector<16xf32>
    %add3A_818 = arith.addf %mul3A_812, %mul3A_817 : vector<16xf32>
    %swap3A_819 = arith.constant 33 : index
    %swap3A_820 = tpu.vector_load %arg14[%swap3A_819] {strides = array<i32>} : memref<358xf32, #tpu.memory_space<vmem>>, vector<16xf32>,
    tpu.vector_store %arg14[%swap3A_819], %add3A_818 {strides = array<i32>} : memref<358xf32, #tpu.memory_space<vmem>>, vector<16xf32>,
    %get3A_821 = arith.constant 1 : i32
    %get3A_822 = arith.index_cast %get3A_821 : i32 to index
    %get3A_823 = arith.constant 0 : index
    %get3A_824 = tpu.vector_load %arg11[%get3A_822, %get3A_823] {strides = array<i32>} : memref<7x24xf32, #tpu.memory_space<vmem>>, vector<16xf32>,
    %mul3A_825 = arith.mulf %broadcast_in_dim3A_24, %get3A_824 : vector<16xf32>
    %get3A_826 = arith.constant 0 : i32
    %get3A_827 = arith.index_cast %get3A_826 : i32 to index
    %get3A_828 = arith.constant 0 : index
    %get3A_829 = tpu.vector_load %arg12[%get3A_827, %get3A_828] {strides = array<i32>} : memref<2x24xf32, #tpu.memory_space<vmem>>, vector<16xf32>,
    %mul3A_830 = arith.mulf %broadcast_in_dim3A_27, %get3A_829 : vector<16xf32>
    %add3A_831 = arith.addf %mul3A_825, %mul3A_830 : vector<16xf32>
    %swap3A_832 = arith.constant 50 : index
    %swap3A_833 = tpu.vector_load %arg14[%swap3A_832] {strides = array<i32>} : memref<358xf32, #tpu.memory_space<vmem>>, vector<16xf32>,
    tpu.vector_store %arg14[%swap3A_832], %add3A_831 {strides = array<i32>} : memref<358xf32, #tpu.memory_space<vmem>>, vector<16xf32>,
    %get3A_834 = arith.constant 1 : i32
    %get3A_835 = arith.index_cast %get3A_834 : i32 to index
    %get3A_836 = arith.constant 8 : index
    %get3A_837 = tpu.vector_load %arg11[%get3A_835, %get3A_836] {strides = array<i32>} : memref<7x24xf32, #tpu.memory_space<vmem>>, vector<16xf32>,
    %mul3A_838 = arith.mulf %broadcast_in_dim3A_24, %get3A_837 : vector<16xf32>
    %get3A_839 = arith.constant 0 : i32
    %get3A_840 = arith.index_cast %get3A_839 : i32 to index
    %get3A_841 = arith.constant 8 : index
    %get3A_842 = tpu.vector_load %arg12[%get3A_840, %get3A_841] {strides = array<i32>} : memref<2x24xf32, #tpu.memory_space<vmem>>, vector<16xf32>,
    %mul3A_843 = arith.mulf %broadcast_in_dim3A_27, %get3A_842 : vector<16xf32>
    %add3A_844 = arith.addf %mul3A_838, %mul3A_843 : vector<16xf32>
    %swap3A_845 = arith.constant 58 : index
    %swap3A_846 = tpu.vector_load %arg14[%swap3A_845] {strides = array<i32>} : memref<358xf32, #tpu.memory_space<vmem>>, vector<16xf32>,
    tpu.vector_store %arg14[%swap3A_845], %add3A_844 {strides = array<i32>} : memref<358xf32, #tpu.memory_space<vmem>>, vector<16xf32>,
    %get3A_847 = arith.constant 1 : i32
    %get3A_848 = arith.index_cast %get3A_847 : i32 to index
    %get3A_849 = arith.constant 0 : index
    %get3A_850 = tpu.vector_load %arg11[%get3A_848, %get3A_849] {strides = array<i32>} : memref<7x24xf32, #tpu.memory_space<vmem>>, vector<16xf32>,
    %mul3A_851 = arith.mulf %broadcast_in_dim3A_24, %get3A_850 : vector<16xf32>
    %get3A_852 = arith.constant 1 : i32
    %get3A_853 = arith.index_cast %get3A_852 : i32 to index
    %get3A_854 = arith.constant 0 : index
    %get3A_855 = tpu.vector_load %arg12[%get3A_853, %get3A_854] {strides = array<i32>} : memref<2x24xf32, #tpu.memory_space<vmem>>, vector<16xf32>,
    %mul3A_856 = arith.mulf %broadcast_in_dim3A_27, %get3A_855 : vector<16xf32>
    %add3A_857 = arith.addf %mul3A_851, %mul3A_856 : vector<16xf32>
    %swap3A_858 = arith.constant 75 : index
    %swap3A_859 = tpu.vector_load %arg14[%swap3A_858] {strides = array<i32>} : memref<358xf32, #tpu.memory_space<vmem>>, vector<16xf32>,
    tpu.vector_store %arg14[%swap3A_858], %add3A_857 {strides = array<i32>} : memref<358xf32, #tpu.memory_space<vmem>>, vector<16xf32>,
    %get3A_860 = arith.constant 1 : i32
    %get3A_861 = arith.index_cast %get3A_860 : i32 to index
    %get3A_862 = arith.constant 8 : index
    %get3A_863 = tpu.vector_load %arg11[%get3A_861, %get3A_862] {strides = array<i32>} : memref<7x24xf32, #tpu.memory_space<vmem>>, vector<16xf32>,
    %mul3A_864 = arith.mulf %broadcast_in_dim3A_24, %get3A_863 : vector<16xf32>
    %get3A_865 = arith.constant 1 : i32
    %get3A_866 = arith.index_cast %get3A_865 : i32 to index
    %get3A_867 = arith.constant 8 : index
    %get3A_868 = tpu.vector_load %arg12[%get3A_866, %get3A_867] {strides = array<i32>} : memref<2x24xf32, #tpu.memory_space<vmem>>, vector<16xf32>,
    %mul3A_869 = arith.mulf %broadcast_in_dim3A_27, %get3A_868 : vector<16xf32>
    %add3A_870 = arith.addf %mul3A_864, %mul3A_869 : vector<16xf32>
    %swap3A_871 = arith.constant 83 : index
    %swap3A_872 = tpu.vector_load %arg14[%swap3A_871] {strides = array<i32>} : memref<358xf32, #tpu.memory_space<vmem>>, vector<16xf32>,
    tpu.vector_store %arg14[%swap3A_871], %add3A_870 {strides = array<i32>} : memref<358xf32, #tpu.memory_space<vmem>>, vector<16xf32>,
    %get3A_873 = arith.constant 2 : i32
    %get3A_874 = arith.index_cast %get3A_873 : i32 to index
    %get3A_875 = arith.constant 0 : index
    %get3A_876 = tpu.vector_load %arg11[%get3A_874, %get3A_875] {strides = array<i32>} : memref<7x24xf32, #tpu.memory_space<vmem>>, vector<16xf32>,
    %mul3A_877 = arith.mulf %broadcast_in_dim3A_24, %get3A_876 : vector<16xf32>
    %get3A_878 = arith.constant 0 : i32
    %get3A_879 = arith.index_cast %get3A_878 : i32 to index
    %get3A_880 = arith.constant 0 : index
    %get3A_881 = tpu.vector_load %arg12[%get3A_879, %get3A_880] {strides = array<i32>} : memref<2x24xf32, #tpu.memory_space<vmem>>, vector<16xf32>,
    %mul3A_882 = arith.mulf %broadcast_in_dim3A_27, %get3A_881 : vector<16xf32>
    %add3A_883 = arith.addf %mul3A_877, %mul3A_882 : vector<16xf32>
    %swap3A_884 = arith.constant 100 : index
    %swap3A_885 = tpu.vector_load %arg14[%swap3A_884] {strides = array<i32>} : memref<358xf32, #tpu.memory_space<vmem>>, vector<16xf32>,
    tpu.vector_store %arg14[%swap3A_884], %add3A_883 {strides = array<i32>} : memref<358xf32, #tpu.memory_space<vmem>>, vector<16xf32>,
    %get3A_886 = arith.constant 2 : i32
    %get3A_887 = arith.index_cast %get3A_886 : i32 to index
    %get3A_888 = arith.constant 8 : index
    %get3A_889 = tpu.vector_load %arg11[%get3A_887, %get3A_888] {strides = array<i32>} : memref<7x24xf32, #tpu.memory_space<vmem>>, vector<16xf32>,
    %mul3A_890 = arith.mulf %broadcast_in_dim3A_24, %get3A_889 : vector<16xf32>
    %get3A_891 = arith.constant 0 : i32
    %get3A_892 = arith.index_cast %get3A_891 : i32 to index
    %get3A_893 = arith.constant 8 : index
    %get3A_894 = tpu.vector_load %arg12[%get3A_892, %get3A_893] {strides = array<i32>} : memref<2x24xf32, #tpu.memory_space<vmem>>, vector<16xf32>,
    %mul3A_895 = arith.mulf %broadcast_in_dim3A_27, %get3A_894 : vector<16xf32>
    %add3A_896 = arith.addf %mul3A_890, %mul3A_895 : vector<16xf32>
    %swap3A_897 = arith.constant 108 : index
    %swap3A_898 = tpu.vector_load %arg14[%swap3A_897] {strides = array<i32>} : memref<358xf32, #tpu.memory_space<vmem>>, vector<16xf32>,
    tpu.vector_store %arg14[%swap3A_897], %add3A_896 {strides = array<i32>} : memref<358xf32, #tpu.memory_space<vmem>>, vector<16xf32>,
    %get3A_899 = arith.constant 2 : i32
    %get3A_900 = arith.index_cast %get3A_899 : i32 to index
    %get3A_901 = arith.constant 0 : index
    %get3A_902 = tpu.vector_load %arg11[%get3A_900, %get3A_901] {strides = array<i32>} : memref<7x24xf32, #tpu.memory_space<vmem>>, vector<16xf32>,
    %mul3A_903 = arith.mulf %broadcast_in_dim3A_24, %get3A_902 : vector<16xf32>
    %get3A_904 = arith.constant 1 : i32
    %get3A_905 = arith.index_cast %get3A_904 : i32 to index
    %get3A_906 = arith.constant 0 : index
    %get3A_907 = tpu.vector_load %arg12[%get3A_905, %get3A_906] {strides = array<i32>} : memref<2x24xf32, #tpu.memory_space<vmem>>, vector<16xf32>,
    %mul3A_908 = arith.mulf %broadcast_in_dim3A_27, %get3A_907 : vector<16xf32>
    %add3A_909 = arith.addf %mul3A_903, %mul3A_908 : vector<16xf32>
    %swap3A_910 = arith.constant 125 : index
    %swap3A_911 = tpu.vector_load %arg14[%swap3A_910] {strides = array<i32>} : memref<358xf32, #tpu.memory_space<vmem>>, vector<16xf32>,
    tpu.vector_store %arg14[%swap3A_910], %add3A_909 {strides = array<i32>} : memref<358xf32, #tpu.memory_space<vmem>>, vector<16xf32>,
    %get3A_912 = arith.constant 2 : i32
    %get3A_913 = arith.index_cast %get3A_912 : i32 to index
    %get3A_914 = arith.constant 8 : index
    %get3A_915 = tpu.vector_load %arg11[%get3A_913, %get3A_914] {strides = array<i32>} : memref<7x24xf32, #tpu.memory_space<vmem>>, vector<16xf32>,
    %mul3A_916 = arith.mulf %broadcast_in_dim3A_24, %get3A_915 : vector<16xf32>
    %get3A_917 = arith.constant 1 : i32
    %get3A_918 = arith.index_cast %get3A_917 : i32 to index
    %get3A_919 = arith.constant 8 : index
    %get3A_920 = tpu.vector_load %arg12[%get3A_918, %get3A_919] {strides = array<i32>} : memref<2x24xf32, #tpu.memory_space<vmem>>, vector<16xf32>,
    %mul3A_921 = arith.mulf %broadcast_in_dim3A_27, %get3A_920 : vector<16xf32>
    %add3A_922 = arith.addf %mul3A_916, %mul3A_921 : vector<16xf32>
    %swap3A_923 = arith.constant 133 : index
    %swap3A_924 = tpu.vector_load %arg14[%swap3A_923] {strides = array<i32>} : memref<358xf32, #tpu.memory_space<vmem>>, vector<16xf32>,
    tpu.vector_store %arg14[%swap3A_923], %add3A_922 {strides = array<i32>} : memref<358xf32, #tpu.memory_space<vmem>>, vector<16xf32>,
    %get3A_925 = arith.constant 3 : i32
    %get3A_926 = arith.index_cast %get3A_925 : i32 to index
    %get3A_927 = arith.constant 0 : index
    %get3A_928 = tpu.vector_load %arg11[%get3A_926, %get3A_927] {strides = array<i32>} : memref<7x24xf32, #tpu.memory_space<vmem>>, vector<16xf32>,
    %mul3A_929 = arith.mulf %broadcast_in_dim3A_24, %get3A_928 : vector<16xf32>
    %get3A_930 = arith.constant 0 : i32
    %get3A_931 = arith.index_cast %get3A_930 : i32 to index
    %get3A_932 = arith.constant 0 : index
    %get3A_933 = tpu.vector_load %arg12[%get3A_931, %get3A_932] {strides = array<i32>} : memref<2x24xf32, #tpu.memory_space<vmem>>, vector<16xf32>,
    %mul3A_934 = arith.mulf %broadcast_in_dim3A_27, %get3A_933 : vector<16xf32>
    %add3A_935 = arith.addf %mul3A_929, %mul3A_934 : vector<16xf32>
    %swap3A_936 = arith.constant 150 : index
    %swap3A_937 = tpu.vector_load %arg14[%swap3A_936] {strides = array<i32>} : memref<358xf32, #tpu.memory_space<vmem>>, vector<16xf32>,
    tpu.vector_store %arg14[%swap3A_936], %add3A_935 {strides = array<i32>} : memref<358xf32, #tpu.memory_space<vmem>>, vector<16xf32>,
    %get3A_938 = arith.constant 3 : i32
    %get3A_939 = arith.index_cast %get3A_938 : i32 to index
    %get3A_940 = arith.constant 8 : index
    %get3A_941 = tpu.vector_load %arg11[%get3A_939, %get3A_940] {strides = array<i32>} : memref<7x24xf32, #tpu.memory_space<vmem>>, vector<16xf32>,
    %mul3A_942 = arith.mulf %broadcast_in_dim3A_24, %get3A_941 : vector<16xf32>
    %get3A_943 = arith.constant 0 : i32
    %get3A_944 = arith.index_cast %get3A_943 : i32 to index
    %get3A_945 = arith.constant 8 : index
    %get3A_946 = tpu.vector_load %arg12[%get3A_944, %get3A_945] {strides = array<i32>} : memref<2x24xf32, #tpu.memory_space<vmem>>, vector<16xf32>,
    %mul3A_947 = arith.mulf %broadcast_in_dim3A_27, %get3A_946 : vector<16xf32>
    %add3A_948 = arith.addf %mul3A_942, %mul3A_947 : vector<16xf32>
    %swap3A_949 = arith.constant 158 : index
    %swap3A_950 = tpu.vector_load %arg14[%swap3A_949] {strides = array<i32>} : memref<358xf32, #tpu.memory_space<vmem>>, vector<16xf32>,
    tpu.vector_store %arg14[%swap3A_949], %add3A_948 {strides = array<i32>} : memref<358xf32, #tpu.memory_space<vmem>>, vector<16xf32>,
    %get3A_951 = arith.constant 3 : i32
    %get3A_952 = arith.index_cast %get3A_951 : i32 to index
    %get3A_953 = arith.constant 0 : index
    %get3A_954 = tpu.vector_load %arg11[%get3A_952, %get3A_953] {strides = array<i32>} : memref<7x24xf32, #tpu.memory_space<vmem>>, vector<16xf32>,
    %mul3A_955 = arith.mulf %broadcast_in_dim3A_24, %get3A_954 : vector<16xf32>
    %get3A_956 = arith.constant 1 : i32
    %get3A_957 = arith.index_cast %get3A_956 : i32 to index
    %get3A_958 = arith.constant 0 : index
    %get3A_959 = tpu.vector_load %arg12[%get3A_957, %get3A_958] {strides = array<i32>} : memref<2x24xf32, #tpu.memory_space<vmem>>, vector<16xf32>,
    %mul3A_960 = arith.mulf %broadcast_in_dim3A_27, %get3A_959 : vector<16xf32>
    %add3A_961 = arith.addf %mul3A_955, %mul3A_960 : vector<16xf32>
    %swap3A_962 = arith.constant 175 : index
    %swap3A_963 = tpu.vector_load %arg14[%swap3A_962] {strides = array<i32>} : memref<358xf32, #tpu.memory_space<vmem>>, vector<16xf32>,
    tpu.vector_store %arg14[%swap3A_962], %add3A_961 {strides = array<i32>} : memref<358xf32, #tpu.memory_space<vmem>>, vector<16xf32>,
    %get3A_964 = arith.constant 3 : i32
    %get3A_965 = arith.index_cast %get3A_964 : i32 to index
    %get3A_966 = arith.constant 8 : index
    %get3A_967 = tpu.vector_load %arg11[%get3A_965, %get3A_966] {strides = array<i32>} : memref<7x24xf32, #tpu.memory_space<vmem>>, vector<16xf32>,
    %mul3A_968 = arith.mulf %broadcast_in_dim3A_24, %get3A_967 : vector<16xf32>
    %get3A_969 = arith.constant 1 : i32
    %get3A_970 = arith.index_cast %get3A_969 : i32 to index
    %get3A_971 = arith.constant 8 : index
    %get3A_972 = tpu.vector_load %arg12[%get3A_970, %get3A_971] {strides = array<i32>} : memref<2x24xf32, #tpu.memory_space<vmem>>, vector<16xf32>,
    %mul3A_973 = arith.mulf %broadcast_in_dim3A_27, %get3A_972 : vector<16xf32>
    %add3A_974 = arith.addf %mul3A_968, %mul3A_973 : vector<16xf32>
    %swap3A_975 = arith.constant 183 : index
    %swap3A_976 = tpu.vector_load %arg14[%swap3A_975] {strides = array<i32>} : memref<358xf32, #tpu.memory_space<vmem>>, vector<16xf32>,
    tpu.vector_store %arg14[%swap3A_975], %add3A_974 {strides = array<i32>} : memref<358xf32, #tpu.memory_space<vmem>>, vector<16xf32>,
    %get3A_977 = arith.constant 4 : i32
    %get3A_978 = arith.index_cast %get3A_977 : i32 to index
    %get3A_979 = arith.constant 0 : index
    %get3A_980 = tpu.vector_load %arg11[%get3A_978, %get3A_979] {strides = array<i32>} : memref<7x24xf32, #tpu.memory_space<vmem>>, vector<16xf32>,
    %mul3A_981 = arith.mulf %broadcast_in_dim3A_24, %get3A_980 : vector<16xf32>
    %get3A_982 = arith.constant 0 : i32
    %get3A_983 = arith.index_cast %get3A_982 : i32 to index
    %get3A_984 = arith.constant 0 : index
    %get3A_985 = tpu.vector_load %arg12[%get3A_983, %get3A_984] {strides = array<i32>} : memref<2x24xf32, #tpu.memory_space<vmem>>, vector<16xf32>,
    %mul3A_986 = arith.mulf %broadcast_in_dim3A_27, %get3A_985 : vector<16xf32>
    %add3A_987 = arith.addf %mul3A_981, %mul3A_986 : vector<16xf32>
    %swap3A_988 = arith.constant 200 : index
    %swap3A_989 = tpu.vector_load %arg14[%swap3A_988] {strides = array<i32>} : memref<358xf32, #tpu.memory_space<vmem>>, vector<16xf32>,
    tpu.vector_store %arg14[%swap3A_988], %add3A_987 {strides = array<i32>} : memref<358xf32, #tpu.memory_space<vmem>>, vector<16xf32>,
    %get3A_990 = arith.constant 4 : i32
    %get3A_991 = arith.index_cast %get3A_990 : i32 to index
    %get3A_992 = arith.constant 8 : index
    %get3A_993 = tpu.vector_load %arg11[%get3A_991, %get3A_992] {strides = array<i32>} : memref<7x24xf32, #tpu.memory_space<vmem>>, vector<16xf32>,
    %mul3A_994 = arith.mulf %broadcast_in_dim3A_24, %get3A_993 : vector<16xf32>
    %get3A_995 = arith.constant 0 : i32
    %get3A_996 = arith.index_cast %get3A_995 : i32 to index
    %get3A_997 = arith.constant 8 : index
    %get3A_998 = tpu.vector_load %arg12[%get3A_996, %get3A_997] {strides = array<i32>} : memref<2x24xf32, #tpu.memory_space<vmem>>, vector<16xf32>,
    %mul3A_999 = arith.mulf %broadcast_in_dim3A_27, %get3A_998 : vector<16xf32>
    %add3A_1000 = arith.addf %mul3A_994, %mul3A_999 : vector<16xf32>
    %swap3A_1001 = arith.constant 208 : index
    %swap3A_1002 = tpu.vector_load %arg14[%swap3A_1001] {strides = array<i32>} : memref<358xf32, #tpu.memory_space<vmem>>, vector<16xf32>,
    tpu.vector_store %arg14[%swap3A_1001], %add3A_1000 {strides = array<i32>} : memref<358xf32, #tpu.memory_space<vmem>>, vector<16xf32>,
    %get3A_1003 = arith.constant 4 : i32
    %get3A_1004 = arith.index_cast %get3A_1003 : i32 to index
    %get3A_1005 = arith.constant 0 : index
    %get3A_1006 = tpu.vector_load %arg11[%get3A_1004, %get3A_1005] {strides = array<i32>} : memref<7x24xf32, #tpu.memory_space<vmem>>, vector<16xf32>,
    %mul3A_1007 = arith.mulf %broadcast_in_dim3A_24, %get3A_1006 : vector<16xf32>
    %get3A_1008 = arith.constant 1 : i32
    %get3A_1009 = arith.index_cast %get3A_1008 : i32 to index
    %get3A_1010 = arith.constant 0 : index
    %get3A_1011 = tpu.vector_load %arg12[%get3A_1009, %get3A_1010] {strides = array<i32>} : memref<2x24xf32, #tpu.memory_space<vmem>>, vector<16xf32>,
    %mul3A_1012 = arith.mulf %broadcast_in_dim3A_27, %get3A_1011 : vector<16xf32>
    %add3A_1013 = arith.addf %mul3A_1007, %mul3A_1012 : vector<16xf32>
    %swap3A_1014 = arith.constant 225 : index
    %swap3A_1015 = tpu.vector_load %arg14[%swap3A_1014] {strides = array<i32>} : memref<358xf32, #tpu.memory_space<vmem>>, vector<16xf32>,
    tpu.vector_store %arg14[%swap3A_1014], %add3A_1013 {strides = array<i32>} : memref<358xf32, #tpu.memory_space<vmem>>, vector<16xf32>,
    %get3A_1016 = arith.constant 4 : i32
    %get3A_1017 = arith.index_cast %get3A_1016 : i32 to index
    %get3A_1018 = arith.constant 8 : index
    %get3A_1019 = tpu.vector_load %arg11[%get3A_1017, %get3A_1018] {strides = array<i32>} : memref<7x24xf32, #tpu.memory_space<vmem>>, vector<16xf32>,
    %mul3A_1020 = arith.mulf %broadcast_in_dim3A_24, %get3A_1019 : vector<16xf32>
    %get3A_1021 = arith.constant 1 : i32
    %get3A_1022 = arith.index_cast %get3A_1021 : i32 to index
    %get3A_1023 = arith.constant 8 : index
    %get3A_1024 = tpu.vector_load %arg12[%get3A_1022, %get3A_1023] {strides = array<i32>} : memref<2x24xf32, #tpu.memory_space<vmem>>, vector<16xf32>,
    %mul3A_1025 = arith.mulf %broadcast_in_dim3A_27, %get3A_1024 : vector<16xf32>
    %add3A_1026 = arith.addf %mul3A_1020, %mul3A_1025 : vector<16xf32>
    %swap3A_1027 = arith.constant 233 : index
    %swap3A_1028 = tpu.vector_load %arg14[%swap3A_1027] {strides = array<i32>} : memref<358xf32, #tpu.memory_space<vmem>>, vector<16xf32>,
    tpu.vector_store %arg14[%swap3A_1027], %add3A_1026 {strides = array<i32>} : memref<358xf32, #tpu.memory_space<vmem>>, vector<16xf32>,
    %get3A_1029 = arith.constant 5 : i32
    %get3A_1030 = arith.index_cast %get3A_1029 : i32 to index
    %get3A_1031 = arith.constant 0 : index
    %get3A_1032 = tpu.vector_load %arg11[%get3A_1030, %get3A_1031] {strides = array<i32>} : memref<7x24xf32, #tpu.memory_space<vmem>>, vector<16xf32>,
    %mul3A_1033 = arith.mulf %broadcast_in_dim3A_24, %get3A_1032 : vector<16xf32>
    %get3A_1034 = arith.constant 0 : i32
    %get3A_1035 = arith.index_cast %get3A_1034 : i32 to index
    %get3A_1036 = arith.constant 0 : index
    %get3A_1037 = tpu.vector_load %arg12[%get3A_1035, %get3A_1036] {strides = array<i32>} : memref<2x24xf32, #tpu.memory_space<vmem>>, vector<16xf32>,
    %mul3A_1038 = arith.mulf %broadcast_in_dim3A_27, %get3A_1037 : vector<16xf32>
    %add3A_1039 = arith.addf %mul3A_1033, %mul3A_1038 : vector<16xf32>
    %swap3A_1040 = arith.constant 250 : index
    %swap3A_1041 = tpu.vector_load %arg14[%swap3A_1040] {strides = array<i32>} : memref<358xf32, #tpu.memory_space<vmem>>, vector<16xf32>,
    tpu.vector_store %arg14[%swap3A_1040], %add3A_1039 {strides = array<i32>} : memref<358xf32, #tpu.memory_space<vmem>>, vector<16xf32>,
    %get3A_1042 = arith.constant 5 : i32
    %get3A_1043 = arith.index_cast %get3A_1042 : i32 to index
    %get3A_1044 = arith.constant 8 : index
    %get3A_1045 = tpu.vector_load %arg11[%get3A_1043, %get3A_1044] {strides = array<i32>} : memref<7x24xf32, #tpu.memory_space<vmem>>, vector<16xf32>,
    %mul3A_1046 = arith.mulf %broadcast_in_dim3A_24, %get3A_1045 : vector<16xf32>
    %get3A_1047 = arith.constant 0 : i32
    %get3A_1048 = arith.index_cast %get3A_1047 : i32 to index
    %get3A_1049 = arith.constant 8 : index
    %get3A_1050 = tpu.vector_load %arg12[%get3A_1048, %get3A_1049] {strides = array<i32>} : memref<2x24xf32, #tpu.memory_space<vmem>>, vector<16xf32>,
    %mul3A_1051 = arith.mulf %broadcast_in_dim3A_27, %get3A_1050 : vector<16xf32>
    %add3A_1052 = arith.addf %mul3A_1046, %mul3A_1051 : vector<16xf32>
    %swap3A_1053 = arith.constant 258 : index
    %swap3A_1054 = tpu.vector_load %arg14[%swap3A_1053] {strides = array<i32>} : memref<358xf32, #tpu.memory_space<vmem>>, vector<16xf32>,
    tpu.vector_store %arg14[%swap3A_1053], %add3A_1052 {strides = array<i32>} : memref<358xf32, #tpu.memory_space<vmem>>, vector<16xf32>,
    %get3A_1055 = arith.constant 5 : i32
    %get3A_1056 = arith.index_cast %get3A_1055 : i32 to index
    %get3A_1057 = arith.constant 0 : index
    %get3A_1058 = tpu.vector_load %arg11[%get3A_1056, %get3A_1057] {strides = array<i32>} : memref<7x24xf32, #tpu.memory_space<vmem>>, vector<16xf32>,
    %mul3A_1059 = arith.mulf %broadcast_in_dim3A_24, %get3A_1058 : vector<16xf32>
    %get3A_1060 = arith.constant 1 : i32
    %get3A_1061 = arith.index_cast %get3A_1060 : i32 to index
    %get3A_1062 = arith.constant 0 : index
    %get3A_1063 = tpu.vector_load %arg12[%get3A_1061, %get3A_1062] {strides = array<i32>} : memref<2x24xf32, #tpu.memory_space<vmem>>, vector<16xf32>,
    %mul3A_1064 = arith.mulf %broadcast_in_dim3A_27, %get3A_1063 : vector<16xf32>
    %add3A_1065 = arith.addf %mul3A_1059, %mul3A_1064 : vector<16xf32>
    %swap3A_1066 = arith.constant 275 : index
    %swap3A_1067 = tpu.vector_load %arg14[%swap3A_1066] {strides = array<i32>} : memref<358xf32, #tpu.memory_space<vmem>>, vector<16xf32>,
    tpu.vector_store %arg14[%swap3A_1066], %add3A_1065 {strides = array<i32>} : memref<358xf32, #tpu.memory_space<vmem>>, vector<16xf32>,
    %get3A_1068 = arith.constant 5 : i32
    %get3A_1069 = arith.index_cast %get3A_1068 : i32 to index
    %get3A_1070 = arith.constant 8 : index
    %get3A_1071 = tpu.vector_load %arg11[%get3A_1069, %get3A_1070] {strides = array<i32>} : memref<7x24xf32, #tpu.memory_space<vmem>>, vector<16xf32>,
    %mul3A_1072 = arith.mulf %broadcast_in_dim3A_24, %get3A_1071 : vector<16xf32>
    %get3A_1073 = arith.constant 1 : i32
    %get3A_1074 = arith.index_cast %get3A_1073 : i32 to index
    %get3A_1075 = arith.constant 8 : index
    %get3A_1076 = tpu.vector_load %arg12[%get3A_1074, %get3A_1075] {strides = array<i32>} : memref<2x24xf32, #tpu.memory_space<vmem>>, vector<16xf32>,
    %mul3A_1077 = arith.mulf %broadcast_in_dim3A_27, %get3A_1076 : vector<16xf32>
    %add3A_1078 = arith.addf %mul3A_1072, %mul3A_1077 : vector<16xf32>
    %swap3A_1079 = arith.constant 283 : index
    %swap3A_1080 = tpu.vector_load %arg14[%swap3A_1079] {strides = array<i32>} : memref<358xf32, #tpu.memory_space<vmem>>, vector<16xf32>,
    tpu.vector_store %arg14[%swap3A_1079], %add3A_1078 {strides = array<i32>} : memref<358xf32, #tpu.memory_space<vmem>>, vector<16xf32>,
    %get3A_1081 = arith.constant 6 : i32
    %get3A_1082 = arith.index_cast %get3A_1081 : i32 to index
    %get3A_1083 = arith.constant 0 : index
    %get3A_1084 = tpu.vector_load %arg11[%get3A_1082, %get3A_1083] {strides = array<i32>} : memref<7x24xf32, #tpu.memory_space<vmem>>, vector<16xf32>,
    %mul3A_1085 = arith.mulf %broadcast_in_dim3A_24, %get3A_1084 : vector<16xf32>
    %get3A_1086 = arith.constant 0 : i32
    %get3A_1087 = arith.index_cast %get3A_1086 : i32 to index
    %get3A_1088 = arith.constant 0 : index
    %get3A_1089 = tpu.vector_load %arg12[%get3A_1087, %get3A_1088] {strides = array<i32>} : memref<2x24xf32, #tpu.memory_space<vmem>>, vector<16xf32>,
    %mul3A_1090 = arith.mulf %broadcast_in_dim3A_27, %get3A_1089 : vector<16xf32>
    %add3A_1091 = arith.addf %mul3A_1085, %mul3A_1090 : vector<16xf32>
    %swap3A_1092 = arith.constant 300 : index
    %swap3A_1093 = tpu.vector_load %arg14[%swap3A_1092] {strides = array<i32>} : memref<358xf32, #tpu.memory_space<vmem>>, vector<16xf32>,
    tpu.vector_store %arg14[%swap3A_1092], %add3A_1091 {strides = array<i32>} : memref<358xf32, #tpu.memory_space<vmem>>, vector<16xf32>,
    %get3A_1094 = arith.constant 6 : i32
    %get3A_1095 = arith.index_cast %get3A_1094 : i32 to index
    %get3A_1096 = arith.constant 8 : index
    %get3A_1097 = tpu.vector_load %arg11[%get3A_1095, %get3A_1096] {strides = array<i32>} : memref<7x24xf32, #tpu.memory_space<vmem>>, vector<16xf32>,
    %mul3A_1098 = arith.mulf %broadcast_in_dim3A_24, %get3A_1097 : vector<16xf32>
    %get3A_1099 = arith.constant 0 : i32
    %get3A_1100 = arith.index_cast %get3A_1099 : i32 to index
    %get3A_1101 = arith.constant 8 : index
    %get3A_1102 = tpu.vector_load %arg12[%get3A_1100, %get3A_1101] {strides = array<i32>} : memref<2x24xf32, #tpu.memory_space<vmem>>, vector<16xf32>,
    %mul3A_1103 = arith.mulf %broadcast_in_dim3A_27, %get3A_1102 : vector<16xf32>
    %add3A_1104 = arith.addf %mul3A_1098, %mul3A_1103 : vector<16xf32>
    %swap3A_1105 = arith.constant 308 : index
    %swap3A_1106 = tpu.vector_load %arg14[%swap3A_1105] {strides = array<i32>} : memref<358xf32, #tpu.memory_space<vmem>>, vector<16xf32>,
    tpu.vector_store %arg14[%swap3A_1105], %add3A_1104 {strides = array<i32>} : memref<358xf32, #tpu.memory_space<vmem>>, vector<16xf32>,
    %get3A_1107 = arith.constant 6 : i32
    %get3A_1108 = arith.index_cast %get3A_1107 : i32 to index
    %get3A_1109 = arith.constant 0 : index
    %get3A_1110 = tpu.vector_load %arg11[%get3A_1108, %get3A_1109] {strides = array<i32>} : memref<7x24xf32, #tpu.memory_space<vmem>>, vector<16xf32>,
    %mul3A_1111 = arith.mulf %broadcast_in_dim3A_24, %get3A_1110 : vector<16xf32>
    %get3A_1112 = arith.constant 1 : i32
    %get3A_1113 = arith.index_cast %get3A_1112 : i32 to index
    %get3A_1114 = arith.constant 0 : index
    %get3A_1115 = tpu.vector_load %arg12[%get3A_1113, %get3A_1114] {strides = array<i32>} : memref<2x24xf32, #tpu.memory_space<vmem>>, vector<16xf32>,
    %mul3A_1116 = arith.mulf %broadcast_in_dim3A_27, %get3A_1115 : vector<16xf32>
    %add3A_1117 = arith.addf %mul3A_1111, %mul3A_1116 : vector<16xf32>
    %swap3A_1118 = arith.constant 325 : index
    %swap3A_1119 = tpu.vector_load %arg14[%swap3A_1118] {strides = array<i32>} : memref<358xf32, #tpu.memory_space<vmem>>, vector<16xf32>,
    tpu.vector_store %arg14[%swap3A_1118], %add3A_1117 {strides = array<i32>} : memref<358xf32, #tpu.memory_space<vmem>>, vector<16xf32>,
    %get3A_1120 = arith.constant 6 : i32
    %get3A_1121 = arith.index_cast %get3A_1120 : i32 to index
    %get3A_1122 = arith.constant 8 : index
    %get3A_1123 = tpu.vector_load %arg11[%get3A_1121, %get3A_1122] {strides = array<i32>} : memref<7x24xf32, #tpu.memory_space<vmem>>, vector<16xf32>,
    %mul3A_1124 = arith.mulf %broadcast_in_dim3A_24, %get3A_1123 : vector<16xf32>
    %get3A_1125 = arith.constant 1 : i32
    %get3A_1126 = arith.index_cast %get3A_1125 : i32 to index
    %get3A_1127 = arith.constant 8 : index
    %get3A_1128 = tpu.vector_load %arg12[%get3A_1126, %get3A_1127] {strides = array<i32>} : memref<2x24xf32, #tpu.memory_space<vmem>>, vector<16xf32>,
    %mul3A_1129 = arith.mulf %broadcast_in_dim3A_27, %get3A_1128 : vector<16xf32>
    %add3A_1130 = arith.addf %mul3A_1124, %mul3A_1129 : vector<16xf32>
    %swap3A_1131 = arith.constant 333 : index
    %swap3A_1132 = tpu.vector_load %arg14[%swap3A_1131] {strides = array<i32>} : memref<358xf32, #tpu.memory_space<vmem>>, vector<16xf32>,
    tpu.vector_store %arg14[%swap3A_1131], %add3A_1130 {strides = array<i32>} : memref<358xf32, #tpu.memory_space<vmem>>, vector<16xf32>,
    %add3A_1133 = arith.constant 0 : i32
    %add3A_1134 = vector.broadcast %add3A_1133 : i32 to vector<16xi32>
    %add3A_1135 = arith.addi %iota3A, %add3A_1134 : vector<16xi32>
    %ge3A = arith.constant 24 : i32
    %ge3A_1136 = vector.broadcast %ge3A : i32 to vector<16xi32>
    %ge3A_1137 = arith.cmpi sge, %add3A_1135, %ge3A_1136 : vector<16xi32>
    %sub3A = arith.constant 24 : i32
    %sub3A_1138 = vector.broadcast %sub3A : i32 to vector<16xi32>
    %sub3A_1139 = arith.subi %add3A_1135, %sub3A_1138 : vector<16xi32>
    %select_n3A = arith.select %ge3A_1137, %sub3A_1139, %add3A_1135 : vector<16xi1>, vector<16xi32>
    %add3A_1140 = arith.constant 1 : i32
    %add3A_1141 = vector.broadcast %add3A_1140 : i32 to vector<16xi32>
    %add3A_1142 = arith.addi %iota3A, %add3A_1141 : vector<16xi32>
    %ge3A_1143 = arith.constant 24 : i32
    %ge3A_1144 = vector.broadcast %ge3A_1143 : i32 to vector<16xi32>
    %ge3A_1145 = arith.cmpi sge, %add3A_1142, %ge3A_1144 : vector<16xi32>
    %sub3A_1146 = arith.constant 24 : i32
    %sub3A_1147 = vector.broadcast %sub3A_1146 : i32 to vector<16xi32>
    %sub3A_1148 = arith.subi %add3A_1142, %sub3A_1147 : vector<16xi32>
    %select_n3A_1149 = arith.select %ge3A_1145, %sub3A_1148, %add3A_1142 : vector<16xi1>, vector<16xi32>
    %add3A_1150 = arith.constant 2 : i32
    %add3A_1151 = vector.broadcast %add3A_1150 : i32 to vector<16xi32>
    %add3A_1152 = arith.addi %iota3A, %add3A_1151 : vector<16xi32>
    %ge3A_1153 = arith.constant 24 : i32
    %ge3A_1154 = vector.broadcast %ge3A_1153 : i32 to vector<16xi32>
    %ge3A_1155 = arith.cmpi sge, %add3A_1152, %ge3A_1154 : vector<16xi32>
    %sub3A_1156 = arith.constant 24 : i32
    %sub3A_1157 = vector.broadcast %sub3A_1156 : i32 to vector<16xi32>
    %sub3A_1158 = arith.subi %add3A_1152, %sub3A_1157 : vector<16xi32>
    %select_n3A_1159 = arith.select %ge3A_1155, %sub3A_1158, %add3A_1152 : vector<16xi1>, vector<16xi32>
    %add3A_1160 = arith.constant 3 : i32
    %add3A_1161 = vector.broadcast %add3A_1160 : i32 to vector<16xi32>
    %add3A_1162 = arith.addi %iota3A, %add3A_1161 : vector<16xi32>
    %ge3A_1163 = arith.constant 24 : i32
    %ge3A_1164 = vector.broadcast %ge3A_1163 : i32 to vector<16xi32>
    %ge3A_1165 = arith.cmpi sge, %add3A_1162, %ge3A_1164 : vector<16xi32>
    %sub3A_1166 = arith.constant 24 : i32
    %sub3A_1167 = vector.broadcast %sub3A_1166 : i32 to vector<16xi32>
    %sub3A_1168 = arith.subi %add3A_1162, %sub3A_1167 : vector<16xi32>
    %select_n3A_1169 = arith.select %ge3A_1165, %sub3A_1168, %add3A_1162 : vector<16xi1>, vector<16xi32>
    %add3A_1170 = arith.constant 4 : i32
    %add3A_1171 = vector.broadcast %add3A_1170 : i32 to vector<16xi32>
    %add3A_1172 = arith.addi %iota3A, %add3A_1171 : vector<16xi32>
    %ge3A_1173 = arith.constant 24 : i32
    %ge3A_1174 = vector.broadcast %ge3A_1173 : i32 to vector<16xi32>
    %ge3A_1175 = arith.cmpi sge, %add3A_1172, %ge3A_1174 : vector<16xi32>
    %sub3A_1176 = arith.constant 24 : i32
    %sub3A_1177 = vector.broadcast %sub3A_1176 : i32 to vector<16xi32>
    %sub3A_1178 = arith.subi %add3A_1172, %sub3A_1177 : vector<16xi32>
    %select_n3A_1179 = arith.select %ge3A_1175, %sub3A_1178, %add3A_1172 : vector<16xi1>, vector<16xi32>
    %add3A_1180 = arith.constant 5 : i32
    %add3A_1181 = vector.broadcast %add3A_1180 : i32 to vector<16xi32>
    %add3A_1182 = arith.addi %iota3A, %add3A_1181 : vector<16xi32>
    %ge3A_1183 = arith.constant 24 : i32
    %ge3A_1184 = vector.broadcast %ge3A_1183 : i32 to vector<16xi32>
    %ge3A_1185 = arith.cmpi sge, %add3A_1182, %ge3A_1184 : vector<16xi32>
    %sub3A_1186 = arith.constant 24 : i32
    %sub3A_1187 = vector.broadcast %sub3A_1186 : i32 to vector<16xi32>
    %sub3A_1188 = arith.subi %add3A_1182, %sub3A_1187 : vector<16xi32>
    %select_n3A_1189 = arith.select %ge3A_1185, %sub3A_1188, %add3A_1182 : vector<16xi1>, vector<16xi32>
    %add3A_1190 = arith.constant 6 : i32
    %add3A_1191 = vector.broadcast %add3A_1190 : i32 to vector<16xi32>
    %add3A_1192 = arith.addi %iota3A, %add3A_1191 : vector<16xi32>
    %ge3A_1193 = arith.constant 24 : i32
    %ge3A_1194 = vector.broadcast %ge3A_1193 : i32 to vector<16xi32>
    %ge3A_1195 = arith.cmpi sge, %add3A_1192, %ge3A_1194 : vector<16xi32>
    %sub3A_1196 = arith.constant 24 : i32
    %sub3A_1197 = vector.broadcast %sub3A_1196 : i32 to vector<16xi32>
    %sub3A_1198 = arith.subi %add3A_1192, %sub3A_1197 : vector<16xi32>
    %select_n3A_1199 = arith.select %ge3A_1195, %sub3A_1198, %add3A_1192 : vector<16xi1>, vector<16xi32>
    %add3A_1200 = arith.constant 7 : i32
    %add3A_1201 = vector.broadcast %add3A_1200 : i32 to vector<16xi32>
    %add3A_1202 = arith.addi %iota3A, %add3A_1201 : vector<16xi32>
    %ge3A_1203 = arith.constant 24 : i32
    %ge3A_1204 = vector.broadcast %ge3A_1203 : i32 to vector<16xi32>
    %ge3A_1205 = arith.cmpi sge, %add3A_1202, %ge3A_1204 : vector<16xi32>
    %sub3A_1206 = arith.constant 24 : i32
    %sub3A_1207 = vector.broadcast %sub3A_1206 : i32 to vector<16xi32>
    %sub3A_1208 = arith.subi %add3A_1202, %sub3A_1207 : vector<16xi32>
    %select_n3A_1209 = arith.select %ge3A_1205, %sub3A_1208, %add3A_1202 : vector<16xi1>, vector<16xi32>
    %add3A_1210 = arith.constant 8 : i32
    %add3A_1211 = vector.broadcast %add3A_1210 : i32 to vector<16xi32>
    %add3A_1212 = arith.addi %iota3A, %add3A_1211 : vector<16xi32>
    %ge3A_1213 = arith.constant 24 : i32
    %ge3A_1214 = vector.broadcast %ge3A_1213 : i32 to vector<16xi32>
    %ge3A_1215 = arith.cmpi sge, %add3A_1212, %ge3A_1214 : vector<16xi32>
    %sub3A_1216 = arith.constant 24 : i32
    %sub3A_1217 = vector.broadcast %sub3A_1216 : i32 to vector<16xi32>
    %sub3A_1218 = arith.subi %add3A_1212, %sub3A_1217 : vector<16xi32>
    %select_n3A_1219 = arith.select %ge3A_1215, %sub3A_1218, %add3A_1212 : vector<16xi1>, vector<16xi32>
    %add3A_1220 = arith.constant 9 : i32
    %add3A_1221 = vector.broadcast %add3A_1220 : i32 to vector<16xi32>
    %add3A_1222 = arith.addi %iota3A, %add3A_1221 : vector<16xi32>
    %ge3A_1223 = arith.constant 24 : i32
    %ge3A_1224 = vector.broadcast %ge3A_1223 : i32 to vector<16xi32>
    %ge3A_1225 = arith.cmpi sge, %add3A_1222, %ge3A_1224 : vector<16xi32>
    %sub3A_1226 = arith.constant 24 : i32
    %sub3A_1227 = vector.broadcast %sub3A_1226 : i32 to vector<16xi32>
    %sub3A_1228 = arith.subi %add3A_1222, %sub3A_1227 : vector<16xi32>
    %select_n3A_1229 = arith.select %ge3A_1225, %sub3A_1228, %add3A_1222 : vector<16xi1>, vector<16xi32>
    %add3A_1230 = arith.constant 10 : i32
    %add3A_1231 = vector.broadcast %add3A_1230 : i32 to vector<16xi32>
    %add3A_1232 = arith.addi %iota3A, %add3A_1231 : vector<16xi32>
    %ge3A_1233 = arith.constant 24 : i32
    %ge3A_1234 = vector.broadcast %ge3A_1233 : i32 to vector<16xi32>
    %ge3A_1235 = arith.cmpi sge, %add3A_1232, %ge3A_1234 : vector<16xi32>
    %sub3A_1236 = arith.constant 24 : i32
    %sub3A_1237 = vector.broadcast %sub3A_1236 : i32 to vector<16xi32>
    %sub3A_1238 = arith.subi %add3A_1232, %sub3A_1237 : vector<16xi32>
    %select_n3A_1239 = arith.select %ge3A_1235, %sub3A_1238, %add3A_1232 : vector<16xi1>, vector<16xi32>
    %add3A_1240 = arith.constant 11 : i32
    %add3A_1241 = vector.broadcast %add3A_1240 : i32 to vector<16xi32>
    %add3A_1242 = arith.addi %iota3A, %add3A_1241 : vector<16xi32>
    %ge3A_1243 = arith.constant 24 : i32
    %ge3A_1244 = vector.broadcast %ge3A_1243 : i32 to vector<16xi32>
    %ge3A_1245 = arith.cmpi sge, %add3A_1242, %ge3A_1244 : vector<16xi32>
    %sub3A_1246 = arith.constant 24 : i32
    %sub3A_1247 = vector.broadcast %sub3A_1246 : i32 to vector<16xi32>
    %sub3A_1248 = arith.subi %add3A_1242, %sub3A_1247 : vector<16xi32>
    %select_n3A_1249 = arith.select %ge3A_1245, %sub3A_1248, %add3A_1242 : vector<16xi1>, vector<16xi32>
    %add3A_1250 = arith.constant 12 : i32
    %add3A_1251 = vector.broadcast %add3A_1250 : i32 to vector<16xi32>
    %add3A_1252 = arith.addi %iota3A, %add3A_1251 : vector<16xi32>
    %ge3A_1253 = arith.constant 24 : i32
    %ge3A_1254 = vector.broadcast %ge3A_1253 : i32 to vector<16xi32>
    %ge3A_1255 = arith.cmpi sge, %add3A_1252, %ge3A_1254 : vector<16xi32>
    %sub3A_1256 = arith.constant 24 : i32
    %sub3A_1257 = vector.broadcast %sub3A_1256 : i32 to vector<16xi32>
    %sub3A_1258 = arith.subi %add3A_1252, %sub3A_1257 : vector<16xi32>
    %select_n3A_1259 = arith.select %ge3A_1255, %sub3A_1258, %add3A_1252 : vector<16xi1>, vector<16xi32>
    %add3A_1260 = arith.constant 13 : i32
    %add3A_1261 = vector.broadcast %add3A_1260 : i32 to vector<16xi32>
    %add3A_1262 = arith.addi %iota3A, %add3A_1261 : vector<16xi32>
    %ge3A_1263 = arith.constant 24 : i32
    %ge3A_1264 = vector.broadcast %ge3A_1263 : i32 to vector<16xi32>
    %ge3A_1265 = arith.cmpi sge, %add3A_1262, %ge3A_1264 : vector<16xi32>
    %sub3A_1266 = arith.constant 24 : i32
    %sub3A_1267 = vector.broadcast %sub3A_1266 : i32 to vector<16xi32>
    %sub3A_1268 = arith.subi %add3A_1262, %sub3A_1267 : vector<16xi32>
    %select_n3A_1269 = arith.select %ge3A_1265, %sub3A_1268, %add3A_1262 : vector<16xi1>, vector<16xi32>
    %add3A_1270 = arith.constant 14 : i32
    %add3A_1271 = vector.broadcast %add3A_1270 : i32 to vector<16xi32>
    %add3A_1272 = arith.addi %iota3A, %add3A_1271 : vector<16xi32>
    %ge3A_1273 = arith.constant 24 : i32
    %ge3A_1274 = vector.broadcast %ge3A_1273 : i32 to vector<16xi32>
    %ge3A_1275 = arith.cmpi sge, %add3A_1272, %ge3A_1274 : vector<16xi32>
    %sub3A_1276 = arith.constant 24 : i32
    %sub3A_1277 = vector.broadcast %sub3A_1276 : i32 to vector<16xi32>
    %sub3A_1278 = arith.subi %add3A_1272, %sub3A_1277 : vector<16xi32>
    %select_n3A_1279 = arith.select %ge3A_1275, %sub3A_1278, %add3A_1272 : vector<16xi1>, vector<16xi32>
    %add3A_1280 = arith.constant 15 : i32
    %add3A_1281 = vector.broadcast %add3A_1280 : i32 to vector<16xi32>
    %add3A_1282 = arith.addi %iota3A, %add3A_1281 : vector<16xi32>
    %ge3A_1283 = arith.constant 24 : i32
    %ge3A_1284 = vector.broadcast %ge3A_1283 : i32 to vector<16xi32>
    %ge3A_1285 = arith.cmpi sge, %add3A_1282, %ge3A_1284 : vector<16xi32>
    %sub3A_1286 = arith.constant 24 : i32
    %sub3A_1287 = vector.broadcast %sub3A_1286 : i32 to vector<16xi32>
    %sub3A_1288 = arith.subi %add3A_1282, %sub3A_1287 : vector<16xi32>
    %select_n3A_1289 = arith.select %ge3A_1285, %sub3A_1288, %add3A_1282 : vector<16xi1>, vector<16xi32>
    %add3A_1290 = arith.constant 16 : i32
    %add3A_1291 = vector.broadcast %add3A_1290 : i32 to vector<16xi32>
    %add3A_1292 = arith.addi %iota3A, %add3A_1291 : vector<16xi32>
    %ge3A_1293 = arith.constant 24 : i32
    %ge3A_1294 = vector.broadcast %ge3A_1293 : i32 to vector<16xi32>
    %ge3A_1295 = arith.cmpi sge, %add3A_1292, %ge3A_1294 : vector<16xi32>
    %sub3A_1296 = arith.constant 24 : i32
    %sub3A_1297 = vector.broadcast %sub3A_1296 : i32 to vector<16xi32>
    %sub3A_1298 = arith.subi %add3A_1292, %sub3A_1297 : vector<16xi32>
    %select_n3A_1299 = arith.select %ge3A_1295, %sub3A_1298, %add3A_1292 : vector<16xi1>, vector<16xi32>
    %add3A_1300 = arith.constant 17 : i32
    %add3A_1301 = vector.broadcast %add3A_1300 : i32 to vector<16xi32>
    %add3A_1302 = arith.addi %iota3A, %add3A_1301 : vector<16xi32>
    %ge3A_1303 = arith.constant 24 : i32
    %ge3A_1304 = vector.broadcast %ge3A_1303 : i32 to vector<16xi32>
    %ge3A_1305 = arith.cmpi sge, %add3A_1302, %ge3A_1304 : vector<16xi32>
    %sub3A_1306 = arith.constant 24 : i32
    %sub3A_1307 = vector.broadcast %sub3A_1306 : i32 to vector<16xi32>
    %sub3A_1308 = arith.subi %add3A_1302, %sub3A_1307 : vector<16xi32>
    %select_n3A_1309 = arith.select %ge3A_1305, %sub3A_1308, %add3A_1302 : vector<16xi1>, vector<16xi32>
    %add3A_1310 = arith.constant 18 : i32
    %add3A_1311 = vector.broadcast %add3A_1310 : i32 to vector<16xi32>
    %add3A_1312 = arith.addi %iota3A, %add3A_1311 : vector<16xi32>
    %ge3A_1313 = arith.constant 24 : i32
    %ge3A_1314 = vector.broadcast %ge3A_1313 : i32 to vector<16xi32>
    %ge3A_1315 = arith.cmpi sge, %add3A_1312, %ge3A_1314 : vector<16xi32>
    %sub3A_1316 = arith.constant 24 : i32
    %sub3A_1317 = vector.broadcast %sub3A_1316 : i32 to vector<16xi32>
    %sub3A_1318 = arith.subi %add3A_1312, %sub3A_1317 : vector<16xi32>
    %select_n3A_1319 = arith.select %ge3A_1315, %sub3A_1318, %add3A_1312 : vector<16xi1>, vector<16xi32>
    %add3A_1320 = arith.constant 19 : i32
    %add3A_1321 = vector.broadcast %add3A_1320 : i32 to vector<16xi32>
    %add3A_1322 = arith.addi %iota3A, %add3A_1321 : vector<16xi32>
    %ge3A_1323 = arith.constant 24 : i32
    %ge3A_1324 = vector.broadcast %ge3A_1323 : i32 to vector<16xi32>
    %ge3A_1325 = arith.cmpi sge, %add3A_1322, %ge3A_1324 : vector<16xi32>
    %sub3A_1326 = arith.constant 24 : i32
    %sub3A_1327 = vector.broadcast %sub3A_1326 : i32 to vector<16xi32>
    %sub3A_1328 = arith.subi %add3A_1322, %sub3A_1327 : vector<16xi32>
    %select_n3A_1329 = arith.select %ge3A_1325, %sub3A_1328, %add3A_1322 : vector<16xi1>, vector<16xi32>
    %add3A_1330 = arith.constant 20 : i32
    %add3A_1331 = vector.broadcast %add3A_1330 : i32 to vector<16xi32>
    %add3A_1332 = arith.addi %iota3A, %add3A_1331 : vector<16xi32>
    %ge3A_1333 = arith.constant 24 : i32
    %ge3A_1334 = vector.broadcast %ge3A_1333 : i32 to vector<16xi32>
    %ge3A_1335 = arith.cmpi sge, %add3A_1332, %ge3A_1334 : vector<16xi32>
    %sub3A_1336 = arith.constant 24 : i32
    %sub3A_1337 = vector.broadcast %sub3A_1336 : i32 to vector<16xi32>
    %sub3A_1338 = arith.subi %add3A_1332, %sub3A_1337 : vector<16xi32>
    %select_n3A_1339 = arith.select %ge3A_1335, %sub3A_1338, %add3A_1332 : vector<16xi1>, vector<16xi32>
    %add3A_1340 = arith.constant 21 : i32
    %add3A_1341 = vector.broadcast %add3A_1340 : i32 to vector<16xi32>
    %add3A_1342 = arith.addi %iota3A, %add3A_1341 : vector<16xi32>
    %ge3A_1343 = arith.constant 24 : i32
    %ge3A_1344 = vector.broadcast %ge3A_1343 : i32 to vector<16xi32>
    %ge3A_1345 = arith.cmpi sge, %add3A_1342, %ge3A_1344 : vector<16xi32>
    %sub3A_1346 = arith.constant 24 : i32
    %sub3A_1347 = vector.broadcast %sub3A_1346 : i32 to vector<16xi32>
    %sub3A_1348 = arith.subi %add3A_1342, %sub3A_1347 : vector<16xi32>
    %select_n3A_1349 = arith.select %ge3A_1345, %sub3A_1348, %add3A_1342 : vector<16xi1>, vector<16xi32>
    %add3A_1350 = arith.constant 22 : i32
    %add3A_1351 = vector.broadcast %add3A_1350 : i32 to vector<16xi32>
    %add3A_1352 = arith.addi %iota3A, %add3A_1351 : vector<16xi32>
    %ge3A_1353 = arith.constant 24 : i32
    %ge3A_1354 = vector.broadcast %ge3A_1353 : i32 to vector<16xi32>
    %ge3A_1355 = arith.cmpi sge, %add3A_1352, %ge3A_1354 : vector<16xi32>
    %sub3A_1356 = arith.constant 24 : i32
    %sub3A_1357 = vector.broadcast %sub3A_1356 : i32 to vector<16xi32>
    %sub3A_1358 = arith.subi %add3A_1352, %sub3A_1357 : vector<16xi32>
    %select_n3A_1359 = arith.select %ge3A_1355, %sub3A_1358, %add3A_1352 : vector<16xi1>, vector<16xi32>
    %add3A_1360 = arith.constant 23 : i32
    %add3A_1361 = vector.broadcast %add3A_1360 : i32 to vector<16xi32>
    %add3A_1362 = arith.addi %iota3A, %add3A_1361 : vector<16xi32>
    %ge3A_1363 = arith.constant 24 : i32
    %ge3A_1364 = vector.broadcast %ge3A_1363 : i32 to vector<16xi32>
    %ge3A_1365 = arith.cmpi sge, %add3A_1362, %ge3A_1364 : vector<16xi32>
    %sub3A_1366 = arith.constant 24 : i32
    %sub3A_1367 = vector.broadcast %sub3A_1366 : i32 to vector<16xi32>
    %sub3A_1368 = arith.subi %add3A_1362, %sub3A_1367 : vector<16xi32>
    %select_n3A_1369 = arith.select %ge3A_1365, %sub3A_1368, %add3A_1362 : vector<16xi1>, vector<16xi32>
    %scan3A = arith.constant 0 : i32
    %scan3A_1370 = arith.constant 0 : i32
    %scan3A_1371 = arith.constant 8 : i32
    %scan3A_1372 = arith.addi %scan3A_1370, %scan3A_1371 : i32
    %scan3A_1373 = arith.constant 1 : i32
    scf.for %scan3A_1481 = %scan3A_1370 to %scan3A_1372 step %scan3A_1373  : i32 {
      %mul3A_1482 = arith.constant 16 : i32
      %mul3A_1483 = arith.muli %scan3A_1481, %mul3A_1482 : i32
      %get3A_1484 = arith.index_cast %mul3A_1483 : i32 to index
      %get3A_1485 = tpu.vector_load %arg15[%get3A_1484] {strides = array<i32>} : memref<512xi32, #tpu.memory_space<vmem>>, vector<16xi32>,
      %mul3A_1486 = arith.constant 25 : i32
      %mul3A_1487 = vector.broadcast %mul3A_1486 : i32 to vector<16xi32>
      %mul3A_1488 = arith.muli %get3A_1485, %mul3A_1487 : vector<16xi32>
      %get3A_1489 = arith.index_cast %mul3A_1483 : i32 to index
      %get3A_1490 = tpu.vector_load %arg16[%get3A_1489] {strides = array<i32>} : memref<512xi32, #tpu.memory_space<vmem>>, vector<16xi32>,
      %mul3A_1491 = arith.constant 50 : i32
      %mul3A_1492 = vector.broadcast %mul3A_1491 : i32 to vector<16xi32>
      %mul3A_1493 = arith.muli %get3A_1490, %mul3A_1492 : vector<16xi32>
      %get3A_1494 = arith.index_cast %mul3A_1483 : i32 to index
      %get3A_1495 = tpu.vector_load %arg17[%get3A_1494] {strides = array<i32>} : memref<512xi32, #tpu.memory_space<vmem>>, vector<16xi32>,
      %mul3A_1496 = arith.constant 25 : i32
      %mul3A_1497 = vector.broadcast %mul3A_1496 : i32 to vector<16xi32>
      %mul3A_1498 = arith.muli %get3A_1495, %mul3A_1497 : vector<16xi32>
      %add3A_1499 = arith.addi %mul3A_1493, %mul3A_1498 : vector<16xi32>
      %add3A_1500 = vector.broadcast %mul3A_1483 : i32 to vector<16xi32>
      %add3A_1501 = arith.addi %add3A_1500, %iota3A : vector<16xi32>
      %add3A_1502 = arith.addi %mul3A_1488, %select_n3A : vector<16xi32>
      %gather3A = tpu.vector_load_idx %arg13[%add3A_1502] : memref<1333xf32, #tpu.memory_space<vmem>>[vector<16xi32>], vector<16xf32>,
      %add3A_1503 = arith.addi %add3A_1499, %select_n3A : vector<16xi32>
      %gather3A_1504 = tpu.vector_load_idx %arg14[%add3A_1503] : memref<358xf32, #tpu.memory_space<vmem>>[vector<16xi32>], vector<16xf32>,
      %add3A_1505 = arith.addi %mul3A_1488, %select_n3A_1179 : vector<16xi32>
      %gather3A_1506 = tpu.vector_load_idx %arg13[%add3A_1505] : memref<1333xf32, #tpu.memory_space<vmem>>[vector<16xi32>], vector<16xf32>,
      %add3A_1507 = arith.addi %add3A_1499, %select_n3A_1179 : vector<16xi32>
      %gather3A_1508 = tpu.vector_load_idx %arg14[%add3A_1507] : memref<358xf32, #tpu.memory_space<vmem>>[vector<16xi32>], vector<16xf32>,
      %add3A_1509 = arith.addi %mul3A_1488, %select_n3A_1219 : vector<16xi32>
      %gather3A_1510 = tpu.vector_load_idx %arg13[%add3A_1509] : memref<1333xf32, #tpu.memory_space<vmem>>[vector<16xi32>], vector<16xf32>,
      %add3A_1511 = arith.addi %add3A_1499, %select_n3A_1219 : vector<16xi32>
      %gather3A_1512 = tpu.vector_load_idx %arg14[%add3A_1511] : memref<358xf32, #tpu.memory_space<vmem>>[vector<16xi32>], vector<16xf32>,
      %add3A_1513 = arith.addi %mul3A_1488, %select_n3A_1259 : vector<16xi32>
      %gather3A_1514 = tpu.vector_load_idx %arg13[%add3A_1513] : memref<1333xf32, #tpu.memory_space<vmem>>[vector<16xi32>], vector<16xf32>,
      %add3A_1515 = arith.addi %add3A_1499, %select_n3A_1259 : vector<16xi32>
      %gather3A_1516 = tpu.vector_load_idx %arg14[%add3A_1515] : memref<358xf32, #tpu.memory_space<vmem>>[vector<16xi32>], vector<16xf32>,
      %add3A_1517 = arith.addi %mul3A_1488, %select_n3A_1299 : vector<16xi32>
      %gather3A_1518 = tpu.vector_load_idx %arg13[%add3A_1517] : memref<1333xf32, #tpu.memory_space<vmem>>[vector<16xi32>], vector<16xf32>,
      %add3A_1519 = arith.addi %add3A_1499, %select_n3A_1299 : vector<16xi32>
      %gather3A_1520 = tpu.vector_load_idx %arg14[%add3A_1519] : memref<358xf32, #tpu.memory_space<vmem>>[vector<16xi32>], vector<16xf32>,
      %add3A_1521 = arith.addi %mul3A_1488, %select_n3A_1339 : vector<16xi32>
      %gather3A_1522 = tpu.vector_load_idx %arg13[%add3A_1521] : memref<1333xf32, #tpu.memory_space<vmem>>[vector<16xi32>], vector<16xf32>,
      %add3A_1523 = arith.addi %add3A_1499, %select_n3A_1339 : vector<16xi32>
      %gather3A_1524 = tpu.vector_load_idx %arg14[%add3A_1523] : memref<358xf32, #tpu.memory_space<vmem>>[vector<16xi32>], vector<16xf32>,
      %add3A_1525 = arith.addf %gather3A, %gather3A_1504 : vector<16xf32>
      tpu.vector_store_idx %arg18[%add3A_1501, %select_n3A], %add3A_1525 : memref<512x128xf32, #tpu.memory_space<vmem>>[vector<16xi32>, vector<16xi32>], vector<16xf32>,
      %add3A_1526 = arith.addf %gather3A_1506, %gather3A_1508 : vector<16xf32>
      tpu.vector_store_idx %arg18[%add3A_1501, %select_n3A_1179], %add3A_1526 : memref<512x128xf32, #tpu.memory_space<vmem>>[vector<16xi32>, vector<16xi32>], vector<16xf32>,
      %add3A_1527 = arith.addf %gather3A_1510, %gather3A_1512 : vector<16xf32>
      tpu.vector_store_idx %arg18[%add3A_1501, %select_n3A_1219], %add3A_1527 : memref<512x128xf32, #tpu.memory_space<vmem>>[vector<16xi32>, vector<16xi32>], vector<16xf32>,
      %add3A_1528 = arith.addf %gather3A_1514, %gather3A_1516 : vector<16xf32>
      tpu.vector_store_idx %arg18[%add3A_1501, %select_n3A_1259], %add3A_1528 : memref<512x128xf32, #tpu.memory_space<vmem>>[vector<16xi32>, vector<16xi32>], vector<16xf32>,
      %add3A_1529 = arith.addf %gather3A_1518, %gather3A_1520 : vector<16xf32>
      tpu.vector_store_idx %arg18[%add3A_1501, %select_n3A_1299], %add3A_1529 : memref<512x128xf32, #tpu.memory_space<vmem>>[vector<16xi32>, vector<16xi32>], vector<16xf32>,
      %add3A_1530 = arith.addf %gather3A_1522, %gather3A_1524 : vector<16xf32>
      tpu.vector_store_idx %arg18[%add3A_1501, %select_n3A_1339], %add3A_1530 : memref<512x128xf32, #tpu.memory_space<vmem>>[vector<16xi32>, vector<16xi32>], vector<16xf32>,
      %add3A_1531 = arith.addi %mul3A_1488, %select_n3A_1149 : vector<16xi32>
      %gather3A_1532 = tpu.vector_load_idx %arg13[%add3A_1531] : memref<1333xf32, #tpu.memory_space<vmem>>[vector<16xi32>], vector<16xf32>,
      %add3A_1533 = arith.addi %add3A_1499, %select_n3A_1149 : vector<16xi32>
      %gather3A_1534 = tpu.vector_load_idx %arg14[%add3A_1533] : memref<358xf32, #tpu.memory_space<vmem>>[vector<16xi32>], vector<16xf32>,
      %add3A_1535 = arith.addi %mul3A_1488, %select_n3A_1189 : vector<16xi32>
      %gather3A_1536 = tpu.vector_load_idx %arg13[%add3A_1535] : memref<1333xf32, #tpu.memory_space<vmem>>[vector<16xi32>], vector<16xf32>,
      %add3A_1537 = arith.addi %add3A_1499, %select_n3A_1189 : vector<16xi32>
      %gather3A_1538 = tpu.vector_load_idx %arg14[%add3A_1537] : memref<358xf32, #tpu.memory_space<vmem>>[vector<16xi32>], vector<16xf32>,
      %add3A_1539 = arith.addi %mul3A_1488, %select_n3A_1229 : vector<16xi32>
      %gather3A_1540 = tpu.vector_load_idx %arg13[%add3A_1539] : memref<1333xf32, #tpu.memory_space<vmem>>[vector<16xi32>], vector<16xf32>,
      %add3A_1541 = arith.addi %add3A_1499, %select_n3A_1229 : vector<16xi32>
      %gather3A_1542 = tpu.vector_load_idx %arg14[%add3A_1541] : memref<358xf32, #tpu.memory_space<vmem>>[vector<16xi32>], vector<16xf32>,
      %add3A_1543 = arith.addi %mul3A_1488, %select_n3A_1269 : vector<16xi32>
      %gather3A_1544 = tpu.vector_load_idx %arg13[%add3A_1543] : memref<1333xf32, #tpu.memory_space<vmem>>[vector<16xi32>], vector<16xf32>,
      %add3A_1545 = arith.addi %add3A_1499, %select_n3A_1269 : vector<16xi32>
      %gather3A_1546 = tpu.vector_load_idx %arg14[%add3A_1545] : memref<358xf32, #tpu.memory_space<vmem>>[vector<16xi32>], vector<16xf32>,
      %add3A_1547 = arith.addi %mul3A_1488, %select_n3A_1309 : vector<16xi32>
      %gather3A_1548 = tpu.vector_load_idx %arg13[%add3A_1547] : memref<1333xf32, #tpu.memory_space<vmem>>[vector<16xi32>], vector<16xf32>,
      %add3A_1549 = arith.addi %add3A_1499, %select_n3A_1309 : vector<16xi32>
      %gather3A_1550 = tpu.vector_load_idx %arg14[%add3A_1549] : memref<358xf32, #tpu.memory_space<vmem>>[vector<16xi32>], vector<16xf32>,
      %add3A_1551 = arith.addi %mul3A_1488, %select_n3A_1349 : vector<16xi32>
      %gather3A_1552 = tpu.vector_load_idx %arg13[%add3A_1551] : memref<1333xf32, #tpu.memory_space<vmem>>[vector<16xi32>], vector<16xf32>,
      %add3A_1553 = arith.addi %add3A_1499, %select_n3A_1349 : vector<16xi32>
      %gather3A_1554 = tpu.vector_load_idx %arg14[%add3A_1553] : memref<358xf32, #tpu.memory_space<vmem>>[vector<16xi32>], vector<16xf32>,
      %add3A_1555 = arith.addf %gather3A_1532, %gather3A_1534 : vector<16xf32>
      tpu.vector_store_idx %arg18[%add3A_1501, %select_n3A_1149], %add3A_1555 : memref<512x128xf32, #tpu.memory_space<vmem>>[vector<16xi32>, vector<16xi32>], vector<16xf32>,
      %add3A_1556 = arith.addf %gather3A_1536, %gather3A_1538 : vector<16xf32>
      tpu.vector_store_idx %arg18[%add3A_1501, %select_n3A_1189], %add3A_1556 : memref<512x128xf32, #tpu.memory_space<vmem>>[vector<16xi32>, vector<16xi32>], vector<16xf32>,
      %add3A_1557 = arith.addf %gather3A_1540, %gather3A_1542 : vector<16xf32>
      tpu.vector_store_idx %arg18[%add3A_1501, %select_n3A_1229], %add3A_1557 : memref<512x128xf32, #tpu.memory_space<vmem>>[vector<16xi32>, vector<16xi32>], vector<16xf32>,
      %add3A_1558 = arith.addf %gather3A_1544, %gather3A_1546 : vector<16xf32>
      tpu.vector_store_idx %arg18[%add3A_1501, %select_n3A_1269], %add3A_1558 : memref<512x128xf32, #tpu.memory_space<vmem>>[vector<16xi32>, vector<16xi32>], vector<16xf32>,
      %add3A_1559 = arith.addf %gather3A_1548, %gather3A_1550 : vector<16xf32>
      tpu.vector_store_idx %arg18[%add3A_1501, %select_n3A_1309], %add3A_1559 : memref<512x128xf32, #tpu.memory_space<vmem>>[vector<16xi32>, vector<16xi32>], vector<16xf32>,
      %add3A_1560 = arith.addf %gather3A_1552, %gather3A_1554 : vector<16xf32>
      tpu.vector_store_idx %arg18[%add3A_1501, %select_n3A_1349], %add3A_1560 : memref<512x128xf32, #tpu.memory_space<vmem>>[vector<16xi32>, vector<16xi32>], vector<16xf32>,
      %add3A_1561 = arith.addi %mul3A_1488, %select_n3A_1159 : vector<16xi32>
      %gather3A_1562 = tpu.vector_load_idx %arg13[%add3A_1561] : memref<1333xf32, #tpu.memory_space<vmem>>[vector<16xi32>], vector<16xf32>,
      %add3A_1563 = arith.addi %add3A_1499, %select_n3A_1159 : vector<16xi32>
      %gather3A_1564 = tpu.vector_load_idx %arg14[%add3A_1563] : memref<358xf32, #tpu.memory_space<vmem>>[vector<16xi32>], vector<16xf32>,
      %add3A_1565 = arith.addi %mul3A_1488, %select_n3A_1199 : vector<16xi32>
      %gather3A_1566 = tpu.vector_load_idx %arg13[%add3A_1565] : memref<1333xf32, #tpu.memory_space<vmem>>[vector<16xi32>], vector<16xf32>,
      %add3A_1567 = arith.addi %add3A_1499, %select_n3A_1199 : vector<16xi32>
      %gather3A_1568 = tpu.vector_load_idx %arg14[%add3A_1567] : memref<358xf32, #tpu.memory_space<vmem>>[vector<16xi32>], vector<16xf32>,
      %add3A_1569 = arith.addi %mul3A_1488, %select_n3A_1239 : vector<16xi32>
      %gather3A_1570 = tpu.vector_load_idx %arg13[%add3A_1569] : memref<1333xf32, #tpu.memory_space<vmem>>[vector<16xi32>], vector<16xf32>,
      %add3A_1571 = arith.addi %add3A_1499, %select_n3A_1239 : vector<16xi32>
      %gather3A_1572 = tpu.vector_load_idx %arg14[%add3A_1571] : memref<358xf32, #tpu.memory_space<vmem>>[vector<16xi32>], vector<16xf32>,
      %add3A_1573 = arith.addi %mul3A_1488, %select_n3A_1279 : vector<16xi32>
      %gather3A_1574 = tpu.vector_load_idx %arg13[%add3A_1573] : memref<1333xf32, #tpu.memory_space<vmem>>[vector<16xi32>], vector<16xf32>,
      %add3A_1575 = arith.addi %add3A_1499, %select_n3A_1279 : vector<16xi32>
      %gather3A_1576 = tpu.vector_load_idx %arg14[%add3A_1575] : memref<358xf32, #tpu.memory_space<vmem>>[vector<16xi32>], vector<16xf32>,
      %add3A_1577 = arith.addi %mul3A_1488, %select_n3A_1319 : vector<16xi32>
      %gather3A_1578 = tpu.vector_load_idx %arg13[%add3A_1577] : memref<1333xf32, #tpu.memory_space<vmem>>[vector<16xi32>], vector<16xf32>,
      %add3A_1579 = arith.addi %add3A_1499, %select_n3A_1319 : vector<16xi32>
      %gather3A_1580 = tpu.vector_load_idx %arg14[%add3A_1579] : memref<358xf32, #tpu.memory_space<vmem>>[vector<16xi32>], vector<16xf32>,
      %add3A_1581 = arith.addi %mul3A_1488, %select_n3A_1359 : vector<16xi32>
      %gather3A_1582 = tpu.vector_load_idx %arg13[%add3A_1581] : memref<1333xf32, #tpu.memory_space<vmem>>[vector<16xi32>], vector<16xf32>,
      %add3A_1583 = arith.addi %add3A_1499, %select_n3A_1359 : vector<16xi32>
      %gather3A_1584 = tpu.vector_load_idx %arg14[%add3A_1583] : memref<358xf32, #tpu.memory_space<vmem>>[vector<16xi32>], vector<16xf32>,
      %add3A_1585 = arith.addf %gather3A_1562, %gather3A_1564 : vector<16xf32>
      tpu.vector_store_idx %arg18[%add3A_1501, %select_n3A_1159], %add3A_1585 : memref<512x128xf32, #tpu.memory_space<vmem>>[vector<16xi32>, vector<16xi32>], vector<16xf32>,
      %add3A_1586 = arith.addf %gather3A_1566, %gather3A_1568 : vector<16xf32>
      tpu.vector_store_idx %arg18[%add3A_1501, %select_n3A_1199], %add3A_1586 : memref<512x128xf32, #tpu.memory_space<vmem>>[vector<16xi32>, vector<16xi32>], vector<16xf32>,
      %add3A_1587 = arith.addf %gather3A_1570, %gather3A_1572 : vector<16xf32>
      tpu.vector_store_idx %arg18[%add3A_1501, %select_n3A_1239], %add3A_1587 : memref<512x128xf32, #tpu.memory_space<vmem>>[vector<16xi32>, vector<16xi32>], vector<16xf32>,
      %add3A_1588 = arith.addf %gather3A_1574, %gather3A_1576 : vector<16xf32>
      tpu.vector_store_idx %arg18[%add3A_1501, %select_n3A_1279], %add3A_1588 : memref<512x128xf32, #tpu.memory_space<vmem>>[vector<16xi32>, vector<16xi32>], vector<16xf32>,
      %add3A_1589 = arith.addf %gather3A_1578, %gather3A_1580 : vector<16xf32>
      tpu.vector_store_idx %arg18[%add3A_1501, %select_n3A_1319], %add3A_1589 : memref<512x128xf32, #tpu.memory_space<vmem>>[vector<16xi32>, vector<16xi32>], vector<16xf32>,
      %add3A_1590 = arith.addf %gather3A_1582, %gather3A_1584 : vector<16xf32>
      tpu.vector_store_idx %arg18[%add3A_1501, %select_n3A_1359], %add3A_1590 : memref<512x128xf32, #tpu.memory_space<vmem>>[vector<16xi32>, vector<16xi32>], vector<16xf32>,
      %add3A_1591 = arith.addi %mul3A_1488, %select_n3A_1169 : vector<16xi32>
      %gather3A_1592 = tpu.vector_load_idx %arg13[%add3A_1591] : memref<1333xf32, #tpu.memory_space<vmem>>[vector<16xi32>], vector<16xf32>,
      %add3A_1593 = arith.addi %add3A_1499, %select_n3A_1169 : vector<16xi32>
      %gather3A_1594 = tpu.vector_load_idx %arg14[%add3A_1593] : memref<358xf32, #tpu.memory_space<vmem>>[vector<16xi32>], vector<16xf32>,
      %add3A_1595 = arith.addi %mul3A_1488, %select_n3A_1209 : vector<16xi32>
      %gather3A_1596 = tpu.vector_load_idx %arg13[%add3A_1595] : memref<1333xf32, #tpu.memory_space<vmem>>[vector<16xi32>], vector<16xf32>,
      %add3A_1597 = arith.addi %add3A_1499, %select_n3A_1209 : vector<16xi32>
      %gather3A_1598 = tpu.vector_load_idx %arg14[%add3A_1597] : memref<358xf32, #tpu.memory_space<vmem>>[vector<16xi32>], vector<16xf32>,
      %add3A_1599 = arith.addi %mul3A_1488, %select_n3A_1249 : vector<16xi32>
      %gather3A_1600 = tpu.vector_load_idx %arg13[%add3A_1599] : memref<1333xf32, #tpu.memory_space<vmem>>[vector<16xi32>], vector<16xf32>,
      %add3A_1601 = arith.addi %add3A_1499, %select_n3A_1249 : vector<16xi32>
      %gather3A_1602 = tpu.vector_load_idx %arg14[%add3A_1601] : memref<358xf32, #tpu.memory_space<vmem>>[vector<16xi32>], vector<16xf32>,
      %add3A_1603 = arith.addi %mul3A_1488, %select_n3A_1289 : vector<16xi32>
      %gather3A_1604 = tpu.vector_load_idx %arg13[%add3A_1603] : memref<1333xf32, #tpu.memory_space<vmem>>[vector<16xi32>], vector<16xf32>,
      %add3A_1605 = arith.addi %add3A_1499, %select_n3A_1289 : vector<16xi32>
      %gather3A_1606 = tpu.vector_load_idx %arg14[%add3A_1605] : memref<358xf32, #tpu.memory_space<vmem>>[vector<16xi32>], vector<16xf32>,
      %add3A_1607 = arith.addi %mul3A_1488, %select_n3A_1329 : vector<16xi32>
      %gather3A_1608 = tpu.vector_load_idx %arg13[%add3A_1607] : memref<1333xf32, #tpu.memory_space<vmem>>[vector<16xi32>], vector<16xf32>,
      %add3A_1609 = arith.addi %add3A_1499, %select_n3A_1329 : vector<16xi32>
      %gather3A_1610 = tpu.vector_load_idx %arg14[%add3A_1609] : memref<358xf32, #tpu.memory_space<vmem>>[vector<16xi32>], vector<16xf32>,
      %add3A_1611 = arith.addi %mul3A_1488, %select_n3A_1369 : vector<16xi32>
      %gather3A_1612 = tpu.vector_load_idx %arg13[%add3A_1611] : memref<1333xf32, #tpu.memory_space<vmem>>[vector<16xi32>], vector<16xf32>,
      %add3A_1613 = arith.addi %add3A_1499, %select_n3A_1369 : vector<16xi32>
      %gather3A_1614 = tpu.vector_load_idx %arg14[%add3A_1613] : memref<358xf32, #tpu.memory_space<vmem>>[vector<16xi32>], vector<16xf32>,
      %add3A_1615 = arith.addf %gather3A_1592, %gather3A_1594 : vector<16xf32>
      tpu.vector_store_idx %arg18[%add3A_1501, %select_n3A_1169], %add3A_1615 : memref<512x128xf32, #tpu.memory_space<vmem>>[vector<16xi32>, vector<16xi32>], vector<16xf32>,
      %add3A_1616 = arith.addf %gather3A_1596, %gather3A_1598 : vector<16xf32>
      tpu.vector_store_idx %arg18[%add3A_1501, %select_n3A_1209], %add3A_1616 : memref<512x128xf32, #tpu.memory_space<vmem>>[vector<16xi32>, vector<16xi32>], vector<16xf32>,
      %add3A_1617 = arith.addf %gather3A_1600, %gather3A_1602 : vector<16xf32>
      tpu.vector_store_idx %arg18[%add3A_1501, %select_n3A_1249], %add3A_1617 : memref<512x128xf32, #tpu.memory_space<vmem>>[vector<16xi32>, vector<16xi32>], vector<16xf32>,
      %add3A_1618 = arith.addf %gather3A_1604, %gather3A_1606 : vector<16xf32>
      tpu.vector_store_idx %arg18[%add3A_1501, %select_n3A_1289], %add3A_1618 : memref<512x128xf32, #tpu.memory_space<vmem>>[vector<16xi32>, vector<16xi32>], vector<16xf32>,
      %add3A_1619 = arith.addf %gather3A_1608, %gather3A_1610 : vector<16xf32>
      tpu.vector_store_idx %arg18[%add3A_1501, %select_n3A_1329], %add3A_1619 : memref<512x128xf32, #tpu.memory_space<vmem>>[vector<16xi32>, vector<16xi32>], vector<16xf32>,
      %add3A_1620 = arith.addf %gather3A_1612, %gather3A_1614 : vector<16xf32>
      tpu.vector_store_idx %arg18[%add3A_1501, %select_n3A_1369], %add3A_1620 : memref<512x128xf32, #tpu.memory_space<vmem>>[vector<16xi32>, vector<16xi32>], vector<16xf32>,
    }
    %scan3A_1374 = arith.constant 8 : i32
    %add3A_1375 = arith.constant 0 : i32
    %add3A_1376 = arith.addi %mul3A_2, %add3A_1375 : i32
    %dma_start3A_1377 = arith.constant 0 : i32
    %dma_start3A_1378 = arith.constant 0 : i32
    %dma_start3A_1379 = tpu.memref_slice %arg18[%dma_start3A_1377, %dma_start3A_1378] : memref<512x128xf32, #tpu.memory_space<vmem>> -> memref<128x128xf32, #tpu.memory_space<vmem>>
    %dma_start3A_1380 = arith.constant 0 : i32
    %dma_start3A_1381 = tpu.memref_slice %arg9[%add3A_1376, %dma_start3A_1380] : memref<16384x128xf32, #tpu.memory_space<hbm>> -> memref<128x128xf32, #tpu.memory_space<hbm>>
    %dma_start3A_1382 = arith.constant 0 : i32
    %dma_start3A_1383 = tpu.memref_slice %arg9[%add3A_1376, %dma_start3A_1382] : memref<16384x128xf32, #tpu.memory_space<hbm>> -> memref<128x128xf32, #tpu.memory_space<hbm>>
    %dma_start3A_1384 = arith.constant 0 : i32
    %dma_start3A_1385 = arith.constant 0 : i32
    %dma_start3A_1386 = tpu.memref_slice %arg18[%dma_start3A_1384, %dma_start3A_1385] : memref<512x128xf32, #tpu.memory_space<vmem>> -> memref<128x128xf32, #tpu.memory_space<vmem>>
    tpu.enqueue_dma source(%dma_start3A_1386 : memref<128x128xf32, #tpu.memory_space<vmem>>) target(%dma_start3A_1383 : memref<128x128xf32, #tpu.memory_space<hbm>>) target_semaphore(%arg20 : memref<!tpu.dma_semaphore, #tpu.memory_space<semaphore_mem>>)
    %scan3A_1387 = arith.constant 0 : i32
    %scan3A_1388 = arith.constant 8 : i32
    %scan3A_1389 = arith.constant 8 : i32
    %scan3A_1390 = arith.addi %scan3A_1388, %scan3A_1389 : i32
    %scan3A_1391 = arith.constant 1 : i32
    scf.for %scan3A_1481 = %scan3A_1388 to %scan3A_1390 step %scan3A_1391  : i32 {
      %mul3A_1482 = arith.constant 16 : i32
      %mul3A_1483 = arith.muli %scan3A_1481, %mul3A_1482 : i32
      %get3A_1484 = arith.index_cast %mul3A_1483 : i32 to index
      %get3A_1485 = tpu.vector_load %arg15[%get3A_1484] {strides = array<i32>} : memref<512xi32, #tpu.memory_space<vmem>>, vector<16xi32>,
      %mul3A_1486 = arith.constant 25 : i32
      %mul3A_1487 = vector.broadcast %mul3A_1486 : i32 to vector<16xi32>
      %mul3A_1488 = arith.muli %get3A_1485, %mul3A_1487 : vector<16xi32>
      %get3A_1489 = arith.index_cast %mul3A_1483 : i32 to index
      %get3A_1490 = tpu.vector_load %arg16[%get3A_1489] {strides = array<i32>} : memref<512xi32, #tpu.memory_space<vmem>>, vector<16xi32>,
      %mul3A_1491 = arith.constant 50 : i32
      %mul3A_1492 = vector.broadcast %mul3A_1491 : i32 to vector<16xi32>
      %mul3A_1493 = arith.muli %get3A_1490, %mul3A_1492 : vector<16xi32>
      %get3A_1494 = arith.index_cast %mul3A_1483 : i32 to index
      %get3A_1495 = tpu.vector_load %arg17[%get3A_1494] {strides = array<i32>} : memref<512xi32, #tpu.memory_space<vmem>>, vector<16xi32>,
      %mul3A_1496 = arith.constant 25 : i32
      %mul3A_1497 = vector.broadcast %mul3A_1496 : i32 to vector<16xi32>
      %mul3A_1498 = arith.muli %get3A_1495, %mul3A_1497 : vector<16xi32>
      %add3A_1499 = arith.addi %mul3A_1493, %mul3A_1498 : vector<16xi32>
      %add3A_1500 = vector.broadcast %mul3A_1483 : i32 to vector<16xi32>
      %add3A_1501 = arith.addi %add3A_1500, %iota3A : vector<16xi32>
      %add3A_1502 = arith.addi %mul3A_1488, %select_n3A : vector<16xi32>
      %gather3A = tpu.vector_load_idx %arg13[%add3A_1502] : memref<1333xf32, #tpu.memory_space<vmem>>[vector<16xi32>], vector<16xf32>,
      %add3A_1503 = arith.addi %add3A_1499, %select_n3A : vector<16xi32>
      %gather3A_1504 = tpu.vector_load_idx %arg14[%add3A_1503] : memref<358xf32, #tpu.memory_space<vmem>>[vector<16xi32>], vector<16xf32>,
      %add3A_1505 = arith.addi %mul3A_1488, %select_n3A_1179 : vector<16xi32>
      %gather3A_1506 = tpu.vector_load_idx %arg13[%add3A_1505] : memref<1333xf32, #tpu.memory_space<vmem>>[vector<16xi32>], vector<16xf32>,
      %add3A_1507 = arith.addi %add3A_1499, %select_n3A_1179 : vector<16xi32>
      %gather3A_1508 = tpu.vector_load_idx %arg14[%add3A_1507] : memref<358xf32, #tpu.memory_space<vmem>>[vector<16xi32>], vector<16xf32>,
      %add3A_1509 = arith.addi %mul3A_1488, %select_n3A_1219 : vector<16xi32>
      %gather3A_1510 = tpu.vector_load_idx %arg13[%add3A_1509] : memref<1333xf32, #tpu.memory_space<vmem>>[vector<16xi32>], vector<16xf32>,
      %add3A_1511 = arith.addi %add3A_1499, %select_n3A_1219 : vector<16xi32>
      %gather3A_1512 = tpu.vector_load_idx %arg14[%add3A_1511] : memref<358xf32, #tpu.memory_space<vmem>>[vector<16xi32>], vector<16xf32>,
      %add3A_1513 = arith.addi %mul3A_1488, %select_n3A_1259 : vector<16xi32>
      %gather3A_1514 = tpu.vector_load_idx %arg13[%add3A_1513] : memref<1333xf32, #tpu.memory_space<vmem>>[vector<16xi32>], vector<16xf32>,
      %add3A_1515 = arith.addi %add3A_1499, %select_n3A_1259 : vector<16xi32>
      %gather3A_1516 = tpu.vector_load_idx %arg14[%add3A_1515] : memref<358xf32, #tpu.memory_space<vmem>>[vector<16xi32>], vector<16xf32>,
      %add3A_1517 = arith.addi %mul3A_1488, %select_n3A_1299 : vector<16xi32>
      %gather3A_1518 = tpu.vector_load_idx %arg13[%add3A_1517] : memref<1333xf32, #tpu.memory_space<vmem>>[vector<16xi32>], vector<16xf32>,
      %add3A_1519 = arith.addi %add3A_1499, %select_n3A_1299 : vector<16xi32>
      %gather3A_1520 = tpu.vector_load_idx %arg14[%add3A_1519] : memref<358xf32, #tpu.memory_space<vmem>>[vector<16xi32>], vector<16xf32>,
      %add3A_1521 = arith.addi %mul3A_1488, %select_n3A_1339 : vector<16xi32>
      %gather3A_1522 = tpu.vector_load_idx %arg13[%add3A_1521] : memref<1333xf32, #tpu.memory_space<vmem>>[vector<16xi32>], vector<16xf32>,
      %add3A_1523 = arith.addi %add3A_1499, %select_n3A_1339 : vector<16xi32>
      %gather3A_1524 = tpu.vector_load_idx %arg14[%add3A_1523] : memref<358xf32, #tpu.memory_space<vmem>>[vector<16xi32>], vector<16xf32>,
      %add3A_1525 = arith.addf %gather3A, %gather3A_1504 : vector<16xf32>
      tpu.vector_store_idx %arg18[%add3A_1501, %select_n3A], %add3A_1525 : memref<512x128xf32, #tpu.memory_space<vmem>>[vector<16xi32>, vector<16xi32>], vector<16xf32>,
      %add3A_1526 = arith.addf %gather3A_1506, %gather3A_1508 : vector<16xf32>
      tpu.vector_store_idx %arg18[%add3A_1501, %select_n3A_1179], %add3A_1526 : memref<512x128xf32, #tpu.memory_space<vmem>>[vector<16xi32>, vector<16xi32>], vector<16xf32>,
      %add3A_1527 = arith.addf %gather3A_1510, %gather3A_1512 : vector<16xf32>
      tpu.vector_store_idx %arg18[%add3A_1501, %select_n3A_1219], %add3A_1527 : memref<512x128xf32, #tpu.memory_space<vmem>>[vector<16xi32>, vector<16xi32>], vector<16xf32>,
      %add3A_1528 = arith.addf %gather3A_1514, %gather3A_1516 : vector<16xf32>
      tpu.vector_store_idx %arg18[%add3A_1501, %select_n3A_1259], %add3A_1528 : memref<512x128xf32, #tpu.memory_space<vmem>>[vector<16xi32>, vector<16xi32>], vector<16xf32>,
      %add3A_1529 = arith.addf %gather3A_1518, %gather3A_1520 : vector<16xf32>
      tpu.vector_store_idx %arg18[%add3A_1501, %select_n3A_1299], %add3A_1529 : memref<512x128xf32, #tpu.memory_space<vmem>>[vector<16xi32>, vector<16xi32>], vector<16xf32>,
      %add3A_1530 = arith.addf %gather3A_1522, %gather3A_1524 : vector<16xf32>
      tpu.vector_store_idx %arg18[%add3A_1501, %select_n3A_1339], %add3A_1530 : memref<512x128xf32, #tpu.memory_space<vmem>>[vector<16xi32>, vector<16xi32>], vector<16xf32>,
      %add3A_1531 = arith.addi %mul3A_1488, %select_n3A_1149 : vector<16xi32>
      %gather3A_1532 = tpu.vector_load_idx %arg13[%add3A_1531] : memref<1333xf32, #tpu.memory_space<vmem>>[vector<16xi32>], vector<16xf32>,
      %add3A_1533 = arith.addi %add3A_1499, %select_n3A_1149 : vector<16xi32>
      %gather3A_1534 = tpu.vector_load_idx %arg14[%add3A_1533] : memref<358xf32, #tpu.memory_space<vmem>>[vector<16xi32>], vector<16xf32>,
      %add3A_1535 = arith.addi %mul3A_1488, %select_n3A_1189 : vector<16xi32>
      %gather3A_1536 = tpu.vector_load_idx %arg13[%add3A_1535] : memref<1333xf32, #tpu.memory_space<vmem>>[vector<16xi32>], vector<16xf32>,
      %add3A_1537 = arith.addi %add3A_1499, %select_n3A_1189 : vector<16xi32>
      %gather3A_1538 = tpu.vector_load_idx %arg14[%add3A_1537] : memref<358xf32, #tpu.memory_space<vmem>>[vector<16xi32>], vector<16xf32>,
      %add3A_1539 = arith.addi %mul3A_1488, %select_n3A_1229 : vector<16xi32>
      %gather3A_1540 = tpu.vector_load_idx %arg13[%add3A_1539] : memref<1333xf32, #tpu.memory_space<vmem>>[vector<16xi32>], vector<16xf32>,
      %add3A_1541 = arith.addi %add3A_1499, %select_n3A_1229 : vector<16xi32>
      %gather3A_1542 = tpu.vector_load_idx %arg14[%add3A_1541] : memref<358xf32, #tpu.memory_space<vmem>>[vector<16xi32>], vector<16xf32>,
      %add3A_1543 = arith.addi %mul3A_1488, %select_n3A_1269 : vector<16xi32>
      %gather3A_1544 = tpu.vector_load_idx %arg13[%add3A_1543] : memref<1333xf32, #tpu.memory_space<vmem>>[vector<16xi32>], vector<16xf32>,
      %add3A_1545 = arith.addi %add3A_1499, %select_n3A_1269 : vector<16xi32>
      %gather3A_1546 = tpu.vector_load_idx %arg14[%add3A_1545] : memref<358xf32, #tpu.memory_space<vmem>>[vector<16xi32>], vector<16xf32>,
      %add3A_1547 = arith.addi %mul3A_1488, %select_n3A_1309 : vector<16xi32>
      %gather3A_1548 = tpu.vector_load_idx %arg13[%add3A_1547] : memref<1333xf32, #tpu.memory_space<vmem>>[vector<16xi32>], vector<16xf32>,
      %add3A_1549 = arith.addi %add3A_1499, %select_n3A_1309 : vector<16xi32>
      %gather3A_1550 = tpu.vector_load_idx %arg14[%add3A_1549] : memref<358xf32, #tpu.memory_space<vmem>>[vector<16xi32>], vector<16xf32>,
      %add3A_1551 = arith.addi %mul3A_1488, %select_n3A_1349 : vector<16xi32>
      %gather3A_1552 = tpu.vector_load_idx %arg13[%add3A_1551] : memref<1333xf32, #tpu.memory_space<vmem>>[vector<16xi32>], vector<16xf32>,
      %add3A_1553 = arith.addi %add3A_1499, %select_n3A_1349 : vector<16xi32>
      %gather3A_1554 = tpu.vector_load_idx %arg14[%add3A_1553] : memref<358xf32, #tpu.memory_space<vmem>>[vector<16xi32>], vector<16xf32>,
      %add3A_1555 = arith.addf %gather3A_1532, %gather3A_1534 : vector<16xf32>
      tpu.vector_store_idx %arg18[%add3A_1501, %select_n3A_1149], %add3A_1555 : memref<512x128xf32, #tpu.memory_space<vmem>>[vector<16xi32>, vector<16xi32>], vector<16xf32>,
      %add3A_1556 = arith.addf %gather3A_1536, %gather3A_1538 : vector<16xf32>
      tpu.vector_store_idx %arg18[%add3A_1501, %select_n3A_1189], %add3A_1556 : memref<512x128xf32, #tpu.memory_space<vmem>>[vector<16xi32>, vector<16xi32>], vector<16xf32>,
      %add3A_1557 = arith.addf %gather3A_1540, %gather3A_1542 : vector<16xf32>
      tpu.vector_store_idx %arg18[%add3A_1501, %select_n3A_1229], %add3A_1557 : memref<512x128xf32, #tpu.memory_space<vmem>>[vector<16xi32>, vector<16xi32>], vector<16xf32>,
      %add3A_1558 = arith.addf %gather3A_1544, %gather3A_1546 : vector<16xf32>
      tpu.vector_store_idx %arg18[%add3A_1501, %select_n3A_1269], %add3A_1558 : memref<512x128xf32, #tpu.memory_space<vmem>>[vector<16xi32>, vector<16xi32>], vector<16xf32>,
      %add3A_1559 = arith.addf %gather3A_1548, %gather3A_1550 : vector<16xf32>
      tpu.vector_store_idx %arg18[%add3A_1501, %select_n3A_1309], %add3A_1559 : memref<512x128xf32, #tpu.memory_space<vmem>>[vector<16xi32>, vector<16xi32>], vector<16xf32>,
      %add3A_1560 = arith.addf %gather3A_1552, %gather3A_1554 : vector<16xf32>
      tpu.vector_store_idx %arg18[%add3A_1501, %select_n3A_1349], %add3A_1560 : memref<512x128xf32, #tpu.memory_space<vmem>>[vector<16xi32>, vector<16xi32>], vector<16xf32>,
      %add3A_1561 = arith.addi %mul3A_1488, %select_n3A_1159 : vector<16xi32>
      %gather3A_1562 = tpu.vector_load_idx %arg13[%add3A_1561] : memref<1333xf32, #tpu.memory_space<vmem>>[vector<16xi32>], vector<16xf32>,
      %add3A_1563 = arith.addi %add3A_1499, %select_n3A_1159 : vector<16xi32>
      %gather3A_1564 = tpu.vector_load_idx %arg14[%add3A_1563] : memref<358xf32, #tpu.memory_space<vmem>>[vector<16xi32>], vector<16xf32>,
      %add3A_1565 = arith.addi %mul3A_1488, %select_n3A_1199 : vector<16xi32>
      %gather3A_1566 = tpu.vector_load_idx %arg13[%add3A_1565] : memref<1333xf32, #tpu.memory_space<vmem>>[vector<16xi32>], vector<16xf32>,
      %add3A_1567 = arith.addi %add3A_1499, %select_n3A_1199 : vector<16xi32>
      %gather3A_1568 = tpu.vector_load_idx %arg14[%add3A_1567] : memref<358xf32, #tpu.memory_space<vmem>>[vector<16xi32>], vector<16xf32>,
      %add3A_1569 = arith.addi %mul3A_1488, %select_n3A_1239 : vector<16xi32>
      %gather3A_1570 = tpu.vector_load_idx %arg13[%add3A_1569] : memref<1333xf32, #tpu.memory_space<vmem>>[vector<16xi32>], vector<16xf32>,
      %add3A_1571 = arith.addi %add3A_1499, %select_n3A_1239 : vector<16xi32>
      %gather3A_1572 = tpu.vector_load_idx %arg14[%add3A_1571] : memref<358xf32, #tpu.memory_space<vmem>>[vector<16xi32>], vector<16xf32>,
      %add3A_1573 = arith.addi %mul3A_1488, %select_n3A_1279 : vector<16xi32>
      %gather3A_1574 = tpu.vector_load_idx %arg13[%add3A_1573] : memref<1333xf32, #tpu.memory_space<vmem>>[vector<16xi32>], vector<16xf32>,
      %add3A_1575 = arith.addi %add3A_1499, %select_n3A_1279 : vector<16xi32>
      %gather3A_1576 = tpu.vector_load_idx %arg14[%add3A_1575] : memref<358xf32, #tpu.memory_space<vmem>>[vector<16xi32>], vector<16xf32>,
      %add3A_1577 = arith.addi %mul3A_1488, %select_n3A_1319 : vector<16xi32>
      %gather3A_1578 = tpu.vector_load_idx %arg13[%add3A_1577] : memref<1333xf32, #tpu.memory_space<vmem>>[vector<16xi32>], vector<16xf32>,
      %add3A_1579 = arith.addi %add3A_1499, %select_n3A_1319 : vector<16xi32>
      %gather3A_1580 = tpu.vector_load_idx %arg14[%add3A_1579] : memref<358xf32, #tpu.memory_space<vmem>>[vector<16xi32>], vector<16xf32>,
      %add3A_1581 = arith.addi %mul3A_1488, %select_n3A_1359 : vector<16xi32>
      %gather3A_1582 = tpu.vector_load_idx %arg13[%add3A_1581] : memref<1333xf32, #tpu.memory_space<vmem>>[vector<16xi32>], vector<16xf32>,
      %add3A_1583 = arith.addi %add3A_1499, %select_n3A_1359 : vector<16xi32>
      %gather3A_1584 = tpu.vector_load_idx %arg14[%add3A_1583] : memref<358xf32, #tpu.memory_space<vmem>>[vector<16xi32>], vector<16xf32>,
      %add3A_1585 = arith.addf %gather3A_1562, %gather3A_1564 : vector<16xf32>
      tpu.vector_store_idx %arg18[%add3A_1501, %select_n3A_1159], %add3A_1585 : memref<512x128xf32, #tpu.memory_space<vmem>>[vector<16xi32>, vector<16xi32>], vector<16xf32>,
      %add3A_1586 = arith.addf %gather3A_1566, %gather3A_1568 : vector<16xf32>
      tpu.vector_store_idx %arg18[%add3A_1501, %select_n3A_1199], %add3A_1586 : memref<512x128xf32, #tpu.memory_space<vmem>>[vector<16xi32>, vector<16xi32>], vector<16xf32>,
      %add3A_1587 = arith.addf %gather3A_1570, %gather3A_1572 : vector<16xf32>
      tpu.vector_store_idx %arg18[%add3A_1501, %select_n3A_1239], %add3A_1587 : memref<512x128xf32, #tpu.memory_space<vmem>>[vector<16xi32>, vector<16xi32>], vector<16xf32>,
      %add3A_1588 = arith.addf %gather3A_1574, %gather3A_1576 : vector<16xf32>
      tpu.vector_store_idx %arg18[%add3A_1501, %select_n3A_1279], %add3A_1588 : memref<512x128xf32, #tpu.memory_space<vmem>>[vector<16xi32>, vector<16xi32>], vector<16xf32>,
      %add3A_1589 = arith.addf %gather3A_1578, %gather3A_1580 : vector<16xf32>
      tpu.vector_store_idx %arg18[%add3A_1501, %select_n3A_1319], %add3A_1589 : memref<512x128xf32, #tpu.memory_space<vmem>>[vector<16xi32>, vector<16xi32>], vector<16xf32>,
      %add3A_1590 = arith.addf %gather3A_1582, %gather3A_1584 : vector<16xf32>
      tpu.vector_store_idx %arg18[%add3A_1501, %select_n3A_1359], %add3A_1590 : memref<512x128xf32, #tpu.memory_space<vmem>>[vector<16xi32>, vector<16xi32>], vector<16xf32>,
      %add3A_1591 = arith.addi %mul3A_1488, %select_n3A_1169 : vector<16xi32>
      %gather3A_1592 = tpu.vector_load_idx %arg13[%add3A_1591] : memref<1333xf32, #tpu.memory_space<vmem>>[vector<16xi32>], vector<16xf32>,
      %add3A_1593 = arith.addi %add3A_1499, %select_n3A_1169 : vector<16xi32>
      %gather3A_1594 = tpu.vector_load_idx %arg14[%add3A_1593] : memref<358xf32, #tpu.memory_space<vmem>>[vector<16xi32>], vector<16xf32>,
      %add3A_1595 = arith.addi %mul3A_1488, %select_n3A_1209 : vector<16xi32>
      %gather3A_1596 = tpu.vector_load_idx %arg13[%add3A_1595] : memref<1333xf32, #tpu.memory_space<vmem>>[vector<16xi32>], vector<16xf32>,
      %add3A_1597 = arith.addi %add3A_1499, %select_n3A_1209 : vector<16xi32>
      %gather3A_1598 = tpu.vector_load_idx %arg14[%add3A_1597] : memref<358xf32, #tpu.memory_space<vmem>>[vector<16xi32>], vector<16xf32>,
      %add3A_1599 = arith.addi %mul3A_1488, %select_n3A_1249 : vector<16xi32>
      %gather3A_1600 = tpu.vector_load_idx %arg13[%add3A_1599] : memref<1333xf32, #tpu.memory_space<vmem>>[vector<16xi32>], vector<16xf32>,
      %add3A_1601 = arith.addi %add3A_1499, %select_n3A_1249 : vector<16xi32>
      %gather3A_1602 = tpu.vector_load_idx %arg14[%add3A_1601] : memref<358xf32, #tpu.memory_space<vmem>>[vector<16xi32>], vector<16xf32>,
      %add3A_1603 = arith.addi %mul3A_1488, %select_n3A_1289 : vector<16xi32>
      %gather3A_1604 = tpu.vector_load_idx %arg13[%add3A_1603] : memref<1333xf32, #tpu.memory_space<vmem>>[vector<16xi32>], vector<16xf32>,
      %add3A_1605 = arith.addi %add3A_1499, %select_n3A_1289 : vector<16xi32>
      %gather3A_1606 = tpu.vector_load_idx %arg14[%add3A_1605] : memref<358xf32, #tpu.memory_space<vmem>>[vector<16xi32>], vector<16xf32>,
      %add3A_1607 = arith.addi %mul3A_1488, %select_n3A_1329 : vector<16xi32>
      %gather3A_1608 = tpu.vector_load_idx %arg13[%add3A_1607] : memref<1333xf32, #tpu.memory_space<vmem>>[vector<16xi32>], vector<16xf32>,
      %add3A_1609 = arith.addi %add3A_1499, %select_n3A_1329 : vector<16xi32>
      %gather3A_1610 = tpu.vector_load_idx %arg14[%add3A_1609] : memref<358xf32, #tpu.memory_space<vmem>>[vector<16xi32>], vector<16xf32>,
      %add3A_1611 = arith.addi %mul3A_1488, %select_n3A_1369 : vector<16xi32>
      %gather3A_1612 = tpu.vector_load_idx %arg13[%add3A_1611] : memref<1333xf32, #tpu.memory_space<vmem>>[vector<16xi32>], vector<16xf32>,
      %add3A_1613 = arith.addi %add3A_1499, %select_n3A_1369 : vector<16xi32>
      %gather3A_1614 = tpu.vector_load_idx %arg14[%add3A_1613] : memref<358xf32, #tpu.memory_space<vmem>>[vector<16xi32>], vector<16xf32>,
      %add3A_1615 = arith.addf %gather3A_1592, %gather3A_1594 : vector<16xf32>
      tpu.vector_store_idx %arg18[%add3A_1501, %select_n3A_1169], %add3A_1615 : memref<512x128xf32, #tpu.memory_space<vmem>>[vector<16xi32>, vector<16xi32>], vector<16xf32>,
      %add3A_1616 = arith.addf %gather3A_1596, %gather3A_1598 : vector<16xf32>
      tpu.vector_store_idx %arg18[%add3A_1501, %select_n3A_1209], %add3A_1616 : memref<512x128xf32, #tpu.memory_space<vmem>>[vector<16xi32>, vector<16xi32>], vector<16xf32>,
      %add3A_1617 = arith.addf %gather3A_1600, %gather3A_1602 : vector<16xf32>
      tpu.vector_store_idx %arg18[%add3A_1501, %select_n3A_1249], %add3A_1617 : memref<512x128xf32, #tpu.memory_space<vmem>>[vector<16xi32>, vector<16xi32>], vector<16xf32>,
      %add3A_1618 = arith.addf %gather3A_1604, %gather3A_1606 : vector<16xf32>
      tpu.vector_store_idx %arg18[%add3A_1501, %select_n3A_1289], %add3A_1618 : memref<512x128xf32, #tpu.memory_space<vmem>>[vector<16xi32>, vector<16xi32>], vector<16xf32>,
      %add3A_1619 = arith.addf %gather3A_1608, %gather3A_1610 : vector<16xf32>
      tpu.vector_store_idx %arg18[%add3A_1501, %select_n3A_1329], %add3A_1619 : memref<512x128xf32, #tpu.memory_space<vmem>>[vector<16xi32>, vector<16xi32>], vector<16xf32>,
      %add3A_1620 = arith.addf %gather3A_1612, %gather3A_1614 : vector<16xf32>
      tpu.vector_store_idx %arg18[%add3A_1501, %select_n3A_1369], %add3A_1620 : memref<512x128xf32, #tpu.memory_space<vmem>>[vector<16xi32>, vector<16xi32>], vector<16xf32>,
    }
    %scan3A_1392 = arith.constant 8 : i32
    %add3A_1393 = arith.constant 128 : i32
    %add3A_1394 = arith.addi %mul3A_2, %add3A_1393 : i32
    %dma_start3A_1395 = arith.constant 128 : i32
    %dma_start3A_1396 = arith.constant 0 : i32
    %dma_start3A_1397 = tpu.memref_slice %arg18[%dma_start3A_1395, %dma_start3A_1396] : memref<512x128xf32, #tpu.memory_space<vmem>> -> memref<128x128xf32, #tpu.memory_space<vmem>>
    %dma_start3A_1398 = arith.constant 0 : i32
    %dma_start3A_1399 = tpu.memref_slice %arg9[%add3A_1394, %dma_start3A_1398] : memref<16384x128xf32, #tpu.memory_space<hbm>> -> memref<128x128xf32, #tpu.memory_space<hbm>>
    %dma_start3A_1400 = arith.constant 0 : i32
    %dma_start3A_1401 = tpu.memref_slice %arg9[%add3A_1394, %dma_start3A_1400] : memref<16384x128xf32, #tpu.memory_space<hbm>> -> memref<128x128xf32, #tpu.memory_space<hbm>>
    %dma_start3A_1402 = arith.constant 128 : i32
    %dma_start3A_1403 = arith.constant 0 : i32
    %dma_start3A_1404 = tpu.memref_slice %arg18[%dma_start3A_1402, %dma_start3A_1403] : memref<512x128xf32, #tpu.memory_space<vmem>> -> memref<128x128xf32, #tpu.memory_space<vmem>>
    tpu.enqueue_dma source(%dma_start3A_1404 : memref<128x128xf32, #tpu.memory_space<vmem>>) target(%dma_start3A_1401 : memref<128x128xf32, #tpu.memory_space<hbm>>) target_semaphore(%arg20 : memref<!tpu.dma_semaphore, #tpu.memory_space<semaphore_mem>>)
    %scan3A_1405 = arith.constant 0 : i32
    %scan3A_1406 = arith.constant 16 : i32
    %scan3A_1407 = arith.constant 8 : i32
    %scan3A_1408 = arith.addi %scan3A_1406, %scan3A_1407 : i32
    %scan3A_1409 = arith.constant 1 : i32
    scf.for %scan3A_1481 = %scan3A_1406 to %scan3A_1408 step %scan3A_1409  : i32 {
      %mul3A_1482 = arith.constant 16 : i32
      %mul3A_1483 = arith.muli %scan3A_1481, %mul3A_1482 : i32
      %get3A_1484 = arith.index_cast %mul3A_1483 : i32 to index
      %get3A_1485 = tpu.vector_load %arg15[%get3A_1484] {strides = array<i32>} : memref<512xi32, #tpu.memory_space<vmem>>, vector<16xi32>,
      %mul3A_1486 = arith.constant 25 : i32
      %mul3A_1487 = vector.broadcast %mul3A_1486 : i32 to vector<16xi32>
      %mul3A_1488 = arith.muli %get3A_1485, %mul3A_1487 : vector<16xi32>
      %get3A_1489 = arith.index_cast %mul3A_1483 : i32 to index
      %get3A_1490 = tpu.vector_load %arg16[%get3A_1489] {strides = array<i32>} : memref<512xi32, #tpu.memory_space<vmem>>, vector<16xi32>,
      %mul3A_1491 = arith.constant 50 : i32
      %mul3A_1492 = vector.broadcast %mul3A_1491 : i32 to vector<16xi32>
      %mul3A_1493 = arith.muli %get3A_1490, %mul3A_1492 : vector<16xi32>
      %get3A_1494 = arith.index_cast %mul3A_1483 : i32 to index
      %get3A_1495 = tpu.vector_load %arg17[%get3A_1494] {strides = array<i32>} : memref<512xi32, #tpu.memory_space<vmem>>, vector<16xi32>,
      %mul3A_1496 = arith.constant 25 : i32
      %mul3A_1497 = vector.broadcast %mul3A_1496 : i32 to vector<16xi32>
      %mul3A_1498 = arith.muli %get3A_1495, %mul3A_1497 : vector<16xi32>
      %add3A_1499 = arith.addi %mul3A_1493, %mul3A_1498 : vector<16xi32>
      %add3A_1500 = vector.broadcast %mul3A_1483 : i32 to vector<16xi32>
      %add3A_1501 = arith.addi %add3A_1500, %iota3A : vector<16xi32>
      %add3A_1502 = arith.addi %mul3A_1488, %select_n3A : vector<16xi32>
      %gather3A = tpu.vector_load_idx %arg13[%add3A_1502] : memref<1333xf32, #tpu.memory_space<vmem>>[vector<16xi32>], vector<16xf32>,
      %add3A_1503 = arith.addi %add3A_1499, %select_n3A : vector<16xi32>
      %gather3A_1504 = tpu.vector_load_idx %arg14[%add3A_1503] : memref<358xf32, #tpu.memory_space<vmem>>[vector<16xi32>], vector<16xf32>,
      %add3A_1505 = arith.addi %mul3A_1488, %select_n3A_1179 : vector<16xi32>
      %gather3A_1506 = tpu.vector_load_idx %arg13[%add3A_1505] : memref<1333xf32, #tpu.memory_space<vmem>>[vector<16xi32>], vector<16xf32>,
      %add3A_1507 = arith.addi %add3A_1499, %select_n3A_1179 : vector<16xi32>
      %gather3A_1508 = tpu.vector_load_idx %arg14[%add3A_1507] : memref<358xf32, #tpu.memory_space<vmem>>[vector<16xi32>], vector<16xf32>,
      %add3A_1509 = arith.addi %mul3A_1488, %select_n3A_1219 : vector<16xi32>
      %gather3A_1510 = tpu.vector_load_idx %arg13[%add3A_1509] : memref<1333xf32, #tpu.memory_space<vmem>>[vector<16xi32>], vector<16xf32>,
      %add3A_1511 = arith.addi %add3A_1499, %select_n3A_1219 : vector<16xi32>
      %gather3A_1512 = tpu.vector_load_idx %arg14[%add3A_1511] : memref<358xf32, #tpu.memory_space<vmem>>[vector<16xi32>], vector<16xf32>,
      %add3A_1513 = arith.addi %mul3A_1488, %select_n3A_1259 : vector<16xi32>
      %gather3A_1514 = tpu.vector_load_idx %arg13[%add3A_1513] : memref<1333xf32, #tpu.memory_space<vmem>>[vector<16xi32>], vector<16xf32>,
      %add3A_1515 = arith.addi %add3A_1499, %select_n3A_1259 : vector<16xi32>
      %gather3A_1516 = tpu.vector_load_idx %arg14[%add3A_1515] : memref<358xf32, #tpu.memory_space<vmem>>[vector<16xi32>], vector<16xf32>,
      %add3A_1517 = arith.addi %mul3A_1488, %select_n3A_1299 : vector<16xi32>
      %gather3A_1518 = tpu.vector_load_idx %arg13[%add3A_1517] : memref<1333xf32, #tpu.memory_space<vmem>>[vector<16xi32>], vector<16xf32>,
      %add3A_1519 = arith.addi %add3A_1499, %select_n3A_1299 : vector<16xi32>
      %gather3A_1520 = tpu.vector_load_idx %arg14[%add3A_1519] : memref<358xf32, #tpu.memory_space<vmem>>[vector<16xi32>], vector<16xf32>,
      %add3A_1521 = arith.addi %mul3A_1488, %select_n3A_1339 : vector<16xi32>
      %gather3A_1522 = tpu.vector_load_idx %arg13[%add3A_1521] : memref<1333xf32, #tpu.memory_space<vmem>>[vector<16xi32>], vector<16xf32>,
      %add3A_1523 = arith.addi %add3A_1499, %select_n3A_1339 : vector<16xi32>
      %gather3A_1524 = tpu.vector_load_idx %arg14[%add3A_1523] : memref<358xf32, #tpu.memory_space<vmem>>[vector<16xi32>], vector<16xf32>,
      %add3A_1525 = arith.addf %gather3A, %gather3A_1504 : vector<16xf32>
      tpu.vector_store_idx %arg18[%add3A_1501, %select_n3A], %add3A_1525 : memref<512x128xf32, #tpu.memory_space<vmem>>[vector<16xi32>, vector<16xi32>], vector<16xf32>,
      %add3A_1526 = arith.addf %gather3A_1506, %gather3A_1508 : vector<16xf32>
      tpu.vector_store_idx %arg18[%add3A_1501, %select_n3A_1179], %add3A_1526 : memref<512x128xf32, #tpu.memory_space<vmem>>[vector<16xi32>, vector<16xi32>], vector<16xf32>,
      %add3A_1527 = arith.addf %gather3A_1510, %gather3A_1512 : vector<16xf32>
      tpu.vector_store_idx %arg18[%add3A_1501, %select_n3A_1219], %add3A_1527 : memref<512x128xf32, #tpu.memory_space<vmem>>[vector<16xi32>, vector<16xi32>], vector<16xf32>,
      %add3A_1528 = arith.addf %gather3A_1514, %gather3A_1516 : vector<16xf32>
      tpu.vector_store_idx %arg18[%add3A_1501, %select_n3A_1259], %add3A_1528 : memref<512x128xf32, #tpu.memory_space<vmem>>[vector<16xi32>, vector<16xi32>], vector<16xf32>,
      %add3A_1529 = arith.addf %gather3A_1518, %gather3A_1520 : vector<16xf32>
      tpu.vector_store_idx %arg18[%add3A_1501, %select_n3A_1299], %add3A_1529 : memref<512x128xf32, #tpu.memory_space<vmem>>[vector<16xi32>, vector<16xi32>], vector<16xf32>,
      %add3A_1530 = arith.addf %gather3A_1522, %gather3A_1524 : vector<16xf32>
      tpu.vector_store_idx %arg18[%add3A_1501, %select_n3A_1339], %add3A_1530 : memref<512x128xf32, #tpu.memory_space<vmem>>[vector<16xi32>, vector<16xi32>], vector<16xf32>,
      %add3A_1531 = arith.addi %mul3A_1488, %select_n3A_1149 : vector<16xi32>
      %gather3A_1532 = tpu.vector_load_idx %arg13[%add3A_1531] : memref<1333xf32, #tpu.memory_space<vmem>>[vector<16xi32>], vector<16xf32>,
      %add3A_1533 = arith.addi %add3A_1499, %select_n3A_1149 : vector<16xi32>
      %gather3A_1534 = tpu.vector_load_idx %arg14[%add3A_1533] : memref<358xf32, #tpu.memory_space<vmem>>[vector<16xi32>], vector<16xf32>,
      %add3A_1535 = arith.addi %mul3A_1488, %select_n3A_1189 : vector<16xi32>
      %gather3A_1536 = tpu.vector_load_idx %arg13[%add3A_1535] : memref<1333xf32, #tpu.memory_space<vmem>>[vector<16xi32>], vector<16xf32>,
      %add3A_1537 = arith.addi %add3A_1499, %select_n3A_1189 : vector<16xi32>
      %gather3A_1538 = tpu.vector_load_idx %arg14[%add3A_1537] : memref<358xf32, #tpu.memory_space<vmem>>[vector<16xi32>], vector<16xf32>,
      %add3A_1539 = arith.addi %mul3A_1488, %select_n3A_1229 : vector<16xi32>
      %gather3A_1540 = tpu.vector_load_idx %arg13[%add3A_1539] : memref<1333xf32, #tpu.memory_space<vmem>>[vector<16xi32>], vector<16xf32>,
      %add3A_1541 = arith.addi %add3A_1499, %select_n3A_1229 : vector<16xi32>
      %gather3A_1542 = tpu.vector_load_idx %arg14[%add3A_1541] : memref<358xf32, #tpu.memory_space<vmem>>[vector<16xi32>], vector<16xf32>,
      %add3A_1543 = arith.addi %mul3A_1488, %select_n3A_1269 : vector<16xi32>
      %gather3A_1544 = tpu.vector_load_idx %arg13[%add3A_1543] : memref<1333xf32, #tpu.memory_space<vmem>>[vector<16xi32>], vector<16xf32>,
      %add3A_1545 = arith.addi %add3A_1499, %select_n3A_1269 : vector<16xi32>
      %gather3A_1546 = tpu.vector_load_idx %arg14[%add3A_1545] : memref<358xf32, #tpu.memory_space<vmem>>[vector<16xi32>], vector<16xf32>,
      %add3A_1547 = arith.addi %mul3A_1488, %select_n3A_1309 : vector<16xi32>
      %gather3A_1548 = tpu.vector_load_idx %arg13[%add3A_1547] : memref<1333xf32, #tpu.memory_space<vmem>>[vector<16xi32>], vector<16xf32>,
      %add3A_1549 = arith.addi %add3A_1499, %select_n3A_1309 : vector<16xi32>
      %gather3A_1550 = tpu.vector_load_idx %arg14[%add3A_1549] : memref<358xf32, #tpu.memory_space<vmem>>[vector<16xi32>], vector<16xf32>,
      %add3A_1551 = arith.addi %mul3A_1488, %select_n3A_1349 : vector<16xi32>
      %gather3A_1552 = tpu.vector_load_idx %arg13[%add3A_1551] : memref<1333xf32, #tpu.memory_space<vmem>>[vector<16xi32>], vector<16xf32>,
      %add3A_1553 = arith.addi %add3A_1499, %select_n3A_1349 : vector<16xi32>
      %gather3A_1554 = tpu.vector_load_idx %arg14[%add3A_1553] : memref<358xf32, #tpu.memory_space<vmem>>[vector<16xi32>], vector<16xf32>,
      %add3A_1555 = arith.addf %gather3A_1532, %gather3A_1534 : vector<16xf32>
      tpu.vector_store_idx %arg18[%add3A_1501, %select_n3A_1149], %add3A_1555 : memref<512x128xf32, #tpu.memory_space<vmem>>[vector<16xi32>, vector<16xi32>], vector<16xf32>,
      %add3A_1556 = arith.addf %gather3A_1536, %gather3A_1538 : vector<16xf32>
      tpu.vector_store_idx %arg18[%add3A_1501, %select_n3A_1189], %add3A_1556 : memref<512x128xf32, #tpu.memory_space<vmem>>[vector<16xi32>, vector<16xi32>], vector<16xf32>,
      %add3A_1557 = arith.addf %gather3A_1540, %gather3A_1542 : vector<16xf32>
      tpu.vector_store_idx %arg18[%add3A_1501, %select_n3A_1229], %add3A_1557 : memref<512x128xf32, #tpu.memory_space<vmem>>[vector<16xi32>, vector<16xi32>], vector<16xf32>,
      %add3A_1558 = arith.addf %gather3A_1544, %gather3A_1546 : vector<16xf32>
      tpu.vector_store_idx %arg18[%add3A_1501, %select_n3A_1269], %add3A_1558 : memref<512x128xf32, #tpu.memory_space<vmem>>[vector<16xi32>, vector<16xi32>], vector<16xf32>,
      %add3A_1559 = arith.addf %gather3A_1548, %gather3A_1550 : vector<16xf32>
      tpu.vector_store_idx %arg18[%add3A_1501, %select_n3A_1309], %add3A_1559 : memref<512x128xf32, #tpu.memory_space<vmem>>[vector<16xi32>, vector<16xi32>], vector<16xf32>,
      %add3A_1560 = arith.addf %gather3A_1552, %gather3A_1554 : vector<16xf32>
      tpu.vector_store_idx %arg18[%add3A_1501, %select_n3A_1349], %add3A_1560 : memref<512x128xf32, #tpu.memory_space<vmem>>[vector<16xi32>, vector<16xi32>], vector<16xf32>,
      %add3A_1561 = arith.addi %mul3A_1488, %select_n3A_1159 : vector<16xi32>
      %gather3A_1562 = tpu.vector_load_idx %arg13[%add3A_1561] : memref<1333xf32, #tpu.memory_space<vmem>>[vector<16xi32>], vector<16xf32>,
      %add3A_1563 = arith.addi %add3A_1499, %select_n3A_1159 : vector<16xi32>
      %gather3A_1564 = tpu.vector_load_idx %arg14[%add3A_1563] : memref<358xf32, #tpu.memory_space<vmem>>[vector<16xi32>], vector<16xf32>,
      %add3A_1565 = arith.addi %mul3A_1488, %select_n3A_1199 : vector<16xi32>
      %gather3A_1566 = tpu.vector_load_idx %arg13[%add3A_1565] : memref<1333xf32, #tpu.memory_space<vmem>>[vector<16xi32>], vector<16xf32>,
      %add3A_1567 = arith.addi %add3A_1499, %select_n3A_1199 : vector<16xi32>
      %gather3A_1568 = tpu.vector_load_idx %arg14[%add3A_1567] : memref<358xf32, #tpu.memory_space<vmem>>[vector<16xi32>], vector<16xf32>,
      %add3A_1569 = arith.addi %mul3A_1488, %select_n3A_1239 : vector<16xi32>
      %gather3A_1570 = tpu.vector_load_idx %arg13[%add3A_1569] : memref<1333xf32, #tpu.memory_space<vmem>>[vector<16xi32>], vector<16xf32>,
      %add3A_1571 = arith.addi %add3A_1499, %select_n3A_1239 : vector<16xi32>
      %gather3A_1572 = tpu.vector_load_idx %arg14[%add3A_1571] : memref<358xf32, #tpu.memory_space<vmem>>[vector<16xi32>], vector<16xf32>,
      %add3A_1573 = arith.addi %mul3A_1488, %select_n3A_1279 : vector<16xi32>
      %gather3A_1574 = tpu.vector_load_idx %arg13[%add3A_1573] : memref<1333xf32, #tpu.memory_space<vmem>>[vector<16xi32>], vector<16xf32>,
      %add3A_1575 = arith.addi %add3A_1499, %select_n3A_1279 : vector<16xi32>
      %gather3A_1576 = tpu.vector_load_idx %arg14[%add3A_1575] : memref<358xf32, #tpu.memory_space<vmem>>[vector<16xi32>], vector<16xf32>,
      %add3A_1577 = arith.addi %mul3A_1488, %select_n3A_1319 : vector<16xi32>
      %gather3A_1578 = tpu.vector_load_idx %arg13[%add3A_1577] : memref<1333xf32, #tpu.memory_space<vmem>>[vector<16xi32>], vector<16xf32>,
      %add3A_1579 = arith.addi %add3A_1499, %select_n3A_1319 : vector<16xi32>
      %gather3A_1580 = tpu.vector_load_idx %arg14[%add3A_1579] : memref<358xf32, #tpu.memory_space<vmem>>[vector<16xi32>], vector<16xf32>,
      %add3A_1581 = arith.addi %mul3A_1488, %select_n3A_1359 : vector<16xi32>
      %gather3A_1582 = tpu.vector_load_idx %arg13[%add3A_1581] : memref<1333xf32, #tpu.memory_space<vmem>>[vector<16xi32>], vector<16xf32>,
      %add3A_1583 = arith.addi %add3A_1499, %select_n3A_1359 : vector<16xi32>
      %gather3A_1584 = tpu.vector_load_idx %arg14[%add3A_1583] : memref<358xf32, #tpu.memory_space<vmem>>[vector<16xi32>], vector<16xf32>,
      %add3A_1585 = arith.addf %gather3A_1562, %gather3A_1564 : vector<16xf32>
      tpu.vector_store_idx %arg18[%add3A_1501, %select_n3A_1159], %add3A_1585 : memref<512x128xf32, #tpu.memory_space<vmem>>[vector<16xi32>, vector<16xi32>], vector<16xf32>,
      %add3A_1586 = arith.addf %gather3A_1566, %gather3A_1568 : vector<16xf32>
      tpu.vector_store_idx %arg18[%add3A_1501, %select_n3A_1199], %add3A_1586 : memref<512x128xf32, #tpu.memory_space<vmem>>[vector<16xi32>, vector<16xi32>], vector<16xf32>,
      %add3A_1587 = arith.addf %gather3A_1570, %gather3A_1572 : vector<16xf32>
      tpu.vector_store_idx %arg18[%add3A_1501, %select_n3A_1239], %add3A_1587 : memref<512x128xf32, #tpu.memory_space<vmem>>[vector<16xi32>, vector<16xi32>], vector<16xf32>,
      %add3A_1588 = arith.addf %gather3A_1574, %gather3A_1576 : vector<16xf32>
      tpu.vector_store_idx %arg18[%add3A_1501, %select_n3A_1279], %add3A_1588 : memref<512x128xf32, #tpu.memory_space<vmem>>[vector<16xi32>, vector<16xi32>], vector<16xf32>,
      %add3A_1589 = arith.addf %gather3A_1578, %gather3A_1580 : vector<16xf32>
      tpu.vector_store_idx %arg18[%add3A_1501, %select_n3A_1319], %add3A_1589 : memref<512x128xf32, #tpu.memory_space<vmem>>[vector<16xi32>, vector<16xi32>], vector<16xf32>,
      %add3A_1590 = arith.addf %gather3A_1582, %gather3A_1584 : vector<16xf32>
      tpu.vector_store_idx %arg18[%add3A_1501, %select_n3A_1359], %add3A_1590 : memref<512x128xf32, #tpu.memory_space<vmem>>[vector<16xi32>, vector<16xi32>], vector<16xf32>,
      %add3A_1591 = arith.addi %mul3A_1488, %select_n3A_1169 : vector<16xi32>
      %gather3A_1592 = tpu.vector_load_idx %arg13[%add3A_1591] : memref<1333xf32, #tpu.memory_space<vmem>>[vector<16xi32>], vector<16xf32>,
      %add3A_1593 = arith.addi %add3A_1499, %select_n3A_1169 : vector<16xi32>
      %gather3A_1594 = tpu.vector_load_idx %arg14[%add3A_1593] : memref<358xf32, #tpu.memory_space<vmem>>[vector<16xi32>], vector<16xf32>,
      %add3A_1595 = arith.addi %mul3A_1488, %select_n3A_1209 : vector<16xi32>
      %gather3A_1596 = tpu.vector_load_idx %arg13[%add3A_1595] : memref<1333xf32, #tpu.memory_space<vmem>>[vector<16xi32>], vector<16xf32>,
      %add3A_1597 = arith.addi %add3A_1499, %select_n3A_1209 : vector<16xi32>
      %gather3A_1598 = tpu.vector_load_idx %arg14[%add3A_1597] : memref<358xf32, #tpu.memory_space<vmem>>[vector<16xi32>], vector<16xf32>,
      %add3A_1599 = arith.addi %mul3A_1488, %select_n3A_1249 : vector<16xi32>
      %gather3A_1600 = tpu.vector_load_idx %arg13[%add3A_1599] : memref<1333xf32, #tpu.memory_space<vmem>>[vector<16xi32>], vector<16xf32>,
      %add3A_1601 = arith.addi %add3A_1499, %select_n3A_1249 : vector<16xi32>
      %gather3A_1602 = tpu.vector_load_idx %arg14[%add3A_1601] : memref<358xf32, #tpu.memory_space<vmem>>[vector<16xi32>], vector<16xf32>,
      %add3A_1603 = arith.addi %mul3A_1488, %select_n3A_1289 : vector<16xi32>
      %gather3A_1604 = tpu.vector_load_idx %arg13[%add3A_1603] : memref<1333xf32, #tpu.memory_space<vmem>>[vector<16xi32>], vector<16xf32>,
      %add3A_1605 = arith.addi %add3A_1499, %select_n3A_1289 : vector<16xi32>
      %gather3A_1606 = tpu.vector_load_idx %arg14[%add3A_1605] : memref<358xf32, #tpu.memory_space<vmem>>[vector<16xi32>], vector<16xf32>,
      %add3A_1607 = arith.addi %mul3A_1488, %select_n3A_1329 : vector<16xi32>
      %gather3A_1608 = tpu.vector_load_idx %arg13[%add3A_1607] : memref<1333xf32, #tpu.memory_space<vmem>>[vector<16xi32>], vector<16xf32>,
      %add3A_1609 = arith.addi %add3A_1499, %select_n3A_1329 : vector<16xi32>
      %gather3A_1610 = tpu.vector_load_idx %arg14[%add3A_1609] : memref<358xf32, #tpu.memory_space<vmem>>[vector<16xi32>], vector<16xf32>,
      %add3A_1611 = arith.addi %mul3A_1488, %select_n3A_1369 : vector<16xi32>
      %gather3A_1612 = tpu.vector_load_idx %arg13[%add3A_1611] : memref<1333xf32, #tpu.memory_space<vmem>>[vector<16xi32>], vector<16xf32>,
      %add3A_1613 = arith.addi %add3A_1499, %select_n3A_1369 : vector<16xi32>
      %gather3A_1614 = tpu.vector_load_idx %arg14[%add3A_1613] : memref<358xf32, #tpu.memory_space<vmem>>[vector<16xi32>], vector<16xf32>,
      %add3A_1615 = arith.addf %gather3A_1592, %gather3A_1594 : vector<16xf32>
      tpu.vector_store_idx %arg18[%add3A_1501, %select_n3A_1169], %add3A_1615 : memref<512x128xf32, #tpu.memory_space<vmem>>[vector<16xi32>, vector<16xi32>], vector<16xf32>,
      %add3A_1616 = arith.addf %gather3A_1596, %gather3A_1598 : vector<16xf32>
      tpu.vector_store_idx %arg18[%add3A_1501, %select_n3A_1209], %add3A_1616 : memref<512x128xf32, #tpu.memory_space<vmem>>[vector<16xi32>, vector<16xi32>], vector<16xf32>,
      %add3A_1617 = arith.addf %gather3A_1600, %gather3A_1602 : vector<16xf32>
      tpu.vector_store_idx %arg18[%add3A_1501, %select_n3A_1249], %add3A_1617 : memref<512x128xf32, #tpu.memory_space<vmem>>[vector<16xi32>, vector<16xi32>], vector<16xf32>,
      %add3A_1618 = arith.addf %gather3A_1604, %gather3A_1606 : vector<16xf32>
      tpu.vector_store_idx %arg18[%add3A_1501, %select_n3A_1289], %add3A_1618 : memref<512x128xf32, #tpu.memory_space<vmem>>[vector<16xi32>, vector<16xi32>], vector<16xf32>,
      %add3A_1619 = arith.addf %gather3A_1608, %gather3A_1610 : vector<16xf32>
      tpu.vector_store_idx %arg18[%add3A_1501, %select_n3A_1329], %add3A_1619 : memref<512x128xf32, #tpu.memory_space<vmem>>[vector<16xi32>, vector<16xi32>], vector<16xf32>,
      %add3A_1620 = arith.addf %gather3A_1612, %gather3A_1614 : vector<16xf32>
      tpu.vector_store_idx %arg18[%add3A_1501, %select_n3A_1369], %add3A_1620 : memref<512x128xf32, #tpu.memory_space<vmem>>[vector<16xi32>, vector<16xi32>], vector<16xf32>,
    }
    %scan3A_1410 = arith.constant 8 : i32
    %add3A_1411 = arith.constant 256 : i32
    %add3A_1412 = arith.addi %mul3A_2, %add3A_1411 : i32
    %dma_start3A_1413 = arith.constant 256 : i32
    %dma_start3A_1414 = arith.constant 0 : i32
    %dma_start3A_1415 = tpu.memref_slice %arg18[%dma_start3A_1413, %dma_start3A_1414] : memref<512x128xf32, #tpu.memory_space<vmem>> -> memref<128x128xf32, #tpu.memory_space<vmem>>
    %dma_start3A_1416 = arith.constant 0 : i32
    %dma_start3A_1417 = tpu.memref_slice %arg9[%add3A_1412, %dma_start3A_1416] : memref<16384x128xf32, #tpu.memory_space<hbm>> -> memref<128x128xf32, #tpu.memory_space<hbm>>
    %dma_start3A_1418 = arith.constant 0 : i32
    %dma_start3A_1419 = tpu.memref_slice %arg9[%add3A_1412, %dma_start3A_1418] : memref<16384x128xf32, #tpu.memory_space<hbm>> -> memref<128x128xf32, #tpu.memory_space<hbm>>
    %dma_start3A_1420 = arith.constant 256 : i32
    %dma_start3A_1421 = arith.constant 0 : i32
    %dma_start3A_1422 = tpu.memref_slice %arg18[%dma_start3A_1420, %dma_start3A_1421] : memref<512x128xf32, #tpu.memory_space<vmem>> -> memref<128x128xf32, #tpu.memory_space<vmem>>
    tpu.enqueue_dma source(%dma_start3A_1422 : memref<128x128xf32, #tpu.memory_space<vmem>>) target(%dma_start3A_1419 : memref<128x128xf32, #tpu.memory_space<hbm>>) target_semaphore(%arg20 : memref<!tpu.dma_semaphore, #tpu.memory_space<semaphore_mem>>)
    %scan3A_1423 = arith.constant 0 : i32
    %scan3A_1424 = arith.constant 24 : i32
    %scan3A_1425 = arith.constant 8 : i32
    %scan3A_1426 = arith.addi %scan3A_1424, %scan3A_1425 : i32
    %scan3A_1427 = arith.constant 1 : i32
    scf.for %scan3A_1481 = %scan3A_1424 to %scan3A_1426 step %scan3A_1427  : i32 {
      %mul3A_1482 = arith.constant 16 : i32
      %mul3A_1483 = arith.muli %scan3A_1481, %mul3A_1482 : i32
      %get3A_1484 = arith.index_cast %mul3A_1483 : i32 to index
      %get3A_1485 = tpu.vector_load %arg15[%get3A_1484] {strides = array<i32>} : memref<512xi32, #tpu.memory_space<vmem>>, vector<16xi32>,
      %mul3A_1486 = arith.constant 25 : i32
      %mul3A_1487 = vector.broadcast %mul3A_1486 : i32 to vector<16xi32>
      %mul3A_1488 = arith.muli %get3A_1485, %mul3A_1487 : vector<16xi32>
      %get3A_1489 = arith.index_cast %mul3A_1483 : i32 to index
      %get3A_1490 = tpu.vector_load %arg16[%get3A_1489] {strides = array<i32>} : memref<512xi32, #tpu.memory_space<vmem>>, vector<16xi32>,
      %mul3A_1491 = arith.constant 50 : i32
      %mul3A_1492 = vector.broadcast %mul3A_1491 : i32 to vector<16xi32>
      %mul3A_1493 = arith.muli %get3A_1490, %mul3A_1492 : vector<16xi32>
      %get3A_1494 = arith.index_cast %mul3A_1483 : i32 to index
      %get3A_1495 = tpu.vector_load %arg17[%get3A_1494] {strides = array<i32>} : memref<512xi32, #tpu.memory_space<vmem>>, vector<16xi32>,
      %mul3A_1496 = arith.constant 25 : i32
      %mul3A_1497 = vector.broadcast %mul3A_1496 : i32 to vector<16xi32>
      %mul3A_1498 = arith.muli %get3A_1495, %mul3A_1497 : vector<16xi32>
      %add3A_1499 = arith.addi %mul3A_1493, %mul3A_1498 : vector<16xi32>
      %add3A_1500 = vector.broadcast %mul3A_1483 : i32 to vector<16xi32>
      %add3A_1501 = arith.addi %add3A_1500, %iota3A : vector<16xi32>
      %add3A_1502 = arith.addi %mul3A_1488, %select_n3A : vector<16xi32>
      %gather3A = tpu.vector_load_idx %arg13[%add3A_1502] : memref<1333xf32, #tpu.memory_space<vmem>>[vector<16xi32>], vector<16xf32>,
      %add3A_1503 = arith.addi %add3A_1499, %select_n3A : vector<16xi32>
      %gather3A_1504 = tpu.vector_load_idx %arg14[%add3A_1503] : memref<358xf32, #tpu.memory_space<vmem>>[vector<16xi32>], vector<16xf32>,
      %add3A_1505 = arith.addi %mul3A_1488, %select_n3A_1179 : vector<16xi32>
      %gather3A_1506 = tpu.vector_load_idx %arg13[%add3A_1505] : memref<1333xf32, #tpu.memory_space<vmem>>[vector<16xi32>], vector<16xf32>,
      %add3A_1507 = arith.addi %add3A_1499, %select_n3A_1179 : vector<16xi32>
      %gather3A_1508 = tpu.vector_load_idx %arg14[%add3A_1507] : memref<358xf32, #tpu.memory_space<vmem>>[vector<16xi32>], vector<16xf32>,
      %add3A_1509 = arith.addi %mul3A_1488, %select_n3A_1219 : vector<16xi32>
      %gather3A_1510 = tpu.vector_load_idx %arg13[%add3A_1509] : memref<1333xf32, #tpu.memory_space<vmem>>[vector<16xi32>], vector<16xf32>,
      %add3A_1511 = arith.addi %add3A_1499, %select_n3A_1219 : vector<16xi32>
      %gather3A_1512 = tpu.vector_load_idx %arg14[%add3A_1511] : memref<358xf32, #tpu.memory_space<vmem>>[vector<16xi32>], vector<16xf32>,
      %add3A_1513 = arith.addi %mul3A_1488, %select_n3A_1259 : vector<16xi32>
      %gather3A_1514 = tpu.vector_load_idx %arg13[%add3A_1513] : memref<1333xf32, #tpu.memory_space<vmem>>[vector<16xi32>], vector<16xf32>,
      %add3A_1515 = arith.addi %add3A_1499, %select_n3A_1259 : vector<16xi32>
      %gather3A_1516 = tpu.vector_load_idx %arg14[%add3A_1515] : memref<358xf32, #tpu.memory_space<vmem>>[vector<16xi32>], vector<16xf32>,
      %add3A_1517 = arith.addi %mul3A_1488, %select_n3A_1299 : vector<16xi32>
      %gather3A_1518 = tpu.vector_load_idx %arg13[%add3A_1517] : memref<1333xf32, #tpu.memory_space<vmem>>[vector<16xi32>], vector<16xf32>,
      %add3A_1519 = arith.addi %add3A_1499, %select_n3A_1299 : vector<16xi32>
      %gather3A_1520 = tpu.vector_load_idx %arg14[%add3A_1519] : memref<358xf32, #tpu.memory_space<vmem>>[vector<16xi32>], vector<16xf32>,
      %add3A_1521 = arith.addi %mul3A_1488, %select_n3A_1339 : vector<16xi32>
      %gather3A_1522 = tpu.vector_load_idx %arg13[%add3A_1521] : memref<1333xf32, #tpu.memory_space<vmem>>[vector<16xi32>], vector<16xf32>,
      %add3A_1523 = arith.addi %add3A_1499, %select_n3A_1339 : vector<16xi32>
      %gather3A_1524 = tpu.vector_load_idx %arg14[%add3A_1523] : memref<358xf32, #tpu.memory_space<vmem>>[vector<16xi32>], vector<16xf32>,
      %add3A_1525 = arith.addf %gather3A, %gather3A_1504 : vector<16xf32>
      tpu.vector_store_idx %arg18[%add3A_1501, %select_n3A], %add3A_1525 : memref<512x128xf32, #tpu.memory_space<vmem>>[vector<16xi32>, vector<16xi32>], vector<16xf32>,
      %add3A_1526 = arith.addf %gather3A_1506, %gather3A_1508 : vector<16xf32>
      tpu.vector_store_idx %arg18[%add3A_1501, %select_n3A_1179], %add3A_1526 : memref<512x128xf32, #tpu.memory_space<vmem>>[vector<16xi32>, vector<16xi32>], vector<16xf32>,
      %add3A_1527 = arith.addf %gather3A_1510, %gather3A_1512 : vector<16xf32>
      tpu.vector_store_idx %arg18[%add3A_1501, %select_n3A_1219], %add3A_1527 : memref<512x128xf32, #tpu.memory_space<vmem>>[vector<16xi32>, vector<16xi32>], vector<16xf32>,
      %add3A_1528 = arith.addf %gather3A_1514, %gather3A_1516 : vector<16xf32>
      tpu.vector_store_idx %arg18[%add3A_1501, %select_n3A_1259], %add3A_1528 : memref<512x128xf32, #tpu.memory_space<vmem>>[vector<16xi32>, vector<16xi32>], vector<16xf32>,
      %add3A_1529 = arith.addf %gather3A_1518, %gather3A_1520 : vector<16xf32>
      tpu.vector_store_idx %arg18[%add3A_1501, %select_n3A_1299], %add3A_1529 : memref<512x128xf32, #tpu.memory_space<vmem>>[vector<16xi32>, vector<16xi32>], vector<16xf32>,
      %add3A_1530 = arith.addf %gather3A_1522, %gather3A_1524 : vector<16xf32>
      tpu.vector_store_idx %arg18[%add3A_1501, %select_n3A_1339], %add3A_1530 : memref<512x128xf32, #tpu.memory_space<vmem>>[vector<16xi32>, vector<16xi32>], vector<16xf32>,
      %add3A_1531 = arith.addi %mul3A_1488, %select_n3A_1149 : vector<16xi32>
      %gather3A_1532 = tpu.vector_load_idx %arg13[%add3A_1531] : memref<1333xf32, #tpu.memory_space<vmem>>[vector<16xi32>], vector<16xf32>,
      %add3A_1533 = arith.addi %add3A_1499, %select_n3A_1149 : vector<16xi32>
      %gather3A_1534 = tpu.vector_load_idx %arg14[%add3A_1533] : memref<358xf32, #tpu.memory_space<vmem>>[vector<16xi32>], vector<16xf32>,
      %add3A_1535 = arith.addi %mul3A_1488, %select_n3A_1189 : vector<16xi32>
      %gather3A_1536 = tpu.vector_load_idx %arg13[%add3A_1535] : memref<1333xf32, #tpu.memory_space<vmem>>[vector<16xi32>], vector<16xf32>,
      %add3A_1537 = arith.addi %add3A_1499, %select_n3A_1189 : vector<16xi32>
      %gather3A_1538 = tpu.vector_load_idx %arg14[%add3A_1537] : memref<358xf32, #tpu.memory_space<vmem>>[vector<16xi32>], vector<16xf32>,
      %add3A_1539 = arith.addi %mul3A_1488, %select_n3A_1229 : vector<16xi32>
      %gather3A_1540 = tpu.vector_load_idx %arg13[%add3A_1539] : memref<1333xf32, #tpu.memory_space<vmem>>[vector<16xi32>], vector<16xf32>,
      %add3A_1541 = arith.addi %add3A_1499, %select_n3A_1229 : vector<16xi32>
      %gather3A_1542 = tpu.vector_load_idx %arg14[%add3A_1541] : memref<358xf32, #tpu.memory_space<vmem>>[vector<16xi32>], vector<16xf32>,
      %add3A_1543 = arith.addi %mul3A_1488, %select_n3A_1269 : vector<16xi32>
      %gather3A_1544 = tpu.vector_load_idx %arg13[%add3A_1543] : memref<1333xf32, #tpu.memory_space<vmem>>[vector<16xi32>], vector<16xf32>,
      %add3A_1545 = arith.addi %add3A_1499, %select_n3A_1269 : vector<16xi32>
      %gather3A_1546 = tpu.vector_load_idx %arg14[%add3A_1545] : memref<358xf32, #tpu.memory_space<vmem>>[vector<16xi32>], vector<16xf32>,
      %add3A_1547 = arith.addi %mul3A_1488, %select_n3A_1309 : vector<16xi32>
      %gather3A_1548 = tpu.vector_load_idx %arg13[%add3A_1547] : memref<1333xf32, #tpu.memory_space<vmem>>[vector<16xi32>], vector<16xf32>,
      %add3A_1549 = arith.addi %add3A_1499, %select_n3A_1309 : vector<16xi32>
      %gather3A_1550 = tpu.vector_load_idx %arg14[%add3A_1549] : memref<358xf32, #tpu.memory_space<vmem>>[vector<16xi32>], vector<16xf32>,
      %add3A_1551 = arith.addi %mul3A_1488, %select_n3A_1349 : vector<16xi32>
      %gather3A_1552 = tpu.vector_load_idx %arg13[%add3A_1551] : memref<1333xf32, #tpu.memory_space<vmem>>[vector<16xi32>], vector<16xf32>,
      %add3A_1553 = arith.addi %add3A_1499, %select_n3A_1349 : vector<16xi32>
      %gather3A_1554 = tpu.vector_load_idx %arg14[%add3A_1553] : memref<358xf32, #tpu.memory_space<vmem>>[vector<16xi32>], vector<16xf32>,
      %add3A_1555 = arith.addf %gather3A_1532, %gather3A_1534 : vector<16xf32>
      tpu.vector_store_idx %arg18[%add3A_1501, %select_n3A_1149], %add3A_1555 : memref<512x128xf32, #tpu.memory_space<vmem>>[vector<16xi32>, vector<16xi32>], vector<16xf32>,
      %add3A_1556 = arith.addf %gather3A_1536, %gather3A_1538 : vector<16xf32>
      tpu.vector_store_idx %arg18[%add3A_1501, %select_n3A_1189], %add3A_1556 : memref<512x128xf32, #tpu.memory_space<vmem>>[vector<16xi32>, vector<16xi32>], vector<16xf32>,
      %add3A_1557 = arith.addf %gather3A_1540, %gather3A_1542 : vector<16xf32>
      tpu.vector_store_idx %arg18[%add3A_1501, %select_n3A_1229], %add3A_1557 : memref<512x128xf32, #tpu.memory_space<vmem>>[vector<16xi32>, vector<16xi32>], vector<16xf32>,
      %add3A_1558 = arith.addf %gather3A_1544, %gather3A_1546 : vector<16xf32>
      tpu.vector_store_idx %arg18[%add3A_1501, %select_n3A_1269], %add3A_1558 : memref<512x128xf32, #tpu.memory_space<vmem>>[vector<16xi32>, vector<16xi32>], vector<16xf32>,
      %add3A_1559 = arith.addf %gather3A_1548, %gather3A_1550 : vector<16xf32>
      tpu.vector_store_idx %arg18[%add3A_1501, %select_n3A_1309], %add3A_1559 : memref<512x128xf32, #tpu.memory_space<vmem>>[vector<16xi32>, vector<16xi32>], vector<16xf32>,
      %add3A_1560 = arith.addf %gather3A_1552, %gather3A_1554 : vector<16xf32>
      tpu.vector_store_idx %arg18[%add3A_1501, %select_n3A_1349], %add3A_1560 : memref<512x128xf32, #tpu.memory_space<vmem>>[vector<16xi32>, vector<16xi32>], vector<16xf32>,
      %add3A_1561 = arith.addi %mul3A_1488, %select_n3A_1159 : vector<16xi32>
      %gather3A_1562 = tpu.vector_load_idx %arg13[%add3A_1561] : memref<1333xf32, #tpu.memory_space<vmem>>[vector<16xi32>], vector<16xf32>,
      %add3A_1563 = arith.addi %add3A_1499, %select_n3A_1159 : vector<16xi32>
      %gather3A_1564 = tpu.vector_load_idx %arg14[%add3A_1563] : memref<358xf32, #tpu.memory_space<vmem>>[vector<16xi32>], vector<16xf32>,
      %add3A_1565 = arith.addi %mul3A_1488, %select_n3A_1199 : vector<16xi32>
      %gather3A_1566 = tpu.vector_load_idx %arg13[%add3A_1565] : memref<1333xf32, #tpu.memory_space<vmem>>[vector<16xi32>], vector<16xf32>,
      %add3A_1567 = arith.addi %add3A_1499, %select_n3A_1199 : vector<16xi32>
      %gather3A_1568 = tpu.vector_load_idx %arg14[%add3A_1567] : memref<358xf32, #tpu.memory_space<vmem>>[vector<16xi32>], vector<16xf32>,
      %add3A_1569 = arith.addi %mul3A_1488, %select_n3A_1239 : vector<16xi32>
      %gather3A_1570 = tpu.vector_load_idx %arg13[%add3A_1569] : memref<1333xf32, #tpu.memory_space<vmem>>[vector<16xi32>], vector<16xf32>,
      %add3A_1571 = arith.addi %add3A_1499, %select_n3A_1239 : vector<16xi32>
      %gather3A_1572 = tpu.vector_load_idx %arg14[%add3A_1571] : memref<358xf32, #tpu.memory_space<vmem>>[vector<16xi32>], vector<16xf32>,
      %add3A_1573 = arith.addi %mul3A_1488, %select_n3A_1279 : vector<16xi32>
      %gather3A_1574 = tpu.vector_load_idx %arg13[%add3A_1573] : memref<1333xf32, #tpu.memory_space<vmem>>[vector<16xi32>], vector<16xf32>,
      %add3A_1575 = arith.addi %add3A_1499, %select_n3A_1279 : vector<16xi32>
      %gather3A_1576 = tpu.vector_load_idx %arg14[%add3A_1575] : memref<358xf32, #tpu.memory_space<vmem>>[vector<16xi32>], vector<16xf32>,
      %add3A_1577 = arith.addi %mul3A_1488, %select_n3A_1319 : vector<16xi32>
      %gather3A_1578 = tpu.vector_load_idx %arg13[%add3A_1577] : memref<1333xf32, #tpu.memory_space<vmem>>[vector<16xi32>], vector<16xf32>,
      %add3A_1579 = arith.addi %add3A_1499, %select_n3A_1319 : vector<16xi32>
      %gather3A_1580 = tpu.vector_load_idx %arg14[%add3A_1579] : memref<358xf32, #tpu.memory_space<vmem>>[vector<16xi32>], vector<16xf32>,
      %add3A_1581 = arith.addi %mul3A_1488, %select_n3A_1359 : vector<16xi32>
      %gather3A_1582 = tpu.vector_load_idx %arg13[%add3A_1581] : memref<1333xf32, #tpu.memory_space<vmem>>[vector<16xi32>], vector<16xf32>,
      %add3A_1583 = arith.addi %add3A_1499, %select_n3A_1359 : vector<16xi32>
      %gather3A_1584 = tpu.vector_load_idx %arg14[%add3A_1583] : memref<358xf32, #tpu.memory_space<vmem>>[vector<16xi32>], vector<16xf32>,
      %add3A_1585 = arith.addf %gather3A_1562, %gather3A_1564 : vector<16xf32>
      tpu.vector_store_idx %arg18[%add3A_1501, %select_n3A_1159], %add3A_1585 : memref<512x128xf32, #tpu.memory_space<vmem>>[vector<16xi32>, vector<16xi32>], vector<16xf32>,
      %add3A_1586 = arith.addf %gather3A_1566, %gather3A_1568 : vector<16xf32>
      tpu.vector_store_idx %arg18[%add3A_1501, %select_n3A_1199], %add3A_1586 : memref<512x128xf32, #tpu.memory_space<vmem>>[vector<16xi32>, vector<16xi32>], vector<16xf32>,
      %add3A_1587 = arith.addf %gather3A_1570, %gather3A_1572 : vector<16xf32>
      tpu.vector_store_idx %arg18[%add3A_1501, %select_n3A_1239], %add3A_1587 : memref<512x128xf32, #tpu.memory_space<vmem>>[vector<16xi32>, vector<16xi32>], vector<16xf32>,
      %add3A_1588 = arith.addf %gather3A_1574, %gather3A_1576 : vector<16xf32>
      tpu.vector_store_idx %arg18[%add3A_1501, %select_n3A_1279], %add3A_1588 : memref<512x128xf32, #tpu.memory_space<vmem>>[vector<16xi32>, vector<16xi32>], vector<16xf32>,
      %add3A_1589 = arith.addf %gather3A_1578, %gather3A_1580 : vector<16xf32>
      tpu.vector_store_idx %arg18[%add3A_1501, %select_n3A_1319], %add3A_1589 : memref<512x128xf32, #tpu.memory_space<vmem>>[vector<16xi32>, vector<16xi32>], vector<16xf32>,
      %add3A_1590 = arith.addf %gather3A_1582, %gather3A_1584 : vector<16xf32>
      tpu.vector_store_idx %arg18[%add3A_1501, %select_n3A_1359], %add3A_1590 : memref<512x128xf32, #tpu.memory_space<vmem>>[vector<16xi32>, vector<16xi32>], vector<16xf32>,
      %add3A_1591 = arith.addi %mul3A_1488, %select_n3A_1169 : vector<16xi32>
      %gather3A_1592 = tpu.vector_load_idx %arg13[%add3A_1591] : memref<1333xf32, #tpu.memory_space<vmem>>[vector<16xi32>], vector<16xf32>,
      %add3A_1593 = arith.addi %add3A_1499, %select_n3A_1169 : vector<16xi32>
      %gather3A_1594 = tpu.vector_load_idx %arg14[%add3A_1593] : memref<358xf32, #tpu.memory_space<vmem>>[vector<16xi32>], vector<16xf32>,
      %add3A_1595 = arith.addi %mul3A_1488, %select_n3A_1209 : vector<16xi32>
      %gather3A_1596 = tpu.vector_load_idx %arg13[%add3A_1595] : memref<1333xf32, #tpu.memory_space<vmem>>[vector<16xi32>], vector<16xf32>,
      %add3A_1597 = arith.addi %add3A_1499, %select_n3A_1209 : vector<16xi32>
      %gather3A_1598 = tpu.vector_load_idx %arg14[%add3A_1597] : memref<358xf32, #tpu.memory_space<vmem>>[vector<16xi32>], vector<16xf32>,
      %add3A_1599 = arith.addi %mul3A_1488, %select_n3A_1249 : vector<16xi32>
      %gather3A_1600 = tpu.vector_load_idx %arg13[%add3A_1599] : memref<1333xf32, #tpu.memory_space<vmem>>[vector<16xi32>], vector<16xf32>,
      %add3A_1601 = arith.addi %add3A_1499, %select_n3A_1249 : vector<16xi32>
      %gather3A_1602 = tpu.vector_load_idx %arg14[%add3A_1601] : memref<358xf32, #tpu.memory_space<vmem>>[vector<16xi32>], vector<16xf32>,
      %add3A_1603 = arith.addi %mul3A_1488, %select_n3A_1289 : vector<16xi32>
      %gather3A_1604 = tpu.vector_load_idx %arg13[%add3A_1603] : memref<1333xf32, #tpu.memory_space<vmem>>[vector<16xi32>], vector<16xf32>,
      %add3A_1605 = arith.addi %add3A_1499, %select_n3A_1289 : vector<16xi32>
      %gather3A_1606 = tpu.vector_load_idx %arg14[%add3A_1605] : memref<358xf32, #tpu.memory_space<vmem>>[vector<16xi32>], vector<16xf32>,
      %add3A_1607 = arith.addi %mul3A_1488, %select_n3A_1329 : vector<16xi32>
      %gather3A_1608 = tpu.vector_load_idx %arg13[%add3A_1607] : memref<1333xf32, #tpu.memory_space<vmem>>[vector<16xi32>], vector<16xf32>,
      %add3A_1609 = arith.addi %add3A_1499, %select_n3A_1329 : vector<16xi32>
      %gather3A_1610 = tpu.vector_load_idx %arg14[%add3A_1609] : memref<358xf32, #tpu.memory_space<vmem>>[vector<16xi32>], vector<16xf32>,
      %add3A_1611 = arith.addi %mul3A_1488, %select_n3A_1369 : vector<16xi32>
      %gather3A_1612 = tpu.vector_load_idx %arg13[%add3A_1611] : memref<1333xf32, #tpu.memory_space<vmem>>[vector<16xi32>], vector<16xf32>,
      %add3A_1613 = arith.addi %add3A_1499, %select_n3A_1369 : vector<16xi32>
      %gather3A_1614 = tpu.vector_load_idx %arg14[%add3A_1613] : memref<358xf32, #tpu.memory_space<vmem>>[vector<16xi32>], vector<16xf32>,
      %add3A_1615 = arith.addf %gather3A_1592, %gather3A_1594 : vector<16xf32>
      tpu.vector_store_idx %arg18[%add3A_1501, %select_n3A_1169], %add3A_1615 : memref<512x128xf32, #tpu.memory_space<vmem>>[vector<16xi32>, vector<16xi32>], vector<16xf32>,
      %add3A_1616 = arith.addf %gather3A_1596, %gather3A_1598 : vector<16xf32>
      tpu.vector_store_idx %arg18[%add3A_1501, %select_n3A_1209], %add3A_1616 : memref<512x128xf32, #tpu.memory_space<vmem>>[vector<16xi32>, vector<16xi32>], vector<16xf32>,
      %add3A_1617 = arith.addf %gather3A_1600, %gather3A_1602 : vector<16xf32>
      tpu.vector_store_idx %arg18[%add3A_1501, %select_n3A_1249], %add3A_1617 : memref<512x128xf32, #tpu.memory_space<vmem>>[vector<16xi32>, vector<16xi32>], vector<16xf32>,
      %add3A_1618 = arith.addf %gather3A_1604, %gather3A_1606 : vector<16xf32>
      tpu.vector_store_idx %arg18[%add3A_1501, %select_n3A_1289], %add3A_1618 : memref<512x128xf32, #tpu.memory_space<vmem>>[vector<16xi32>, vector<16xi32>], vector<16xf32>,
      %add3A_1619 = arith.addf %gather3A_1608, %gather3A_1610 : vector<16xf32>
      tpu.vector_store_idx %arg18[%add3A_1501, %select_n3A_1329], %add3A_1619 : memref<512x128xf32, #tpu.memory_space<vmem>>[vector<16xi32>, vector<16xi32>], vector<16xf32>,
      %add3A_1620 = arith.addf %gather3A_1612, %gather3A_1614 : vector<16xf32>
      tpu.vector_store_idx %arg18[%add3A_1501, %select_n3A_1369], %add3A_1620 : memref<512x128xf32, #tpu.memory_space<vmem>>[vector<16xi32>, vector<16xi32>], vector<16xf32>,
    }
    %scan3A_1428 = arith.constant 8 : i32
    %add3A_1429 = arith.constant 384 : i32
    %add3A_1430 = arith.addi %mul3A_2, %add3A_1429 : i32
    %dma_start3A_1431 = arith.constant 384 : i32
    %dma_start3A_1432 = arith.constant 0 : i32
    %dma_start3A_1433 = tpu.memref_slice %arg18[%dma_start3A_1431, %dma_start3A_1432] : memref<512x128xf32, #tpu.memory_space<vmem>> -> memref<128x128xf32, #tpu.memory_space<vmem>>
    %dma_start3A_1434 = arith.constant 0 : i32
    %dma_start3A_1435 = tpu.memref_slice %arg9[%add3A_1430, %dma_start3A_1434] : memref<16384x128xf32, #tpu.memory_space<hbm>> -> memref<128x128xf32, #tpu.memory_space<hbm>>
    %dma_start3A_1436 = arith.constant 0 : i32
    %dma_start3A_1437 = tpu.memref_slice %arg9[%add3A_1430, %dma_start3A_1436] : memref<16384x128xf32, #tpu.memory_space<hbm>> -> memref<128x128xf32, #tpu.memory_space<hbm>>
    %dma_start3A_1438 = arith.constant 384 : i32
    %dma_start3A_1439 = arith.constant 0 : i32
    %dma_start3A_1440 = tpu.memref_slice %arg18[%dma_start3A_1438, %dma_start3A_1439] : memref<512x128xf32, #tpu.memory_space<vmem>> -> memref<128x128xf32, #tpu.memory_space<vmem>>
    tpu.enqueue_dma source(%dma_start3A_1440 : memref<128x128xf32, #tpu.memory_space<vmem>>) target(%dma_start3A_1437 : memref<128x128xf32, #tpu.memory_space<hbm>>) target_semaphore(%arg20 : memref<!tpu.dma_semaphore, #tpu.memory_space<semaphore_mem>>)
    %dma_wait3A_1441 = arith.constant 0 : i32
    %dma_wait3A_1442 = arith.constant 0 : i32
    %dma_wait3A_1443 = tpu.memref_slice %arg18[%dma_wait3A_1441, %dma_wait3A_1442] : memref<512x128xf32, #tpu.memory_space<vmem>> -> memref<128x128xf32, #tpu.memory_space<vmem>>
    %dma_wait3A_1444 = arith.constant 0 : i32
    %dma_wait3A_1445 = tpu.memref_slice %arg9[%add3A_1376, %dma_wait3A_1444] : memref<16384x128xf32, #tpu.memory_space<hbm>> -> memref<128x128xf32, #tpu.memory_space<hbm>>
    %dma_wait3A_1446 = arith.constant 0 : i32
    %dma_wait3A_1447 = tpu.memref_slice %arg9[%add3A_1376, %dma_wait3A_1446] : memref<16384x128xf32, #tpu.memory_space<hbm>> -> memref<128x128xf32, #tpu.memory_space<hbm>>
    %dma_wait3A_1448 = arith.constant 0 : i32
    %dma_wait3A_1449 = arith.constant 0 : i32
    %dma_wait3A_1450 = tpu.memref_slice %arg18[%dma_wait3A_1448, %dma_wait3A_1449] : memref<512x128xf32, #tpu.memory_space<vmem>> -> memref<128x128xf32, #tpu.memory_space<vmem>>
    tpu.wait_dma2 semaphore(%arg20 : memref<!tpu.dma_semaphore, #tpu.memory_space<semaphore_mem>>) src(%dma_wait3A_1450 : memref<128x128xf32, #tpu.memory_space<vmem>>) dst(%dma_wait3A_1447 : memref<128x128xf32, #tpu.memory_space<hbm>>)
    %dma_wait3A_1451 = arith.constant 128 : i32
    %dma_wait3A_1452 = arith.constant 0 : i32
    %dma_wait3A_1453 = tpu.memref_slice %arg18[%dma_wait3A_1451, %dma_wait3A_1452] : memref<512x128xf32, #tpu.memory_space<vmem>> -> memref<128x128xf32, #tpu.memory_space<vmem>>
    %dma_wait3A_1454 = arith.constant 0 : i32
    %dma_wait3A_1455 = tpu.memref_slice %arg9[%add3A_1394, %dma_wait3A_1454] : memref<16384x128xf32, #tpu.memory_space<hbm>> -> memref<128x128xf32, #tpu.memory_space<hbm>>
    %dma_wait3A_1456 = arith.constant 0 : i32
    %dma_wait3A_1457 = tpu.memref_slice %arg9[%add3A_1394, %dma_wait3A_1456] : memref<16384x128xf32, #tpu.memory_space<hbm>> -> memref<128x128xf32, #tpu.memory_space<hbm>>
    %dma_wait3A_1458 = arith.constant 128 : i32
    %dma_wait3A_1459 = arith.constant 0 : i32
    %dma_wait3A_1460 = tpu.memref_slice %arg18[%dma_wait3A_1458, %dma_wait3A_1459] : memref<512x128xf32, #tpu.memory_space<vmem>> -> memref<128x128xf32, #tpu.memory_space<vmem>>
    tpu.wait_dma2 semaphore(%arg20 : memref<!tpu.dma_semaphore, #tpu.memory_space<semaphore_mem>>) src(%dma_wait3A_1460 : memref<128x128xf32, #tpu.memory_space<vmem>>) dst(%dma_wait3A_1457 : memref<128x128xf32, #tpu.memory_space<hbm>>)
    %dma_wait3A_1461 = arith.constant 256 : i32
    %dma_wait3A_1462 = arith.constant 0 : i32
    %dma_wait3A_1463 = tpu.memref_slice %arg18[%dma_wait3A_1461, %dma_wait3A_1462] : memref<512x128xf32, #tpu.memory_space<vmem>> -> memref<128x128xf32, #tpu.memory_space<vmem>>
    %dma_wait3A_1464 = arith.constant 0 : i32
    %dma_wait3A_1465 = tpu.memref_slice %arg9[%add3A_1412, %dma_wait3A_1464] : memref<16384x128xf32, #tpu.memory_space<hbm>> -> memref<128x128xf32, #tpu.memory_space<hbm>>
    %dma_wait3A_1466 = arith.constant 0 : i32
    %dma_wait3A_1467 = tpu.memref_slice %arg9[%add3A_1412, %dma_wait3A_1466] : memref<16384x128xf32, #tpu.memory_space<hbm>> -> memref<128x128xf32, #tpu.memory_space<hbm>>
    %dma_wait3A_1468 = arith.constant 256 : i32
    %dma_wait3A_1469 = arith.constant 0 : i32
    %dma_wait3A_1470 = tpu.memref_slice %arg18[%dma_wait3A_1468, %dma_wait3A_1469] : memref<512x128xf32, #tpu.memory_space<vmem>> -> memref<128x128xf32, #tpu.memory_space<vmem>>
    tpu.wait_dma2 semaphore(%arg20 : memref<!tpu.dma_semaphore, #tpu.memory_space<semaphore_mem>>) src(%dma_wait3A_1470 : memref<128x128xf32, #tpu.memory_space<vmem>>) dst(%dma_wait3A_1467 : memref<128x128xf32, #tpu.memory_space<hbm>>)
    %dma_wait3A_1471 = arith.constant 384 : i32
    %dma_wait3A_1472 = arith.constant 0 : i32
    %dma_wait3A_1473 = tpu.memref_slice %arg18[%dma_wait3A_1471, %dma_wait3A_1472] : memref<512x128xf32, #tpu.memory_space<vmem>> -> memref<128x128xf32, #tpu.memory_space<vmem>>
    %dma_wait3A_1474 = arith.constant 0 : i32
    %dma_wait3A_1475 = tpu.memref_slice %arg9[%add3A_1430, %dma_wait3A_1474] : memref<16384x128xf32, #tpu.memory_space<hbm>> -> memref<128x128xf32, #tpu.memory_space<hbm>>
    %dma_wait3A_1476 = arith.constant 0 : i32
    %dma_wait3A_1477 = tpu.memref_slice %arg9[%add3A_1430, %dma_wait3A_1476] : memref<16384x128xf32, #tpu.memory_space<hbm>> -> memref<128x128xf32, #tpu.memory_space<hbm>>
    %dma_wait3A_1478 = arith.constant 384 : i32
    %dma_wait3A_1479 = arith.constant 0 : i32
    %dma_wait3A_1480 = tpu.memref_slice %arg18[%dma_wait3A_1478, %dma_wait3A_1479] : memref<512x128xf32, #tpu.memory_space<vmem>> -> memref<128x128xf32, #tpu.memory_space<vmem>>
    tpu.wait_dma2 semaphore(%arg20 : memref<!tpu.dma_semaphore, #tpu.memory_space<semaphore_mem>>) src(%dma_wait3A_1480 : memref<128x128xf32, #tpu.memory_space<vmem>>) dst(%dma_wait3A_1477 : memref<128x128xf32, #tpu.memory_space<hbm>>)
    return
  }
}

</mosaic_0001>

<sc_bundles>
// kernel: kernel.3.cloned.1.call-start
scs
__scs_entry_jumppad:
0x0: {  	(pc) =	sbr.rel $0x88, $3  }
0x1: {  	(tag) =	ssettag $0x0;
	lr =	simm.s32 $0x1  }
0x2: {  	[smem:$0x3F98] =	sst lr;
	_ =	strace $0xD0000000  }
0x3: {  	_ = 	snop  }
0x4: {  	_ = 	snop  }
0x5: {  	_ = 	snop  }
0x6: {  	_ = 	snop  }
0x7: {  	_ = 	snop  }
__scs_overlays_trampoline_lowered:
0x8: {  	[smem:$0x3FA7] =	sst s0  }
0x9: {  	[smem:$0x3FA8] =	sst s1  }
0xa: {  	[smem:$0x3FA9] =	sst s2  }
0xb: {  	[smem:$0x3FAA] =	sst s3  }
0xc: {  	[smem:$0x3FAB] =	sst s4  }
0xd: {  	[smem:$0x3FAC] =	sst s5  }
0xe: {  	[smem:$0x3FAD] =	sst s6  }
0xf: {  	[smem:$0x3FAE] =	sst s7  }
0x10: {  	[smem:$0x3FAF] =	sst s8  }
0x11: {  	[smem:$0x3FB0] =	sst s9;
	s0 =	simm.s32 @!p0 $0x0  }
0x12: {  	s1 =	sld [smem:$0x3F96];
	s0 =	simm.s32 @p0 $0x1  }
0x13: {  	[smem:$0x3FB1] =	sst s0;
	s0 =	simm.s32 @!p1 $0x0  }
0x14: {  	s2 =	sld [smem:$0x3F95];
	s0 =	simm.s32 @p1 $0x1  }
0x15: {  	[smem:$0x3FB2] =	sst s0;
	s0 =	simm.s32 @!p2 $0x0  }
0x16: {  	s3 =	sld [smem:$0x3FDB];
	s0 =	simm.s32 @p2 $0x1  }
0x17: {  	s4 =	simm.s32 $0x1BF5;
	[smem:$0x3FB4] =	sst s0  }
0x18: {  	s0 =	sld [smem:$0x3F97];
	_ =	swait.ge [sflag:s4], $0x0  }
0x19: {  	s7 =	sld [smem:$0x3F98]  }
0x1a: {  	s8 =	sadd.s32 $0xFFFFE003, lr  }
0x1b: {  	s9 =	sadd.s32 $0xFFFFFEF7, lr;
	s5 =	simm.s32 $0xFFFFFFFF;
	p2 =	slt.u32 s8, $0xFFFFF086  }
0x1c: {  	p1 =	slt.u32 s9, $0xF7A;
	s5 =	simm.s32 @!p2 $0x0  }
0x1d: {  	s5 =	simm.s32 @p1 $0x1;
	p0 =	seq.s32 s7, s2  }
0x1e: {  	s7 =	smul.u32 @!p0 $0xF7A, s2;
	p2 =	seq.s32 @!p0 s5, $0x0  }
0x1f: {  	s9 =	smul.u32 $0xF7A, s1;
	s8 =	simm.s32 @!p0 $0x1BF5;
	p2 =	por !p2, p0  }
0x20: {  	[sflag:s8] =	ssyncset.s32 @!p0 $0xFFFFF086;
	s6 =	sadd.s32 @!p0 s3, s7;
	s7 =	simm.s32 @!p0 $0x108  }
0x21: {  	s3 =	sadd.s32 s3, s9;
	s6 =	sadd.s32 @!p0 $0x88, s6;
	s7 =	simm.s32 @p2 $0x1082  }
0x22: {  	[simem:s7], [sflag:s8] =	dma.local @!p0 [hbm:s6], $0xF7A  }
0x23: {  	s9 =	sor.u32 $0xD0000000, s2;
	s6 =	simm.s32 $0x108;
	_ =	swait.ge @!p0 [sflag:s8], $0x0  }
0x24: {  	s3 =	sadd.s32 $0x88, s3;
	s6 =	simm.s32 @!p1 $0x1082;
	[sflag:s4] =	ssyncset.s32 $0xFFFFF086  }
0x25: {  	[simem:s6], [sflag:s4] =	dma.local [hbm:s3], $0xF7A  }
0x26: {  	[smem:$0x3F98] =	sst s1;
	(tag) =	ssettag s2;
	_ =	strace s9  }
0x27: {  	s1 =	sld [smem:$0x3FA8]  }
0x28: {  	s2 =	sld [smem:$0x3FA9]  }
0x29: {  	s4 =	sld [smem:$0x3FAB]  }
0x2a: {  	p0 =	seq.s32 s5, $0x0;
	s5 =	sld [smem:$0x3FAC]  }
0x2b: {  	s6 =	sld [smem:$0x3FAD]  }
0x2c: {  	s7 =	sld [smem:$0x3FAE]  }
0x2d: {  	s3 =	simm.s32 $0x108;
	s8 =	sld [smem:$0x3FAF]  }
0x2e: {  	s3 =	simm.s32 @!p0 $0x1082;
	s9 =	sld [smem:$0x3FB0]  }
0x2f: {  	lr =	sadd.s32 s0, s3;
	s0 =	sld [smem:$0x3FA7]  }
0x30: {  	s3 =	sld [smem:$0x3FAA]  }
0x31: {  	[smem:$0x3FB3] =	sst s10  }
0x32: {  	s10 =	sld [smem:$0x3FB1];
	_ =	sdelay $0x3  }
0x33: {  	p0 =	seq.s32 s10, $0x1;
	s10 =	sld [smem:$0x3FB3];
	_ =	sdelay $0x3  }
0x34: {  	[smem:$0x3FB3] =	sst s10  }
0x35: {  	s10 =	sld [smem:$0x3FB2];
	_ =	sdelay $0x3  }
0x36: {  	p1 =	seq.s32 s10, $0x1;
	s10 =	sld [smem:$0x3FB3];
	_ =	sdelay $0x3  }
0x37: {  	[smem:$0x3FB3] =	sst s10  }
0x38: {  	s10 =	sld [smem:$0x3FB4]  }
0x39: {  	_ = 	snop;
	(pc) =	sbr.ind lr, $3  }
0x3a: {  	_ = 	snop  }
0x3b: {  	_ = 	snop  }
0x3c: {  	p2 =	seq.s32 s10, $0x1;
	s10 =	sld [smem:$0x3FB3]  }
0x3d: {  	_ =	shalt  }
0x3e: {  	_ =	shalt  }
0x3f: {  	_ =	shalt  }
0x40: {  	_ =	shalt  }
0x41: {  	_ =	shalt  }
0x42: {  	_ =	shalt  }
0x43: {  	_ =	shalt  }
0x44: {  	_ =	shalt  }
0x45: {  	_ =	shalt  }
0x46: {  	_ =	shalt  }
0x47: {  	_ =	shalt  }
0x48: {  	_ =	shalt  }
0x49: {  	_ =	shalt  }
0x4a: {  	_ =	shalt  }
0x4b: {  	_ =	shalt  }
0x4c: {  	_ =	shalt  }
0x4d: {  	_ =	shalt  }
0x4e: {  	_ =	shalt  }
0x4f: {  	_ =	shalt  }
0x50: {  	_ =	shalt  }
0x51: {  	_ =	shalt  }
0x52: {  	_ =	shalt  }
0x53: {  	_ =	shalt  }
0x54: {  	_ =	shalt  }
0x55: {  	_ =	shalt  }
0x56: {  	_ =	shalt  }
0x57: {  	_ =	shalt  }
0x58: {  	_ =	shalt  }
0x59: {  	_ =	shalt  }
0x5a: {  	_ =	shalt  }
0x5b: {  	_ =	shalt  }
0x5c: {  	_ =	shalt  }
0x5d: {  	_ =	shalt  }
0x5e: {  	_ =	shalt  }
0x5f: {  	_ =	shalt  }
0x60: {  	_ =	shalt  }
0x61: {  	_ =	shalt  }
0x62: {  	_ =	shalt  }
0x63: {  	_ =	shalt  }
0x64: {  	_ =	shalt  }
0x65: {  	_ =	shalt  }
0x66: {  	_ =	shalt  }
0x67: {  	_ =	shalt  }
0x68: {  	_ =	shalt  }
0x69: {  	_ =	shalt  }
0x6a: {  	_ =	shalt  }
0x6b: {  	_ =	shalt  }
0x6c: {  	_ =	shalt  }
0x6d: {  	_ =	shalt  }
0x6e: {  	_ =	shalt  }
0x6f: {  	_ =	shalt  }
0x70: {  	_ =	shalt  }
0x71: {  	_ =	shalt  }
0x72: {  	_ =	shalt  }
0x73: {  	_ =	shalt  }
0x74: {  	_ =	shalt  }
0x75: {  	_ =	shalt  }
0x76: {  	_ =	shalt  }
0x77: {  	_ =	shalt  }
0x78: {  	_ =	shalt  }
0x79: {  	_ =	shalt  }
0x7a: {  	_ =	shalt  }
0x7b: {  	_ =	shalt  }
0x7c: {  	_ =	shalt  }
0x7d: {  	_ =	shalt  }
0x7e: {  	_ =	shalt  }
0x7f: {  	_ =	shalt  }
0x80: {  	_ =	shalt  }
0x81: {  	_ =	shalt  }
0x82: {  	_ =	shalt  }
0x83: {  	_ =	shalt  }
0x84: {  	_ =	shalt  }
0x85: {  	_ =	shalt  }
0x86: {  	_ =	shalt  }
0x87: {  	_ =	shalt  }
.Lfunc_end0:
.L_simem_size_0:
called_computation_lowered:
.L_overlay_start_0:
0x88: {  	s2 =	sld [smem:$0x3FD9]  }
0x89: {  	s3 =	sld [smem:$0x3FFE];
	_ =	sdelay $0x1  }
0x8a: {  	s1 =	srdreg.scid  }
0x8b: {  	s0 =	sand.u32 $0x1, s1  }
0x8c: {  	s17 =	sshll.u32 s0, $0xA;
	s2 =	sadd.s32 s3, s2  }
0x8d: {  	s2 =	sadd.s32 s2, s17  }
0x8e: {  	[smem:$0x3FBF] =	sst s2  }
0x8f: {  	_ = 	snop  }
0x90: {  	s2 =	sld [smem:$0x3FC8]  }
0x91: {  	s18 =	sld [smem:$0x3FC7]  }
0x92: {  	s4 =	sld [smem:$0x3FC3]  }
0x93: {  	s5 =	sld [smem:$0x3FC2]  }
0x94: {  	s6 =	sld [smem:$0x3FC1]  }
0x95: {  	s7 =	sld [smem:$0x3FD0];
	(tm) =	ssettm $0x1  }
0x96: {  	s8 =	sld [smem:$0x3FFB];
	_ =	sdelay $0x3  }
0x97: {  	_ =	strace s8  }
0x98: {  	s8 =	sld [smem:$0x3FFC];
	_ =	sdelay $0x3  }
0x99: {  	_ =	strace s8  }
0x9a: {  	s8 =	sld [smem:$0x3FFD];
	_ =	sdelay $0x3  }
0x9b: {  	_ =	strace s8  }
0x9c: {  	_ =	strace $0x8FFFFFFF  }
0x9d: {  	s19 =	sld [smem:$0x3FDB];
	_ =	sdelay $0x1  }
0x9e: {  	s9 =	simm.s32 $_scs_section_size  }
0x9f: {  	s10 =	simm.s32 $_size__tile_overlayer_lowered;
	s11 =	simm.s32 $_tile_overlayer_lowered  }
0xa0: {  	s22 =	simm.s32 $0x1BFF;
	s21 =	sshll.u32 s11, $0x1;
	s8 =	sadd.s32 s9, s19  }
0xa1: {  	s12 =	simm.s32 $0x0;
	s20 =	sshll.u32 s10, $0x1;
	s10 =	sadd.s32 s21, s8  }
0xa2: {  	[timem:s12], [sflag:s22] =	dma.local [hbm:s10], s20  }
0xa3: {  	_ =	swait.ge [sflag:s22], s20  }
0xa4: {  	s9 =	ssub.s32 $0x0, s20;
	[sflag:s22] =	ssyncset.done $0x0  }
0xa5: {  	[sflag:s22] =	ssyncadd.s32 s9;
	_ =	sdelay $0x1  }
0xa6: {  	s23 =	simm.s32 $0x1B8B  }
0xa7: {  	_ =	swait.ge [sflag:s23], $0x1  }
0xa8: {  	[sflag:s23] =	ssyncset.done $0x0  }
0xa9: {  	s25 =	simm.s32 $0x1B8E;
	s24 =	sld [smem:$0x3FFE];
	[sflag:s23] =	ssyncadd.s32 $0xFFFFFFFF  }
0xaa: {  	s26 =	simm.s32 $execute0_lowered;
	[smem:$0x3FD2] =	sst s25  }
0xab: {  	s10 =	sshll.u32 s26, $0x1;
	_ =	strace $0x80000046;
	[dreg:$0x1] =	wrdreg $0xFFFFFFFF  }
0xac: {  	s28 =	simm.s32 $_size_execute0_lowered;
	s8 =	sadd.s32 s8, s10;
	[dreg:$0x0] =	wrdreg $0x0  }
0xad: {  	s10 =	sshll.u32 s28, $0x1;
	[dreg:$0x2] =	wrdreg s8  }
0xae: {  	[dreg:$0x3] =	wrdreg s10  }
0xaf: {  	[dreg:$0x4] =	wrdreg $0xC0  }
0xb0: {  	_ =	task [dreg:s12], $0x5FFFF  }
0xb1: {  	[dreg:$0x1] =	wrdreg $0xFFFFFFFF  }
0xb2: {  	[dreg:$0x0] =	wrdreg $0x60  }
0xb3: {  	[dreg:$0x2] =	wrdreg s7  }
0xb4: {  	[dreg:$0x3] =	wrdreg s2  }
0xb5: {  	[dreg:$0x4] =	wrdreg s18  }
0xb6: {  	[dreg:$0x5] =	wrdreg s24  }
0xb7: {  	[dreg:$0x6] =	wrdreg s4  }
0xb8: {  	[dreg:$0x7] =	wrdreg s5  }
0xb9: {  	[dreg:$0x8] =	wrdreg s6  }
0xba: {  	[dreg:$0x9] =	wrdreg $0x9  }
0xbb: {  	_ =	task.clear_ibuf [dreg:s12], $0xAFFFF;
	_ =	strace $0x90000046  }
0xbc: {  	s29 =	simm.s32 $0x9;
	_ =	strace $0x80000048  }
0xbd: {  	_ =	swait.ge [sflag:s29], $0x1  }
0xbe: {  	[sflag:s29] =	ssyncadd.s32 $0xFFFFFFFF  }
0xbf: {  	_ =	strace $0x90000048  }
0xc0: {  	_ =	sfence  }
0xc1: {  	s30 =	sld [smem:$0x0];
	_ =	sdelay $0x2  }
0xc2: {  	s31 =	sshll.u32 s1, $0xD;
	s1 =	sshrl.u32 s1, $0x2  }
0xc3: {  	s3 =	sand.u32 $0x4000, s31;
	s1 =	sadd.s32 s1, s30  }
0xc4: {  	s0 =	sor.u32 s3, s0;
	s1 =	sshll.u32 s1, $0x11  }
0xc5: {  	s0 =	sor.u32 s1, s0  }
0xc6: {  	s0 =	sadd.s32 $0x8F2B, s0  }
0xc7: {  	[sflag:s0] =	ssyncadd.remote.s32 $0x1  }
0xc8: {  	_ =	sfence.sel $0xFFFF  }
0xc9: {  	[dreg:$0x0] =	wrdreg $0xFFFFFFFF;
	(pc) =	sbr.abs _section_cstart, $3  }
0xca: {  	[dreg:$0x1] =	wrdreg $0xFFFFFFFF  }
0xcb: {  	_ =	task.clear_ibuf [dreg:s12], $0x2FFFF;
	_ =	strace $0x9FFFFFFF  }
0xcc: {  	(tm) =	ssettm $0x7FFFFFFF  }
0xcd: {  	_ =	shalt  }
tec
execute0_lowered:
.L_overlay_start_1:
0x0: {  	(tag) =	ssettag $0x1  }
0x1: {  	v0 =	vlaneseq.u32;
	v2 =	vimm.s32 $0x3020100  }
0x2: {  	v3 =	vimm.s32 $0x17161514;
	v4 =	vimm.s32 $0x13121110;
	v6 =	vimm.s32 $0x76543210  }
0x3: {  	vm0 =	vcmask $0x1F10;
	v7 =	vimm.s32 $0x32107654;
	vm2 =	vcmask $0x2F10  }
0x4: {  	vm1 =	vcmask $0x3F30;
	v10 =	vimm.s32 $0x10131211;
	vm3 =	vcmask $0x1B00  }
0x5: {  	v11 =	vimm.s32 $0x14171615;
	vm7 =	vcmask $0x2B1C;
	vm8 =	vcmask $0x3B2C  }
0x6: {  	v13 =	vimm.s32 $0x87654321;
	v14 =	vimm.s32 $0x14131211;
	v15 =	vimm.s32 $0x43218765  }
0x7: {  	v16 =	vimm.s32 $0xFEDCBA;
	v17 =	vimm.s32 $0xC0B0A09;
	vm9 =	vcmask $0x1700  }
0x8: {  	vm10 =	vcmask $0x2718;
	vm11 =	vcmask $0x3728;
	vm12 =	vcmask $0x3B38  }
0x9: {  	v18 =	vimm.s32 $0x98765432;
	v19 =	vimm.s32 $0x15141312;
	v20 =	vimm.s32 $0x54329876  }
0xa: {  	v21 =	vimm.s32 $0xFEDCB;
	vm13 =	vcmask $0x2314;
	v22 =	vimm.s32 $0x2010000  }
0xb: {  	vm14 =	vcmask $0x3324;
	vm15 =	vcmask $0x3F34;
	v24 =	vimm.s32 $0x6543A987  }
0xc: {  	v26 =	vimm.s32 $0xA9876543;
	v5 =	vunpack.c.0.s8.s32 v3;
	v3 =	vimm.s32 $0xF0E0D0C  }
0xd: {  	v2 =	vunpack.c.0.s8.s32 v2;
	v4 =	vunpack.c.0.s8.s32 v4;
	v3 =	vunpack.c.0.s8.s32 v3  }
0xe: {  	v1 =	vadd.s32 $0x4, v0;
	v6 =	vunpack.c.l.s4.s8 v6;
	v7 =	vunpack.c.l.s4.s8 v7  }
0xf: {  	v10 =	vunpack.c.0.s8.s32 v10;
	v8 =	vsel vm0, v2, v5;
	v3 =	vsel vm0, v4, v3  }
0x10: {  	v11 =	vunpack.c.0.s8.s32 v11;
	v3 =	vcombine.low v3, v8;
	v8 =	vimm.s32 $0xFEDCBA9  }
0x11: {  	v13 =	vunpack.c.l.s4.s8 v13;
	v14 =	vunpack.c.0.s8.s32 v14;
	v8 =	vunpack.c.l.s4.s8 v8  }
0x12: {  	v15 =	vunpack.c.l.s4.s8 v15;
	v16 =	vunpack.c.l.s4.s8 v16;
	v17 =	vunpack.c.0.s8.s32 v17  }
0x13: {  	v18 =	vunpack.c.l.s4.s8 v18;
	v19 =	vunpack.c.0.s8.s32 v19;
	v9 =	vunpack.c.0.s8.s32 v8  }
0x14: {  	v20 =	vunpack.c.l.s4.s8 v20;
	v21 =	vunpack.c.l.s4.s8 v21;
	v24 =	vunpack.c.l.s4.s8 v24  }
0x15: {  	v2 =	vadd.s32 $0x8, v0;
	v6 =	vunpack.c.0.s8.s32 v6;
	v9 =	vand.u32 $0xF, v9  }
0x16: {  	v7 =	vunpack.c.0.s8.s32 v7;
	v13 =	vunpack.c.0.s8.s32 v13;
	v9 =	vnsel vm3, $0x0, v9  }
0x17: {  	v15 =	vunpack.c.0.s8.s32 v15;
	v16 =	vunpack.c.0.s8.s32 v16;
	v9 =	vsel vm7, v10, v9  }
0x18: {  	v10 =	vimm.s32 $0x4030201;
	v9 =	vsel vm8, v11, v9;
	v11 =	vimm.s32 $0x171615  }
0x19: {  	v10 =	vunpack.c.0.s8.s32 v10;
	v12 =	vunpack.c.0.s8.s32 v11;
	v11 =	vimm.s32 $0x100F0E0D  }
0x1a: {  	v18 =	vunpack.c.0.s8.s32 v18;
	v20 =	vunpack.c.0.s8.s32 v20;
	v11 =	vunpack.c.0.s8.s32 v11  }
0x1b: {  	v13 =	vand.u32 $0xF, v13;
	v15 =	vand.u32 $0xF, v15;
	v10 =	vsel vm0, v10, v12  }
0x1c: {  	v11 =	vsel vm0, v14, v11;
	v14 =	vsel vm0, v12, v14;
	v12 =	vsel vm2, v15, v12  }
0x1d: {  	v10 =	vcombine.low v11, v10;
	v11 =	vcombine.low v14, v13;
	v14 =	vimm.s32 $0x11101312  }
0x1e: {  	v15 =	vimm.s32 $0x15141716;
	v13 =	vand.u32 $0xF, v16;
	v14 =	vunpack.c.0.s8.s32 v14  }
0x1f: {  	v4 =	vsel vm0, v5, v4;
	v15 =	vunpack.c.0.s8.s32 v15;
	v16 =	vnsel vm9, $0x1, v13  }
0x20: {  	v24 =	vunpack.c.0.s8.s32 v24;
	v4 =	vcombine.low v4, v6;
	v14 =	vsel vm10, v14, v16  }
0x21: {  	v12 =	vsel vm1, v17, v12;
	v16 =	vimm.s32 $0x1001716;
	v14 =	vsel vm11, v15, v14  }
0x22: {  	v15 =	vimm.s32 $0x5040302;
	v17 =	vunpack.c.0.s8.s32 v16;
	v16 =	vimm.s32 $0x11100F0E  }
0x23: {  	s0 =	rddreg [dreg:$0x0];
	v6 =	vimm.s32 $0xB0A0908;
	v15 =	vunpack.c.0.s8.s32 v15;
	v16 =	vunpack.c.0.s8.s32 v16  }
0x24: {  	s1 =	rddreg [dreg:$0x1];
	v7 =	vand.u32 $0xF, v7;
	v18 =	vand.u32 $0xF, v18;
	v24 =	vand.u32 $0xF, v24  }
0x25: {  	s2 =	rddreg [dreg:$0x2];
	v6 =	vunpack.c.0.s8.s32 v6;
	v15 =	vsel vm0, v15, v17;
	v16 =	vsel vm0, v19, v16  }
0x26: {  	s7 =	rddreg [dreg:$0x3];
	v15 =	vcombine.low v16, v15;
	v16 =	vsel vm0, v17, v19;
	v19 =	vunpack.c.0.s8.s32 v21  }
0x27: {  	s8 =	rddreg [dreg:$0x4];
	v16 =	vcombine.low v16, v18;
	v18 =	vand.u32 $0xF, v20;
	v20 =	vimm.s32 $0x12111013  }
0x28: {  	s9 =	rddreg [dreg:$0x5];
	v5 =	vsel vm2, v7, v5;
	v21 =	vimm.s32 $0x16151417;
	v20 =	vunpack.c.0.s8.s32 v20  }
0x29: {  	s10 =	rddreg [dreg:$0x6];
	v21 =	vunpack.c.0.s8.s32 v21;
	v18 =	vsel vm2, v18, v17;
	v19 =	vand.u32 $0xF, v19  }
0x2a: {  	s3 =	rddreg [dreg:$0x7];
	s4 =	simm.s32 $0x0;
	s6 =	srdreg.scid;
	v17 =	vimm.s32 $0xD0C0B0A;
	v19 =	vsel vm13, v20, v19;
	v20 =	vunpack.c.0.s8.s32 v22  }
0x2b: {  	s5 =	stileid.u32;
	s15 =	simm.s32 $0x1C00;
	s16 =	simm.s32 $0x2000;
	v7 =	vadd.s32 $0x1, v0;
	v22 =	vunpack.c.0.s8.s32 v17;
	v17 =	vsel vm14, v21, v19  }
0x2c: {  	s17 =	simm.s32 $0x12E00;
	s19 =	simm.s32 $0x2100;
	s20 =	simm.s32 $0x2680;
	v5 =	vsel vm1, v6, v5;
	v19 =	vimm.s32 $0x6050403;
	v17 =	vsel vm15, v20, v17  }
0x2d: {  	s18 =	simm.s32 $0x1;
	s21 =	simm.s32 $0x2E00;
	s22 =	simm.s32 $0x6E00;
	v20 =	vimm.s32 $0x2010017;
	v21 =	vunpack.c.0.s8.s32 v19;
	v19 =	vimm.s32 $0x1211100F  }
0x2e: {  	s23 =	simm.s32 $0xAE00;
	s24 =	simm.s32 $0xEE00;
	s25 =	simm.s32 $0x0;
	v23 =	vunpack.c.0.s8.s32 v20;
	v20 =	vunpack.c.0.s8.s32 v19;
	v19 =	vimm.s32 $0x16151413  }
0x2f: {  	[smem:$0x7FF] =	sst s4;
	s11 =	sand.u32 $0x1, s6;
	s12 =	sshll.u32 s5, $0xA;
	v6 =	vmul.u32 $0x80, v0;
	v8 =	vadd.s32 $0x5, v0;
	v25 =	vunpack.c.0.s8.s32 v19  }
0x30: {  	s6 =	sadd.s32 $0xA00, s7;
	s13 =	sshll.u32 s11, $0x9;
	s11 =	ssub.s32 $0x2, s11;
	v13 =	vadd.s32 $0x2, v0;
	v18 =	vsel vm1, v22, v18;
	v22 =	vunpack.c.l.s4.s8 v26  }
0x31: {  	_ =	strace $0x80000047;
	s12 =	sor.u32 s13, s12;
	s14 =	sshrl.u32 s11, $0x1;
	v14 =	vsel vm12, $0x0, v14;
	v21 =	vsel vm0, v21, v23;
	v20 =	vsel vm0, v25, v20  }
0x32: {  	s13 =	sshll.u32 s12, $0x4;
	s12 =	sshrl.u32 s12, $0x3;
	s14 =	ssub.s32 s11, s14;
	v22 =	vunpack.c.0.s8.s32 v22;
	v20 =	vcombine.low v20, v21;
	v21 =	vimm.s32 $0xE0D0C0B  }
0x33: {  	s13 =	sadd.s32 s13, s7;
	s7 =	sadd.s32 s8, s12;
	s8 =	sadd.s32 s9, s12;
	v19 =	vadd.s32 $0x6, v0;
	v24 =	vsel vm2, v24, v23;
	v26 =	vunpack.c.0.s8.s32 v21  }
0x34: {  	s9 =	sadd.s32 s10, s12;
	s14 =	smax.u32 s14, $0x1;
	s10 =	sadd.s32 $0xC00, s13;
	v25 =	vsel vm0, v23, v25;
	v22 =	vand.u32 $0xF, v22;
	v23 =	vadd.s32 $0x7, v0  }
0x35: {  	s11 =	sadd.s32 $0x1400, s13;
	s12 =	sadd.s32 $0x1C00, s13;
	s13 =	sadd.s32 $0x2400, s13;
	v22 =	vcombine.low v25, v22;
	v21 =	vadd.s32 $0x3, v0;
	v24 =	vsel vm1, v26, v24  }
.LBB2_1:
0x36: {  	[tilespmem:s4], [sflag:$0x1] =	stream.linear.gather [hbm4b:s0+s4], $0x1A80, $0x38;
	[tilespmem:$0x12E80] =	vst v63  }
0x37: {  	_ = 	snop  }
0x38: {  	[tilespmem:s15], [sflag:$0x1] =	stream.linear.gather [hbm4b:s1+s4], $0x380, $0x38;
	[tilespmem:$0x12E80] =	vst v63  }
0x39: {  	_ = 	snop  }
0x3a: {  	[tilespmem:s16], [sflag:$0x1] =	stream.linear.gather [hbm4b:s2+s4], $0x100, $0x38;
	[tilespmem:$0x12E80] =	vst v63  }
0x3b: {  	_ = 	snop  }
0x3c: {  	[tilespmem:s17], [sflag:$0x1] =	stream.linear.gather [hbm4b:s6+s4], $0x3, $0x38;
	[tilespmem:$0x12E80] =	vst v63  }
0x3d: {  	s26 =	simm.s32 $0x2800  }
0x3e: {  	[tilespmem:s26], [sflag:$0x1] =	stream.linear.gather [hbm4b:s7+s4], $0x200, $0x38;
	[tilespmem:$0x12E80] =	vst v63  }
0x3f: {  	s28 =	simm.s32 $0x2A00  }
0x40: {  	[tilespmem:s28], [sflag:$0x1] =	stream.linear.gather [hbm4b:s8+s4], $0x200, $0x38;
	[tilespmem:$0x12E80] =	vst v63  }
0x41: {  	s29 =	simm.s32 $0x2C00  }
0x42: {  	[tilespmem:s29], [sflag:$0x1] =	stream.linear.gather [hbm4b:s9+s4], $0x200, $0x38;
	[tilespmem:$0x12E80] =	vst v63  }
0x43: {  	_ =	swait.ge [sflag:s18], $0x1A80  }
0x44: {  	[sflag:s18] =	ssyncset.done $0x0  }
0x45: {  	[sflag:s18] =	ssyncadd.s32 $0xFFFFE580  }
0x46: {  	_ =	swait.ge [sflag:s18], $0x380  }
0x47: {  	[sflag:s18] =	ssyncset.done $0x0  }
0x48: {  	[sflag:s18] =	ssyncadd.s32 $0xFFFFFC80  }
0x49: {  	_ =	swait.ge [sflag:s18], $0x100  }
0x4a: {  	[sflag:s18] =	ssyncset.done $0x0  }
0x4b: {  	[sflag:s18] =	ssyncadd.s32 $0xFFFFFF00  }
0x4c: {  	_ =	swait.ge [sflag:s18], $0x3  }
0x4d: {  	[sflag:s18] =	ssyncset.done $0x0  }
0x4e: {  	[sflag:s18] =	ssyncadd.s32 $0xFFFFFFFD  }
0x4f: {  	_ =	swait.ge [sflag:s18], $0x200  }
0x50: {  	[sflag:s18] =	ssyncset.done $0x0  }
0x51: {  	[sflag:s18] =	ssyncadd.s32 $0xFFFFFE00  }
0x52: {  	_ =	swait.ge [sflag:s18], $0x200  }
0x53: {  	[sflag:s18] =	ssyncset.done $0x0  }
0x54: {  	[sflag:s18] =	ssyncadd.s32 $0xFFFFFE00  }
0x55: {  	_ =	swait.ge [sflag:s18], $0x200  }
0x56: {  	[sflag:s18] =	ssyncset.done $0x0  }
0x57: {  	[sflag:s18] =	ssyncadd.s32 $0xFFFFFE00  }
0x58: {  	v25 =	vld [tilespmem:$0x12E00]  }
0x59: {  	v27 =	vld [tilespmem:$0x0]  }
0x5a: {  	v28 =	vld [tilespmem:$0x8]  }
0x5b: {  	v29 =	vld [tilespmem:$0x80]  }
0x5c: {  	v30 =	vld [tilespmem:$0x88]  }
0x5d: {  	v31 =	vld [tilespmem:$0x100]  }
0x5e: {  	v32 =	vld [tilespmem:$0x108]  }
0x5f: {  	v33 =	vld [tilespmem:$0x180]  }
0x60: {  	v34 =	vld [tilespmem:$0x188]  }
0x61: {  	v35 =	vld [tilespmem:$0x200]  }
0x62: {  	v36 =	vld [tilespmem:$0x208]  }
0x63: {  	v37 =	vld [tilespmem:$0x280]  }
0x64: {  	v38 =	vld [tilespmem:$0x288]  }
0x65: {  	v39 =	vld [tilespmem:$0x300]  }
0x66: {  	v40 =	vld [tilespmem:$0x308]  }
0x67: {  	v41 =	vld [tilespmem:$0x380]  }
0x68: {  	v42 =	vld [tilespmem:$0x388]  }
0x69: {  	v43 =	vld [tilespmem:$0x400]  }
0x6a: {  	v44 =	vld [tilespmem:$0x408]  }
0x6b: {  	v45 =	vld [tilespmem:$0x480]  }
0x6c: {  	v46 =	vld [tilespmem:$0x488]  }
0x6d: {  	v47 =	vld [tilespmem:$0x500]  }
0x6e: {  	v48 =	vld [tilespmem:$0x508]  }
0x6f: {  	v49 =	vld [tilespmem:$0x580]  }
0x70: {  	v50 =	vld [tilespmem:$0x588]  }
0x71: {  	v51 =	vld [tilespmem:$0x600]  }
0x72: {  	v52 =	vld [tilespmem:$0x608]  }
0x73: {  	v53 =	vld [tilespmem:$0x680];
	v26 =	vbroadcast v25, $0x0  }
0x74: {  	[tilespmem:$0x1FFB0] =	vst v25;
	v25 =	vld [tilespmem:$0x1288]  }
0x75: {  	v54 =	vld [tilespmem:$0x688];
	v27 =	vmul.f32 v27, v26  }
0x76: {  	v55 =	vld [tilespmem:$0x700];
	v28 =	vmul.f32 v28, v26  }
0x77: {  	v56 =	vld [tilespmem:$0x708];
	[tilespmem:$0x2100] =	vst v27  }
0x78: {  	v57 =	vld [tilespmem:$0x780];
	v27 =	vmul.f32 v29, v26;
	[tilespmem:$0x2108] =	vst v28  }
0x79: {  	v58 =	vld [tilespmem:$0x788];
	v28 =	vmul.f32 v30, v26;
	[tilespmem:$0x1FFA0] =	vst v25  }
0x7a: {  	v59 =	vld [tilespmem:$0x800];
	[tilespmem:$0x2119] =	vst v27;
	v27 =	vmul.f32 v31, v26  }
0x7b: {  	v60 =	vld [tilespmem:$0x808];
	[tilespmem:$0x2121] =	vst v28;
	v28 =	vmul.f32 v32, v26  }
0x7c: {  	v61 =	vld [tilespmem:$0x880];
	[tilespmem:$0x2132] =	vst v27;
	v27 =	vmul.f32 v33, v26  }
0x7d: {  	v62 =	vld [tilespmem:$0x888];
	[tilespmem:$0x213A] =	vst v28;
	v28 =	vmul.f32 v34, v26  }
0x7e: {  	v63 =	vld [tilespmem:$0x900];
	[tilespmem:$0x214B] =	vst v27;
	v27 =	vmul.f32 v35, v26  }
0x7f: {  	v29 =	vld [tilespmem:$0x908];
	[tilespmem:$0x2153] =	vst v28;
	v28 =	vmul.f32 v36, v26  }
0x80: {  	v30 =	vld [tilespmem:$0x980];
	[tilespmem:$0x2164] =	vst v27;
	v27 =	vmul.f32 v37, v26  }
0x81: {  	v25 =	vld [tilespmem:$0x1888];
	[tilespmem:$0x216C] =	vst v28;
	v28 =	vmul.f32 v38, v26  }
0x82: {  	v31 =	vld [tilespmem:$0x988];
	[tilespmem:$0x217D] =	vst v27;
	v27 =	vmul.f32 v39, v26  }
0x83: {  	v32 =	vld [tilespmem:$0xA00];
	[tilespmem:$0x2185] =	vst v28;
	v28 =	vmul.f32 v40, v26  }
0x84: {  	v33 =	vld [tilespmem:$0xA08];
	[tilespmem:$0x2196] =	vst v27;
	v27 =	vmul.f32 v41, v26  }
0x85: {  	v34 =	vld [tilespmem:$0xA80];
	[tilespmem:$0x219E] =	vst v28;
	v28 =	vmul.f32 v42, v26  }
0x86: {  	v35 =	vld [tilespmem:$0xA88];
	[tilespmem:$0x21AF] =	vst v27;
	v27 =	vmul.f32 v43, v26  }
0x87: {  	v36 =	vld [tilespmem:$0xB00];
	[tilespmem:$0x21B7] =	vst v28;
	v28 =	vmul.f32 v44, v26  }
0x88: {  	v37 =	vld [tilespmem:$0xB08];
	[tilespmem:$0x21C8] =	vst v27;
	v27 =	vmul.f32 v45, v26  }
0x89: {  	v38 =	vld [tilespmem:$0xB80];
	[tilespmem:$0x21D0] =	vst v28;
	v28 =	vmul.f32 v46, v26  }
0x8a: {  	v39 =	vld [tilespmem:$0xB88];
	[tilespmem:$0x21E1] =	vst v27;
	v27 =	vmul.f32 v47, v26  }
0x8b: {  	v40 =	vld [tilespmem:$0xC00];
	[tilespmem:$0x21E9] =	vst v28;
	v28 =	vmul.f32 v48, v26  }
0x8c: {  	v41 =	vld [tilespmem:$0xC08];
	[tilespmem:$0x21FA] =	vst v27;
	v27 =	vmul.f32 v49, v26  }
0x8d: {  	v42 =	vld [tilespmem:$0xC80];
	[tilespmem:$0x2202] =	vst v28;
	v28 =	vmul.f32 v50, v26  }
0x8e: {  	v43 =	vld [tilespmem:$0xC88];
	[tilespmem:$0x2213] =	vst v27;
	v27 =	vmul.f32 v51, v26  }
0x8f: {  	v44 =	vld [tilespmem:$0xD00];
	[tilespmem:$0x221B] =	vst v28;
	v28 =	vmul.f32 v52, v26  }
0x90: {  	v45 =	vld [tilespmem:$0xD08];
	[tilespmem:$0x222C] =	vst v27;
	v27 =	vmul.f32 v53, v26  }
0x91: {  	v46 =	vld [tilespmem:$0xD80];
	[tilespmem:$0x2234] =	vst v28;
	v28 =	vmul.f32 v54, v26  }
0x92: {  	v47 =	vld [tilespmem:$0xD88];
	[tilespmem:$0x2245] =	vst v27;
	v27 =	vmul.f32 v55, v26  }
0x93: {  	v48 =	vld [tilespmem:$0xE00];
	[tilespmem:$0x224D] =	vst v28;
	v28 =	vmul.f32 v56, v26  }
0x94: {  	v49 =	vld [tilespmem:$0xE08];
	[tilespmem:$0x225E] =	vst v27;
	v27 =	vmul.f32 v57, v26  }
0x95: {  	v50 =	vld [tilespmem:$0xE80];
	[tilespmem:$0x2266] =	vst v28;
	v28 =	vmul.f32 v58, v26  }
0x96: {  	v51 =	vld [tilespmem:$0xE88];
	[tilespmem:$0x2277] =	vst v27;
	v27 =	vmul.f32 v59, v26  }
0x97: {  	v52 =	vld [tilespmem:$0xF00];
	[tilespmem:$0x227F] =	vst v28;
	v28 =	vmul.f32 v60, v26  }
0x98: {  	v53 =	vld [tilespmem:$0xF08];
	[tilespmem:$0x2290] =	vst v27;
	v27 =	vmul.f32 v61, v26  }
0x99: {  	v54 =	vld [tilespmem:$0xF80];
	[tilespmem:$0x2298] =	vst v28;
	v28 =	vmul.f32 v62, v26  }
0x9a: {  	v55 =	vld [tilespmem:$0xF88];
	[tilespmem:$0x22A9] =	vst v27;
	v27 =	vmul.f32 v63, v26  }
0x9b: {  	v56 =	vld [tilespmem:$0x1000];
	[tilespmem:$0x22B1] =	vst v28;
	v28 =	vmul.f32 v29, v26  }
0x9c: {  	v57 =	vld [tilespmem:$0x1008];
	[tilespmem:$0x22C2] =	vst v27;
	v27 =	vmul.f32 v30, v26  }
0x9d: {  	v58 =	vld [tilespmem:$0x1080];
	[tilespmem:$0x22CA] =	vst v28;
	v28 =	vmul.f32 v31, v26  }
0x9e: {  	v59 =	vld [tilespmem:$0x1088];
	[tilespmem:$0x22DB] =	vst v27;
	v27 =	vmul.f32 v32, v26  }
0x9f: {  	v60 =	vld [tilespmem:$0x1100];
	[tilespmem:$0x22E3] =	vst v28;
	v28 =	vmul.f32 v33, v26  }
0xa0: {  	v61 =	vld [tilespmem:$0x1108];
	[tilespmem:$0x22F4] =	vst v27;
	v27 =	vmul.f32 v34, v26  }
0xa1: {  	v62 =	vld [tilespmem:$0x1180];
	[tilespmem:$0x22FC] =	vst v28;
	v28 =	vmul.f32 v35, v26  }
0xa2: {  	v63 =	vld [tilespmem:$0x1188];
	[tilespmem:$0x230D] =	vst v27;
	v27 =	vmul.f32 v36, v26  }
0xa3: {  	v29 =	vld [tilespmem:$0x1200];
	v34 =	vmul.f32 v37, v26;
	[tilespmem:$0x2315] =	vst v28  }
0xa4: {  	v30 =	vld [tilespmem:$0x1208];
	[tilespmem:$0x2326] =	vst v27;
	v27 =	vmul.f32 v38, v26  }
0xa5: {  	v31 =	vld [tilespmem:$0x1280];
	[tilespmem:$0x232E] =	vst v34;
	v34 =	vmul.f32 v39, v26  }
0xa6: {  	v32 =	vld [tilespmem:$0x1308];
	[tilespmem:$0x233F] =	vst v27;
	v27 =	vmul.f32 v40, v26  }
0xa7: {  	v33 =	vld [tilespmem:$0x1300];
	[tilespmem:$0x2347] =	vst v34;
	v34 =	vmul.f32 v41, v26  }
0xa8: {  	v37 =	vld [tilespmem:$0x1400];
	[tilespmem:$0x2358] =	vst v27;
	v27 =	vmul.f32 v42, v26  }
0xa9: {  	v35 =	vld [tilespmem:$0x1380];
	[tilespmem:$0x2360] =	vst v34;
	v34 =	vmul.f32 v43, v26  }
0xaa: {  	v36 =	vld [tilespmem:$0x1388];
	[tilespmem:$0x2371] =	vst v27;
	v27 =	vmul.f32 v44, v26  }
0xab: {  	v38 =	vld [tilespmem:$0x1408];
	[tilespmem:$0x2379] =	vst v34;
	v34 =	vmul.f32 v45, v26  }
0xac: {  	v39 =	vld [tilespmem:$0x1480];
	[tilespmem:$0x238A] =	vst v27;
	v27 =	vmul.f32 v46, v26  }
0xad: {  	v40 =	vld [tilespmem:$0x1488];
	[tilespmem:$0x2392] =	vst v34;
	v34 =	vmul.f32 v47, v26  }
0xae: {  	v41 =	vld [tilespmem:$0x1500];
	[tilespmem:$0x23A3] =	vst v27;
	v27 =	vmul.f32 v48, v26  }
0xaf: {  	v42 =	vld [tilespmem:$0x1508];
	[tilespmem:$0x23AB] =	vst v34;
	v34 =	vmul.f32 v49, v26  }
0xb0: {  	v43 =	vld [tilespmem:$0x1580];
	[tilespmem:$0x23BC] =	vst v27;
	v27 =	vmul.f32 v50, v26  }
0xb1: {  	v44 =	vld [tilespmem:$0x1588];
	[tilespmem:$0x23C4] =	vst v34;
	v34 =	vmul.f32 v51, v26  }
0xb2: {  	v45 =	vld [tilespmem:$0x1600];
	[tilespmem:$0x23D5] =	vst v27;
	v27 =	vmul.f32 v52, v26  }
0xb3: {  	v46 =	vld [tilespmem:$0x1608];
	[tilespmem:$0x23DD] =	vst v34;
	v34 =	vmul.f32 v53, v26  }
0xb4: {  	v47 =	vld [tilespmem:$0x1680];
	[tilespmem:$0x23EE] =	vst v27;
	v27 =	vmul.f32 v54, v26  }
0xb5: {  	v48 =	vld [tilespmem:$0x1688];
	[tilespmem:$0x23F6] =	vst v34;
	v34 =	vmul.f32 v55, v26  }
0xb6: {  	[tilespmem:$0x2407] =	vst v27;
	v27 =	vmul.f32 v56, v26;
	v56 =	vmul.f32 v57, v26;
	v57 =	vld [tilespmem:$0x1900]  }
0xb7: {  	v55 =	vld [tilespmem:$0x1880];
	[tilespmem:$0x240F] =	vst v34  }
0xb8: {  	v49 =	vld [tilespmem:$0x1700];
	[tilespmem:$0x2420] =	vst v27;
	v27 =	vmul.f32 v58, v26  }
0xb9: {  	v50 =	vld [tilespmem:$0x1708];
	[tilespmem:$0x2428] =	vst v56  }
0xba: {  	v59 =	vmul.f32 v59, v26;
	v58 =	vld [tilespmem:$0x1908];
	[tilespmem:$0x2439] =	vst v27  }
0xbb: {  	v51 =	vld [tilespmem:$0x1780];
	v27 =	vmul.f32 v60, v26;
	[tilespmem:$0x1FFC0] =	vst v57  }
0xbc: {  	v52 =	vld [tilespmem:$0x1788];
	v55 =	vmul.f32 v55, v26;
	[tilespmem:$0x2441] =	vst v59  }
0xbd: {  	v56 =	vld [tilespmem:$0x1980];
	[tilespmem:$0x2452] =	vst v27  }
0xbe: {  	v53 =	vld [tilespmem:$0x1800];
	v57 =	vmul.f32 v61, v26;
	[tilespmem:$0x25C9] =	vst v55  }
0xbf: {  	v54 =	vld [tilespmem:$0x1808];
	v27 =	vmul.f32 v62, v26;
	[tilespmem:$0x1FFD0] =	vst v58  }
0xc0: {  	v55 =	vld [tilespmem:$0x1FFC0];
	[tilespmem:$0x245A] =	vst v57  }
0xc1: {  	v58 =	vld [tilespmem:$0x1A00];
	[tilespmem:$0x246B] =	vst v27;
	v27 =	vmul.f32 v29, v26  }
0xc2: {  	v34 =	vmul.f32 v30, v26;
	v30 =	vld [tilespmem:$0x1D88];
	v59 =	vmul.f32 v63, v26;
	[tilespmem:$0x1FFE0] =	vst v56  }
0xc3: {  	v60 =	vld [tilespmem:$0x1988];
	[tilespmem:$0x2484] =	vst v27;
	v27 =	vmul.f32 v31, v26  }
0xc4: {  	v63 =	vld [tilespmem:$0x1C00];
	[tilespmem:$0x2473] =	vst v59  }
0xc5: {  	v61 =	vld [tilespmem:$0x2000];
	[tilespmem:$0x249D] =	vst v27;
	v27 =	vmul.f32 v33, v26  }
0xc6: {  	v62 =	vld [tilespmem:$0x1A08];
	v55 =	vmul.f32 v55, v26;
	[tilespmem:$0x1FFF0] =	vst v58  }
0xc7: {  	v58 =	vld [tilespmem:$0x1FFA0];
	[tilespmem:$0x24B6] =	vst v27;
	v27 =	vmul.f32 v35, v26  }
0xc8: {  	v57 =	vld [tilespmem:$0x1C08];
	[tilespmem:$0x25E2] =	vst v55  }
0xc9: {  	v55 =	vld [tilespmem:$0x1FFE0];
	[tilespmem:$0x24CF] =	vst v27;
	v27 =	vmul.f32 v37, v26  }
0xca: {  	v56 =	vld [tilespmem:$0x2008];
	[tilespmem:$0x248C] =	vst v34;
	v33 =	vmul.f32 v36, v26  }
0xcb: {  	v29 =	vld [tilespmem:$0x2088];
	[tilespmem:$0x24E8] =	vst v27;
	v27 =	vmul.f32 v39, v26  }
0xcc: {  	v59 =	vld [tilespmem:$0x1C08];
	v28 =	vmul.f32 v58, v26;
	[tilespmem:$0x24D7] =	vst v33  }
0xcd: {  	v31 =	vld [tilespmem:$0x2080];
	[tilespmem:$0x2501] =	vst v27;
	v27 =	vmul.f32 v41, v26  }
0xce: {  	v34 =	vld [tilespmem:$0x2080];
	v55 =	vmul.f32 v55, v26;
	[tilespmem:$0x24A5] =	vst v28  }
0xcf: {  	v36 =	vld [tilespmem:$0x1C80];
	[tilespmem:$0x251A] =	vst v27;
	v27 =	vmul.f32 v43, v26  }
0xd0: {  	v35 =	vld [tilespmem:$0x2088];
	v28 =	vmul.f32 v32, v26;
	[tilespmem:$0x25FB] =	vst v55  }
0xd1: {  	v37 =	vld [tilespmem:$0x2000];
	[tilespmem:$0x2533] =	vst v27;
	v27 =	vmul.f32 v45, v26  }
0xd2: {  	v58 =	vld [tilespmem:$0x1C00];
	v32 =	vmul.f32 v38, v26;
	[tilespmem:$0x24BE] =	vst v28  }
0xd3: {  	v33 =	vmul.f32 v40, v26;
	v40 =	vld [tilespmem:$0x1C80];
	[tilespmem:$0x254C] =	vst v27;
	v27 =	vmul.f32 v47, v26  }
0xd4: {  	v39 =	vld [tilespmem:$0x2008];
	[tilespmem:$0x24F0] =	vst v32  }
0xd5: {  	v38 =	vld [tilespmem:$0x1C88];
	[tilespmem:$0x2565] =	vst v27;
	v27 =	vmul.f32 v49, v26  }
0xd6: {  	v60 =	vmul.f32 v60, v26;
	v41 =	vld [tilespmem:$0x2080];
	[tilespmem:$0x2509] =	vst v33  }
0xd7: {  	v32 =	vmul.f32 v42, v26;
	v42 =	vld [tilespmem:$0x1C88];
	[tilespmem:$0x257E] =	vst v27;
	v27 =	vmul.f32 v51, v26  }
0xd8: {  	v33 =	vmul.f32 v44, v26;
	v44 =	vld [tilespmem:$0x1D00];
	[tilespmem:$0x2603] =	vst v60  }
0xd9: {  	v28 =	vmul.f32 v54, v26;
	v54 =	vld [tilespmem:$0x1D88];
	[tilespmem:$0x2597] =	vst v27;
	v27 =	vmul.f32 v53, v26  }
0xda: {  	v60 =	vld [tilespmem:$0x1E08];
	[tilespmem:$0x2522] =	vst v32  }
0xdb: {  	v43 =	vld [tilespmem:$0x2088];
	[tilespmem:$0x25B0] =	vst v27  }
0xdc: {  	v32 =	vmul.f32 v46, v26;
	v46 =	vld [tilespmem:$0x1D08];
	[tilespmem:$0x25B8] =	vst v28;
	v28 =	vmul.f32 v25, v26  }
0xdd: {  	v45 =	vld [tilespmem:$0x2000]  }
0xde: {  	[tilespmem:$0x25D1] =	vst v28;
	v28 =	vld [tilespmem:$0x1FFD0]  }
0xdf: {  	[tilespmem:$0x253B] =	vst v33;
	v33 =	vmul.f32 v48, v26;
	v48 =	vld [tilespmem:$0x1D00]  }
0xe0: {  	v47 =	vld [tilespmem:$0x2008]  }
0xe1: {  	[tilespmem:$0x2554] =	vst v32;
	v32 =	vmul.f32 v50, v26;
	v50 =	vld [tilespmem:$0x1D08]  }
0xe2: {  	v25 =	vld [tilespmem:$0x1FFB0]  }
0xe3: {  	v49 =	vld [tilespmem:$0x2080];
	v28 =	vmul.f32 v28, v26  }
0xe4: {  	[tilespmem:$0x256D] =	vst v33;
	v33 =	vmul.f32 v52, v26;
	v52 =	vld [tilespmem:$0x1D80]  }
0xe5: {  	[tilespmem:$0x25EA] =	vst v28;
	v28 =	vld [tilespmem:$0x1FFF0]  }
0xe6: {  	v51 =	vld [tilespmem:$0x2088]  }
0xe7: {  	[tilespmem:$0x2586] =	vst v32;
	v32 =	vld [tilespmem:$0x2008];
	v27 =	vbroadcast v25, $0x1;
	v25 =	vbroadcast v25, $0x2  }
0xe8: {  	v53 =	vld [tilespmem:$0x2000]  }
0xe9: {  	[tilespmem:$0x259F] =	vst v33;
	v33 =	vld [tilespmem:$0x1D80];
	v55 =	vmul.f32 v63, v27;
	v61 =	vmul.f32 v61, v25  }
0xea: {  	v63 =	vld [tilespmem:$0x2000];
	v59 =	vmul.f32 v59, v27;
	v28 =	vmul.f32 v28, v26  }
0xeb: {  	v56 =	vmul.f32 v56, v25;
	v26 =	vmul.f32 v62, v26;
	v62 =	vld [tilespmem:$0x1E00]  }
0xec: {  	v34 =	vmul.f32 v34, v25;
	[tilespmem:$0x2614] =	vst v28;
	v28 =	vadd.f32 v61, v55;
	v61 =	vmul.f32 v58, v27;
	v58 =	vld [tilespmem:$0x2008]  }
0xed: {  	v35 =	vmul.f32 v35, v25;
	v55 =	vmul.f32 v37, v25;
	v37 =	vld [tilespmem:$0x2080]  }
0xee: {  	v48 =	vmul.f32 v48, v27;
	[tilespmem:$0x261C] =	vst v26;
	v26 =	vadd.f32 v56, v59;
	v56 =	vmul.f32 v57, v27;
	v57 =	vld [tilespmem:$0x1E00]  }
0xef: {  	v59 =	vmul.f32 v39, v25;
	v39 =	vld [tilespmem:$0x1E08];
	[tilespmem:$0x2680] =	vst v28;
	v28 =	vadd.f32 v34, v61;
	v61 =	vmul.f32 v36, v27  }
0xf0: {  	v49 =	vmul.f32 v49, v25;
	v34 =	vld [tilespmem:$0x2088];
	[tilespmem:$0x2688] =	vst v26;
	v26 =	vadd.f32 v35, v56;
	v56 =	vmul.f32 v38, v27  }
0xf1: {  	v36 =	vld [tilespmem:$0x1F08];
	[tilespmem:$0x2699] =	vst v28;
	v28 =	vadd.f32 v55, v61;
	v61 =	vmul.f32 v40, v27;
	v55 =	vmul.f32 v41, v25  }
0xf2: {  	v38 =	vld [tilespmem:$0x1E88];
	[tilespmem:$0x26A1] =	vst v26;
	v26 =	vadd.f32 v59, v56;
	v56 =	vmul.f32 v42, v27;
	v59 =	vmul.f32 v43, v25  }
0xf3: {  	v35 =	vld [tilespmem:$0x2000];
	[tilespmem:$0x26B2] =	vst v28;
	v28 =	vadd.f32 v55, v61;
	v61 =	vmul.f32 v44, v27;
	v55 =	vmul.f32 v45, v25  }
0xf4: {  	v40 =	vld [tilespmem:$0x2088];
	[tilespmem:$0x26BA] =	vst v26;
	v26 =	vadd.f32 v59, v56;
	v56 =	vmul.f32 v46, v27;
	v59 =	vmul.f32 v47, v25  }
0xf5: {  	v50 =	vmul.f32 v50, v27;
	v32 =	vmul.f32 v32, v25;
	v41 =	vld [tilespmem:$0x1E80];
	[tilespmem:$0x26CB] =	vst v28;
	v61 =	vadd.f32 v55, v61  }
0xf6: {  	v33 =	vmul.f32 v33, v27;
	v31 =	vmul.f32 v31, v25;
	v42 =	vld [tilespmem:$0x2000];
	[tilespmem:$0x26D3] =	vst v26;
	v26 =	vadd.f32 v59, v56  }
0xf7: {  	v30 =	vmul.f32 v30, v27;
	v43 =	vld [tilespmem:$0x1E88];
	v55 =	vmul.f32 v51, v25;
	v56 =	vadd.f32 v49, v48;
	[tilespmem:$0x26E4] =	vst v61  }
0xf8: {  	v44 =	vld [tilespmem:$0x2008];
	v59 =	vmul.f32 v52, v27;
	v49 =	vadd.f32 v31, v33;
	v61 =	vmul.f32 v53, v25;
	[tilespmem:$0x26EC] =	vst v26  }
0xf9: {  	v29 =	vmul.f32 v29, v25;
	v45 =	vld [tilespmem:$0x1E80];
	v47 =	vmul.f32 v54, v27;
	v26 =	vadd.f32 v55, v50;
	[tilespmem:$0x26FD] =	vst v56  }
0xfa: {  	v46 =	vld [tilespmem:$0x2080];
	v51 =	vmul.f32 v63, v25;
	v50 =	vmul.f32 v62, v27;
	[tilespmem:$0x272F] =	vst v49;
	v48 =	vadd.f32 v61, v59  }
0xfb: {  	v52 =	vmul.f32 v60, v27;
	v56 =	vmul.f32 v37, v25;
	v37 =	vld [tilespmem:$0x2008];
	[tilespmem:$0x2705] =	vst v26;
	v26 =	vadd.f32 v32, v47  }
0xfc: {  	v55 =	vmul.f32 v57, v27;
	v57 =	vmul.f32 v39, v27;
	v39 =	vld [tilespmem:$0x1F00];
	v54 =	vadd.f32 v51, v50;
	[tilespmem:$0x2716] =	vst v48  }
0xfd: {  	v60 =	vmul.f32 v41, v27;
	v53 =	vmul.f32 v58, v25;
	v32 =	vld [tilespmem:$0x1F00];
	[tilespmem:$0x271E] =	vst v26;
	v26 =	vadd.f32 v29, v30  }
0xfe: {  	v58 =	vmul.f32 v40, v25;
	v62 =	vld [tilespmem:$0x2080];
	v61 =	vmul.f32 v42, v25;
	v59 =	vadd.f32 v56, v55;
	[tilespmem:$0x2748] =	vst v54  }
0xff: {  	v63 =	vmul.f32 v43, v27;
	v47 =	vmul.f32 v44, v25;
	v48 =	vld [tilespmem:$0x1F08];
	[tilespmem:$0x2737] =	vst v26;
	v26 =	vadd.f32 v53, v52  }
0x100: {  	v50 =	vmul.f32 v45, v27;
	v51 =	vmul.f32 v46, v25;
	v49 =	vadd.f32 v61, v60;
	[tilespmem:$0x2761] =	vst v59;
	v52 =	vld [tilespmem:$0x2088]  }
0x101: {  	v54 =	vmul.f32 v34, v25;
	v59 =	vmul.f32 v37, v25;
	[tilespmem:$0x2750] =	vst v26;
	v26 =	vadd.f32 v58, v57  }
0x102: {  	v55 =	vadd.f32 v51, v50;
	[tilespmem:$0x277A] =	vst v49;
	v56 =	vmul.f32 v32, v27;
	v57 =	vmul.f32 v35, v25  }
0x103: {  	v61 =	vmul.f32 v39, v27;
	v62 =	vmul.f32 v62, v25;
	[tilespmem:$0x2769] =	vst v26;
	v26 =	vadd.f32 v47, v63  }
0x104: {  	v53 =	vmul.f32 v38, v27;
	[tilespmem:$0x2793] =	vst v55;
	v58 =	vmul.f32 v36, v27;
	v60 =	vadd.f32 v57, v56  }
0x105: {  	v27 =	vmul.f32 v48, v27;
	v63 =	vadd.f32 v62, v61;
	v25 =	vmul.f32 v52, v25;
	[tilespmem:$0x2782] =	vst v26  }
0x106: {  	v26 =	vadd.f32 v54, v53;
	[tilespmem:$0x27AC] =	vst v60  }
0x107: {  	[tilespmem:$0x27C5] =	vst v63;
	v25 =	vadd.f32 v25, v27  }
0x108: {  	[tilespmem:$0x279B] =	vst v26;
	v26 =	vadd.f32 v59, v58  }
0x109: {  	[tilespmem:$0x27CD] =	vst v25  }
0x10a: {  	s30 =	simm.s32 $0x0;
	[tilespmem:$0x27B4] =	vst v26  }
.LBB2_2:
0x10b: {  	v25 =	vld [tilespmem:s26+$0x0]  }
0x10c: {  	v26 =	vld [tilespmem:s28+$0x0]  }
0x10d: {  	v27 =	vld [tilespmem:s29+$0x0];
	_ =	sdelay $0x4  }
0x10e: {  	v25 =	vmul.u32 $0x19, v25;
	v26 =	vmul.u32 $0x32, v26;
	v27 =	vmul.u32 $0x19, v27;
	_ =	sdelay $0x1  }
0x10f: {  	v26 =	vadd.s32 v26, v27;
	v27 =	vadd.s32 v0, v25  }
0x110: {  	v29 =	vadd.s32 v1, v25  }
0x111: {  	v31 =	vadd.s32 v2, v25  }
0x112: {  	v33 =	vadd.s32 v3, v25  }
0x113: {  	v35 =	vadd.s32 v4, v25  }
0x114: {  	v28 =	vadd.s32 v0, v26;
	v32 =	vld.idx.msk [tilespmem:v27+s19+$0x0], $0xffff  }
0x115: {  	v27 =	vadd.s32 v2, v26;
	v29 =	vld.idx.msk [tilespmem:v29+s19+$0x0], $0xffff  }
0x116: {  	v30 =	vadd.s32 v1, v26;
	v31 =	vld.idx.msk [tilespmem:v31+s19+$0x0], $0xffff  }
0x117: {  	v39 =	vadd.s32 v5, v25;
	v33 =	vld.idx.msk [tilespmem:v33+s19+$0x0], $0xffff  }
0x118: {  	v34 =	vadd.s32 v3, v26;
	v35 =	vld.idx.msk [tilespmem:v35+s19+$0x0], $0xffff  }
0x119: {  	v37 =	vmov s30;
	v36 =	vadd.s32 v4, v26;
	v28 =	vld.idx.msk [tilespmem:v28+s20+$0x0], $0xffff  }
0x11a: {  	v61 =	vadd.s32 v5, v26;
	v38 =	vld.idx.msk [tilespmem:v27+s20+$0x0], $0xffff;
	v27 =	vshll.u32 v37, $0x7  }
0x11b: {  	v30 =	vld.idx.msk [tilespmem:v30+s20+$0x0], $0xffff;
	v27 =	vor.u32 v6, v27  }
0x11c: {  	v39 =	vld.idx.msk [tilespmem:v39+s19+$0x0], $0xffff;
	v40 =	vor.u32 v0, v27  }
0x11d: {  	v34 =	vld.idx.msk [tilespmem:v34+s20+$0x0], $0xffff;
	v41 =	vor.u32 v1, v27  }
0x11e: {  	v36 =	vld.idx.msk [tilespmem:v36+s20+$0x0], $0xffff;
	v42 =	vor.u32 v2, v27  }
0x11f: {  	v37 =	vld.idx.msk [tilespmem:v61+s20+$0x0], $0xffff;
	v28 =	vadd.f32 v28, v32;
	v62 =	vor.u32 v3, v27  }
0x120: {  	v29 =	vadd.f32 v30, v29;
	v63 =	vor.u32 v4, v27  }
0x121: {  	v38 =	vadd.f32 v38, v31;
	[tilespmem:v40+s21+$0x0] =	vst.idx.msk $0xffff, v28;
	v40 =	vor.u32 v5, v27  }
0x122: {  	v44 =	vadd.s32 v7, v25;
	v43 =	vadd.f32 v34, v33;
	[tilespmem:v41+s21+$0x0] =	vst.idx.msk $0xffff, v29  }
0x123: {  	v46 =	vadd.s32 v7, v26;
	v45 =	vadd.f32 v36, v35;
	[tilespmem:v42+s21+$0x0] =	vst.idx.msk $0xffff, v38  }
0x124: {  	v48 =	vadd.s32 v8, v25;
	v47 =	vadd.f32 v37, v39;
	[tilespmem:v62+s21+$0x0] =	vst.idx.msk $0xffff, v43  }
0x125: {  	v49 =	vadd.s32 v8, v26;
	[tilespmem:v63+s21+$0x0] =	vst.idx.msk $0xffff, v45  }
0x126: {  	v50 =	vadd.s32 v9, v25;
	[tilespmem:v40+s21+$0x0] =	vst.idx.msk $0xffff, v47  }
0x127: {  	v51 =	vadd.s32 v9, v26;
	v30 =	vld.idx.msk [tilespmem:v44+s19+$0x0], $0xffff  }
0x128: {  	v53 =	vadd.s32 v10, v25;
	v52 =	vld.idx.msk [tilespmem:v46+s20+$0x0], $0xffff  }
0x129: {  	v54 =	vadd.s32 v10, v26;
	v32 =	vld.idx.msk [tilespmem:v48+s19+$0x0], $0xffff  }
0x12a: {  	v55 =	vadd.s32 v11, v25;
	v28 =	vld.idx.msk [tilespmem:v49+s20+$0x0], $0xffff  }
0x12b: {  	v56 =	vadd.s32 v11, v26;
	v29 =	vld.idx.msk [tilespmem:v50+s19+$0x0], $0xffff  }
0x12c: {  	v57 =	vadd.s32 v12, v25;
	v31 =	vld.idx.msk [tilespmem:v51+s20+$0x0], $0xffff  }
0x12d: {  	v58 =	vadd.s32 v12, v26;
	v34 =	vld.idx.msk [tilespmem:v53+s19+$0x0], $0xffff  }
0x12e: {  	v35 =	vld.idx.msk [tilespmem:v54+s20+$0x0], $0xffff  }
0x12f: {  	v59 =	vor.u32 v7, v27;
	v36 =	vld.idx.msk [tilespmem:v55+s19+$0x0], $0xffff  }
0x130: {  	v60 =	vor.u32 v8, v27;
	v37 =	vld.idx.msk [tilespmem:v56+s20+$0x0], $0xffff  }
0x131: {  	v61 =	vor.u32 v9, v27;
	v38 =	vld.idx.msk [tilespmem:v57+s19+$0x0], $0xffff  }
0x132: {  	v62 =	vor.u32 v10, v27;
	v39 =	vld.idx.msk [tilespmem:v58+s20+$0x0], $0xffff;
	v30 =	vadd.f32 v52, v30  }
0x133: {  	v63 =	vor.u32 v11, v27;
	v28 =	vadd.f32 v28, v32  }
0x134: {  	v43 =	vor.u32 v12, v27;
	v29 =	vadd.f32 v31, v29;
	[tilespmem:v59+s21+$0x0] =	vst.idx.msk $0xffff, v30  }
0x135: {  	v45 =	vadd.s32 v13, v25;
	v44 =	vadd.f32 v35, v34;
	[tilespmem:v60+s21+$0x0] =	vst.idx.msk $0xffff, v28  }
0x136: {  	v47 =	vadd.s32 v13, v26;
	v46 =	vadd.f32 v37, v36;
	[tilespmem:v61+s21+$0x0] =	vst.idx.msk $0xffff, v29  }
0x137: {  	v49 =	vadd.s32 v19, v25;
	v48 =	vadd.f32 v39, v38;
	[tilespmem:v62+s21+$0x0] =	vst.idx.msk $0xffff, v44  }
0x138: {  	v50 =	vadd.s32 v19, v26;
	[tilespmem:v63+s21+$0x0] =	vst.idx.msk $0xffff, v46  }
0x139: {  	v51 =	vadd.s32 v14, v25;
	[tilespmem:v43+s21+$0x0] =	vst.idx.msk $0xffff, v48  }
0x13a: {  	v52 =	vadd.s32 v14, v26;
	v30 =	vld.idx.msk [tilespmem:v45+s19+$0x0], $0xffff  }
0x13b: {  	v53 =	vadd.s32 v15, v25;
	v32 =	vld.idx.msk [tilespmem:v47+s20+$0x0], $0xffff  }
0x13c: {  	v54 =	vadd.s32 v15, v26;
	v33 =	vld.idx.msk [tilespmem:v49+s19+$0x0], $0xffff  }
0x13d: {  	v55 =	vadd.s32 v16, v25;
	v29 =	vld.idx.msk [tilespmem:v50+s20+$0x0], $0xffff  }
0x13e: {  	v56 =	vadd.s32 v16, v26;
	v28 =	vld.idx.msk [tilespmem:v51+s19+$0x0], $0xffff  }
0x13f: {  	v57 =	vadd.s32 v18, v25;
	v31 =	vld.idx.msk [tilespmem:v52+s20+$0x0], $0xffff  }
0x140: {  	v58 =	vadd.s32 v18, v26;
	v34 =	vld.idx.msk [tilespmem:v53+s19+$0x0], $0xffff  }
0x141: {  	v35 =	vld.idx.msk [tilespmem:v54+s20+$0x0], $0xffff  }
0x142: {  	v59 =	vor.u32 v13, v27;
	v36 =	vld.idx.msk [tilespmem:v55+s19+$0x0], $0xffff  }
0x143: {  	v60 =	vor.u32 v19, v27;
	v37 =	vld.idx.msk [tilespmem:v56+s20+$0x0], $0xffff  }
0x144: {  	v61 =	vor.u32 v14, v27;
	v38 =	vld.idx.msk [tilespmem:v57+s19+$0x0], $0xffff  }
0x145: {  	v62 =	vor.u32 v15, v27;
	v39 =	vld.idx.msk [tilespmem:v58+s20+$0x0], $0xffff;
	v30 =	vadd.f32 v32, v30  }
0x146: {  	v63 =	vor.u32 v16, v27;
	v29 =	vadd.f32 v29, v33  }
0x147: {  	v43 =	vor.u32 v18, v27;
	v28 =	vadd.f32 v31, v28;
	[tilespmem:v59+s21+$0x0] =	vst.idx.msk $0xffff, v30  }
0x148: {  	v45 =	vadd.s32 v21, v25;
	v44 =	vadd.f32 v35, v34;
	[tilespmem:v60+s21+$0x0] =	vst.idx.msk $0xffff, v29  }
0x149: {  	v47 =	vadd.s32 v21, v26;
	v46 =	vadd.f32 v37, v36;
	[tilespmem:v61+s21+$0x0] =	vst.idx.msk $0xffff, v28  }
0x14a: {  	v49 =	vadd.s32 v23, v25;
	v48 =	vadd.f32 v39, v38;
	[tilespmem:v62+s21+$0x0] =	vst.idx.msk $0xffff, v44  }
0x14b: {  	v50 =	vadd.s32 v23, v26;
	[tilespmem:v63+s21+$0x0] =	vst.idx.msk $0xffff, v46  }
0x14c: {  	v51 =	vadd.s32 v17, v25;
	[tilespmem:v43+s21+$0x0] =	vst.idx.msk $0xffff, v48  }
0x14d: {  	v52 =	vadd.s32 v17, v26;
	v30 =	vld.idx.msk [tilespmem:v45+s19+$0x0], $0xffff  }
0x14e: {  	v53 =	vadd.s32 v20, v25;
	v33 =	vld.idx.msk [tilespmem:v47+s20+$0x0], $0xffff  }
0x14f: {  	v54 =	vadd.s32 v20, v26;
	v32 =	vld.idx.msk [tilespmem:v49+s19+$0x0], $0xffff  }
0x150: {  	v55 =	vadd.s32 v22, v25;
	v28 =	vld.idx.msk [tilespmem:v50+s20+$0x0], $0xffff  }
0x151: {  	v56 =	vadd.s32 v22, v26;
	v29 =	vld.idx.msk [tilespmem:v51+s19+$0x0], $0xffff  }
0x152: {  	v25 =	vadd.s32 v24, v25;
	v31 =	vld.idx.msk [tilespmem:v52+s20+$0x0], $0xffff  }
0x153: {  	v26 =	vadd.s32 v24, v26;
	v34 =	vld.idx.msk [tilespmem:v53+s19+$0x0], $0xffff  }
0x154: {  	v35 =	vld.idx.msk [tilespmem:v54+s20+$0x0], $0xffff  }
0x155: {  	v57 =	vor.u32 v21, v27;
	v36 =	vld.idx.msk [tilespmem:v55+s19+$0x0], $0xffff  }
0x156: {  	v58 =	vor.u32 v23, v27;
	v37 =	vld.idx.msk [tilespmem:v56+s20+$0x0], $0xffff  }
0x157: {  	v59 =	vor.u32 v17, v27;
	v25 =	vld.idx.msk [tilespmem:v25+s19+$0x0], $0xffff  }
0x158: {  	v60 =	vor.u32 v20, v27;
	v26 =	vld.idx.msk [tilespmem:v26+s20+$0x0], $0xffff;
	v30 =	vadd.f32 v33, v30  }
0x159: {  	v61 =	vor.u32 v22, v27;
	v28 =	vadd.f32 v28, v32  }
0x15a: {  	p0 =	sne.s32 s30, $0x70;
	v27 =	vor.u32 v24, v27;
	v29 =	vadd.f32 v31, v29;
	[tilespmem:v57+s21+$0x0] =	vst.idx.msk $0xffff, v30  }
.Ltmp0:
0x15b: {  	v62 =	vadd.f32 v35, v34;
	[tilespmem:v58+s21+$0x0] =	vst.idx.msk $0xffff, v28;
	(pc) =	sbr.rel @p0 .LBB2_2-.Ltmp0, $4  }
0x15c: {  	v63 =	vadd.f32 v37, v36;
	[tilespmem:v59+s21+$0x0] =	vst.idx.msk $0xffff, v29  }
0x15d: {  	v25 =	vadd.f32 v26, v25;
	[tilespmem:v60+s21+$0x0] =	vst.idx.msk $0xffff, v62  }
0x15e: {  	s26 =	sadd.s32 $0x10, s26;
	[tilespmem:v61+s21+$0x0] =	vst.idx.msk $0xffff, v63  }
0x15f: {  	s28 =	sadd.s32 $0x10, s28;
	s29 =	sadd.s32 $0x10, s29;
	s30 =	sadd.s32 $0x10, s30;
	[tilespmem:v27+s21+$0x0] =	vst.idx.msk $0xffff, v25  }
0x160: {  	[hbm4b:s10+s4] =	stream.linear.scatter [tilespmem:s21], [sflag:$0x1], $0x4000, $0x38;
	[tilespmem:$0x12E80] =	vst v63  }
0x161: {  	s26 =	simm.s32 $0x80  }
0x162: {  	s28 =	simm.s32 $0x2880;
	s29 =	simm.s32 $0x2A80;
	s30 =	simm.s32 $0x2C80  }
.LBB2_4:
0x163: {  	v25 =	vld [tilespmem:s28+$0x0]  }
0x164: {  	v26 =	vld [tilespmem:s29+$0x0]  }
0x165: {  	v27 =	vld [tilespmem:s30+$0x0];
	_ =	sdelay $0x4  }
0x166: {  	v25 =	vmul.u32 $0x19, v25;
	v26 =	vmul.u32 $0x32, v26;
	v27 =	vmul.u32 $0x19, v27;
	_ =	sdelay $0x1  }
0x167: {  	v26 =	vadd.s32 v26, v27;
	v27 =	vadd.s32 v0, v25  }
0x168: {  	v29 =	vadd.s32 v1, v25  }
0x169: {  	v31 =	vadd.s32 v2, v25  }
0x16a: {  	v33 =	vadd.s32 v3, v25  }
0x16b: {  	v35 =	vadd.s32 v4, v25  }
0x16c: {  	v28 =	vadd.s32 v0, v26;
	v32 =	vld.idx.msk [tilespmem:v27+s19+$0x0], $0xffff  }
0x16d: {  	v27 =	vadd.s32 v2, v26;
	v29 =	vld.idx.msk [tilespmem:v29+s19+$0x0], $0xffff  }
0x16e: {  	v30 =	vadd.s32 v1, v26;
	v31 =	vld.idx.msk [tilespmem:v31+s19+$0x0], $0xffff  }
0x16f: {  	v39 =	vadd.s32 v5, v25;
	v33 =	vld.idx.msk [tilespmem:v33+s19+$0x0], $0xffff  }
0x170: {  	v34 =	vadd.s32 v3, v26;
	v35 =	vld.idx.msk [tilespmem:v35+s19+$0x0], $0xffff  }
0x171: {  	v37 =	vmov s26;
	v36 =	vadd.s32 v4, v26;
	v28 =	vld.idx.msk [tilespmem:v28+s20+$0x0], $0xffff  }
0x172: {  	v61 =	vadd.s32 v5, v26;
	v38 =	vld.idx.msk [tilespmem:v27+s20+$0x0], $0xffff;
	v27 =	vshll.u32 v37, $0x7  }
0x173: {  	v30 =	vld.idx.msk [tilespmem:v30+s20+$0x0], $0xffff;
	v27 =	vor.u32 v6, v27  }
0x174: {  	v39 =	vld.idx.msk [tilespmem:v39+s19+$0x0], $0xffff;
	v40 =	vor.u32 v0, v27  }
0x175: {  	v34 =	vld.idx.msk [tilespmem:v34+s20+$0x0], $0xffff;
	v41 =	vor.u32 v1, v27  }
0x176: {  	v36 =	vld.idx.msk [tilespmem:v36+s20+$0x0], $0xffff;
	v42 =	vor.u32 v2, v27  }
0x177: {  	v37 =	vld.idx.msk [tilespmem:v61+s20+$0x0], $0xffff;
	v28 =	vadd.f32 v28, v32;
	v62 =	vor.u32 v3, v27  }
0x178: {  	v29 =	vadd.f32 v30, v29;
	v63 =	vor.u32 v4, v27  }
0x179: {  	v38 =	vadd.f32 v38, v31;
	[tilespmem:v40+s21+$0x0] =	vst.idx.msk $0xffff, v28;
	v40 =	vor.u32 v5, v27  }
0x17a: {  	v44 =	vadd.s32 v7, v25;
	v43 =	vadd.f32 v34, v33;
	[tilespmem:v41+s21+$0x0] =	vst.idx.msk $0xffff, v29  }
0x17b: {  	v46 =	vadd.s32 v7, v26;
	v45 =	vadd.f32 v36, v35;
	[tilespmem:v42+s21+$0x0] =	vst.idx.msk $0xffff, v38  }
0x17c: {  	v48 =	vadd.s32 v8, v25;
	v47 =	vadd.f32 v37, v39;
	[tilespmem:v62+s21+$0x0] =	vst.idx.msk $0xffff, v43  }
0x17d: {  	v49 =	vadd.s32 v8, v26;
	[tilespmem:v63+s21+$0x0] =	vst.idx.msk $0xffff, v45  }
0x17e: {  	v50 =	vadd.s32 v9, v25;
	[tilespmem:v40+s21+$0x0] =	vst.idx.msk $0xffff, v47  }
0x17f: {  	v51 =	vadd.s32 v9, v26;
	v30 =	vld.idx.msk [tilespmem:v44+s19+$0x0], $0xffff  }
0x180: {  	v53 =	vadd.s32 v10, v25;
	v52 =	vld.idx.msk [tilespmem:v46+s20+$0x0], $0xffff  }
0x181: {  	v54 =	vadd.s32 v10, v26;
	v32 =	vld.idx.msk [tilespmem:v48+s19+$0x0], $0xffff  }
0x182: {  	v55 =	vadd.s32 v11, v25;
	v28 =	vld.idx.msk [tilespmem:v49+s20+$0x0], $0xffff  }
0x183: {  	v56 =	vadd.s32 v11, v26;
	v29 =	vld.idx.msk [tilespmem:v50+s19+$0x0], $0xffff  }
0x184: {  	v57 =	vadd.s32 v12, v25;
	v31 =	vld.idx.msk [tilespmem:v51+s20+$0x0], $0xffff  }
0x185: {  	v58 =	vadd.s32 v12, v26;
	v34 =	vld.idx.msk [tilespmem:v53+s19+$0x0], $0xffff  }
0x186: {  	v35 =	vld.idx.msk [tilespmem:v54+s20+$0x0], $0xffff  }
0x187: {  	v59 =	vor.u32 v7, v27;
	v36 =	vld.idx.msk [tilespmem:v55+s19+$0x0], $0xffff  }
0x188: {  	v60 =	vor.u32 v8, v27;
	v37 =	vld.idx.msk [tilespmem:v56+s20+$0x0], $0xffff  }
0x189: {  	v61 =	vor.u32 v9, v27;
	v38 =	vld.idx.msk [tilespmem:v57+s19+$0x0], $0xffff  }
0x18a: {  	v62 =	vor.u32 v10, v27;
	v39 =	vld.idx.msk [tilespmem:v58+s20+$0x0], $0xffff;
	v30 =	vadd.f32 v52, v30  }
0x18b: {  	v63 =	vor.u32 v11, v27;
	v28 =	vadd.f32 v28, v32  }
0x18c: {  	v43 =	vor.u32 v12, v27;
	v29 =	vadd.f32 v31, v29;
	[tilespmem:v59+s21+$0x0] =	vst.idx.msk $0xffff, v30  }
0x18d: {  	v45 =	vadd.s32 v13, v25;
	v44 =	vadd.f32 v35, v34;
	[tilespmem:v60+s21+$0x0] =	vst.idx.msk $0xffff, v28  }
0x18e: {  	v47 =	vadd.s32 v13, v26;
	v46 =	vadd.f32 v37, v36;
	[tilespmem:v61+s21+$0x0] =	vst.idx.msk $0xffff, v29  }
0x18f: {  	v49 =	vadd.s32 v19, v25;
	v48 =	vadd.f32 v39, v38;
	[tilespmem:v62+s21+$0x0] =	vst.idx.msk $0xffff, v44  }
0x190: {  	v50 =	vadd.s32 v19, v26;
	[tilespmem:v63+s21+$0x0] =	vst.idx.msk $0xffff, v46  }
0x191: {  	v51 =	vadd.s32 v14, v25;
	[tilespmem:v43+s21+$0x0] =	vst.idx.msk $0xffff, v48  }
0x192: {  	v52 =	vadd.s32 v14, v26;
	v30 =	vld.idx.msk [tilespmem:v45+s19+$0x0], $0xffff  }
0x193: {  	v53 =	vadd.s32 v15, v25;
	v32 =	vld.idx.msk [tilespmem:v47+s20+$0x0], $0xffff  }
0x194: {  	v54 =	vadd.s32 v15, v26;
	v33 =	vld.idx.msk [tilespmem:v49+s19+$0x0], $0xffff  }
0x195: {  	v55 =	vadd.s32 v16, v25;
	v29 =	vld.idx.msk [tilespmem:v50+s20+$0x0], $0xffff  }
0x196: {  	v56 =	vadd.s32 v16, v26;
	v28 =	vld.idx.msk [tilespmem:v51+s19+$0x0], $0xffff  }
0x197: {  	v57 =	vadd.s32 v18, v25;
	v31 =	vld.idx.msk [tilespmem:v52+s20+$0x0], $0xffff  }
0x198: {  	v58 =	vadd.s32 v18, v26;
	v34 =	vld.idx.msk [tilespmem:v53+s19+$0x0], $0xffff  }
0x199: {  	v35 =	vld.idx.msk [tilespmem:v54+s20+$0x0], $0xffff  }
0x19a: {  	v59 =	vor.u32 v13, v27;
	v36 =	vld.idx.msk [tilespmem:v55+s19+$0x0], $0xffff  }
0x19b: {  	v60 =	vor.u32 v19, v27;
	v37 =	vld.idx.msk [tilespmem:v56+s20+$0x0], $0xffff  }
0x19c: {  	v61 =	vor.u32 v14, v27;
	v38 =	vld.idx.msk [tilespmem:v57+s19+$0x0], $0xffff  }
0x19d: {  	v62 =	vor.u32 v15, v27;
	v39 =	vld.idx.msk [tilespmem:v58+s20+$0x0], $0xffff;
	v30 =	vadd.f32 v32, v30  }
0x19e: {  	v63 =	vor.u32 v16, v27;
	v29 =	vadd.f32 v29, v33  }
0x19f: {  	v43 =	vor.u32 v18, v27;
	v28 =	vadd.f32 v31, v28;
	[tilespmem:v59+s21+$0x0] =	vst.idx.msk $0xffff, v30  }
0x1a0: {  	v45 =	vadd.s32 v21, v25;
	v44 =	vadd.f32 v35, v34;
	[tilespmem:v60+s21+$0x0] =	vst.idx.msk $0xffff, v29  }
0x1a1: {  	v47 =	vadd.s32 v21, v26;
	v46 =	vadd.f32 v37, v36;
	[tilespmem:v61+s21+$0x0] =	vst.idx.msk $0xffff, v28  }
0x1a2: {  	v49 =	vadd.s32 v23, v25;
	v48 =	vadd.f32 v39, v38;
	[tilespmem:v62+s21+$0x0] =	vst.idx.msk $0xffff, v44  }
0x1a3: {  	v50 =	vadd.s32 v23, v26;
	[tilespmem:v63+s21+$0x0] =	vst.idx.msk $0xffff, v46  }
0x1a4: {  	v51 =	vadd.s32 v17, v25;
	[tilespmem:v43+s21+$0x0] =	vst.idx.msk $0xffff, v48  }
0x1a5: {  	v52 =	vadd.s32 v17, v26;
	v30 =	vld.idx.msk [tilespmem:v45+s19+$0x0], $0xffff  }
0x1a6: {  	v53 =	vadd.s32 v20, v25;
	v33 =	vld.idx.msk [tilespmem:v47+s20+$0x0], $0xffff  }
0x1a7: {  	v54 =	vadd.s32 v20, v26;
	v32 =	vld.idx.msk [tilespmem:v49+s19+$0x0], $0xffff  }
0x1a8: {  	v55 =	vadd.s32 v22, v25;
	v28 =	vld.idx.msk [tilespmem:v50+s20+$0x0], $0xffff  }
0x1a9: {  	v56 =	vadd.s32 v22, v26;
	v29 =	vld.idx.msk [tilespmem:v51+s19+$0x0], $0xffff  }
0x1aa: {  	v25 =	vadd.s32 v24, v25;
	v31 =	vld.idx.msk [tilespmem:v52+s20+$0x0], $0xffff  }
0x1ab: {  	v26 =	vadd.s32 v24, v26;
	v34 =	vld.idx.msk [tilespmem:v53+s19+$0x0], $0xffff  }
0x1ac: {  	v35 =	vld.idx.msk [tilespmem:v54+s20+$0x0], $0xffff  }
0x1ad: {  	v57 =	vor.u32 v21, v27;
	v36 =	vld.idx.msk [tilespmem:v55+s19+$0x0], $0xffff  }
0x1ae: {  	v58 =	vor.u32 v23, v27;
	v37 =	vld.idx.msk [tilespmem:v56+s20+$0x0], $0xffff  }
0x1af: {  	v59 =	vor.u32 v17, v27;
	v25 =	vld.idx.msk [tilespmem:v25+s19+$0x0], $0xffff  }
0x1b0: {  	v60 =	vor.u32 v20, v27;
	v26 =	vld.idx.msk [tilespmem:v26+s20+$0x0], $0xffff;
	v30 =	vadd.f32 v33, v30  }
0x1b1: {  	v61 =	vor.u32 v22, v27;
	v28 =	vadd.f32 v28, v32  }
0x1b2: {  	p0 =	sne.s32 s26, $0xF0;
	v27 =	vor.u32 v24, v27;
	v29 =	vadd.f32 v31, v29;
	[tilespmem:v57+s21+$0x0] =	vst.idx.msk $0xffff, v30  }
.Ltmp1:
0x1b3: {  	v62 =	vadd.f32 v35, v34;
	[tilespmem:v58+s21+$0x0] =	vst.idx.msk $0xffff, v28;
	(pc) =	sbr.rel @p0 .LBB2_4-.Ltmp1, $4  }
0x1b4: {  	v63 =	vadd.f32 v37, v36;
	[tilespmem:v59+s21+$0x0] =	vst.idx.msk $0xffff, v29  }
0x1b5: {  	v25 =	vadd.f32 v26, v25;
	[tilespmem:v60+s21+$0x0] =	vst.idx.msk $0xffff, v62  }
0x1b6: {  	s28 =	sadd.s32 $0x10, s28;
	[tilespmem:v61+s21+$0x0] =	vst.idx.msk $0xffff, v63  }
0x1b7: {  	s29 =	sadd.s32 $0x10, s29;
	s30 =	sadd.s32 $0x10, s30;
	s26 =	sadd.s32 $0x10, s26;
	[tilespmem:v27+s21+$0x0] =	vst.idx.msk $0xffff, v25  }
0x1b8: {  	[hbm4b:s11+s4] =	stream.linear.scatter [tilespmem:s22], [sflag:$0x1], $0x4000, $0x38;
	[tilespmem:$0x12E80] =	vst v63  }
0x1b9: {  	s26 =	simm.s32 $0x100  }
0x1ba: {  	s28 =	simm.s32 $0x2900;
	s29 =	simm.s32 $0x2B00;
	s30 =	simm.s32 $0x2D00  }
.LBB2_6:
0x1bb: {  	v25 =	vld [tilespmem:s28+$0x0]  }
0x1bc: {  	v26 =	vld [tilespmem:s29+$0x0]  }
0x1bd: {  	v27 =	vld [tilespmem:s30+$0x0];
	_ =	sdelay $0x4  }
0x1be: {  	v25 =	vmul.u32 $0x19, v25;
	v26 =	vmul.u32 $0x32, v26;
	v27 =	vmul.u32 $0x19, v27;
	_ =	sdelay $0x1  }
0x1bf: {  	v26 =	vadd.s32 v26, v27;
	v27 =	vadd.s32 v0, v25  }
0x1c0: {  	v29 =	vadd.s32 v1, v25  }
0x1c1: {  	v31 =	vadd.s32 v2, v25  }
0x1c2: {  	v33 =	vadd.s32 v3, v25  }
0x1c3: {  	v35 =	vadd.s32 v4, v25  }
0x1c4: {  	v28 =	vadd.s32 v0, v26;
	v32 =	vld.idx.msk [tilespmem:v27+s19+$0x0], $0xffff  }
0x1c5: {  	v27 =	vadd.s32 v2, v26;
	v29 =	vld.idx.msk [tilespmem:v29+s19+$0x0], $0xffff  }
0x1c6: {  	v30 =	vadd.s32 v1, v26;
	v31 =	vld.idx.msk [tilespmem:v31+s19+$0x0], $0xffff  }
0x1c7: {  	v39 =	vadd.s32 v5, v25;
	v33 =	vld.idx.msk [tilespmem:v33+s19+$0x0], $0xffff  }
0x1c8: {  	v34 =	vadd.s32 v3, v26;
	v35 =	vld.idx.msk [tilespmem:v35+s19+$0x0], $0xffff  }
0x1c9: {  	v37 =	vmov s26;
	v36 =	vadd.s32 v4, v26;
	v28 =	vld.idx.msk [tilespmem:v28+s20+$0x0], $0xffff  }
0x1ca: {  	v61 =	vadd.s32 v5, v26;
	v38 =	vld.idx.msk [tilespmem:v27+s20+$0x0], $0xffff;
	v27 =	vshll.u32 v37, $0x7  }
0x1cb: {  	v30 =	vld.idx.msk [tilespmem:v30+s20+$0x0], $0xffff;
	v27 =	vor.u32 v6, v27  }
0x1cc: {  	v39 =	vld.idx.msk [tilespmem:v39+s19+$0x0], $0xffff;
	v40 =	vor.u32 v0, v27  }
0x1cd: {  	v34 =	vld.idx.msk [tilespmem:v34+s20+$0x0], $0xffff;
	v41 =	vor.u32 v1, v27  }
0x1ce: {  	v36 =	vld.idx.msk [tilespmem:v36+s20+$0x0], $0xffff;
	v42 =	vor.u32 v2, v27  }
0x1cf: {  	v37 =	vld.idx.msk [tilespmem:v61+s20+$0x0], $0xffff;
	v28 =	vadd.f32 v28, v32;
	v62 =	vor.u32 v3, v27  }
0x1d0: {  	v29 =	vadd.f32 v30, v29;
	v63 =	vor.u32 v4, v27  }
0x1d1: {  	v38 =	vadd.f32 v38, v31;
	[tilespmem:v40+s21+$0x0] =	vst.idx.msk $0xffff, v28;
	v40 =	vor.u32 v5, v27  }
0x1d2: {  	v44 =	vadd.s32 v7, v25;
	v43 =	vadd.f32 v34, v33;
	[tilespmem:v41+s21+$0x0] =	vst.idx.msk $0xffff, v29  }
0x1d3: {  	v46 =	vadd.s32 v7, v26;
	v45 =	vadd.f32 v36, v35;
	[tilespmem:v42+s21+$0x0] =	vst.idx.msk $0xffff, v38  }
0x1d4: {  	v48 =	vadd.s32 v8, v25;
	v47 =	vadd.f32 v37, v39;
	[tilespmem:v62+s21+$0x0] =	vst.idx.msk $0xffff, v43  }
0x1d5: {  	v49 =	vadd.s32 v8, v26;
	[tilespmem:v63+s21+$0x0] =	vst.idx.msk $0xffff, v45  }
0x1d6: {  	v50 =	vadd.s32 v9, v25;
	[tilespmem:v40+s21+$0x0] =	vst.idx.msk $0xffff, v47  }
0x1d7: {  	v51 =	vadd.s32 v9, v26;
	v30 =	vld.idx.msk [tilespmem:v44+s19+$0x0], $0xffff  }
0x1d8: {  	v53 =	vadd.s32 v10, v25;
	v52 =	vld.idx.msk [tilespmem:v46+s20+$0x0], $0xffff  }
0x1d9: {  	v54 =	vadd.s32 v10, v26;
	v32 =	vld.idx.msk [tilespmem:v48+s19+$0x0], $0xffff  }
0x1da: {  	v55 =	vadd.s32 v11, v25;
	v28 =	vld.idx.msk [tilespmem:v49+s20+$0x0], $0xffff  }
0x1db: {  	v56 =	vadd.s32 v11, v26;
	v29 =	vld.idx.msk [tilespmem:v50+s19+$0x0], $0xffff  }
0x1dc: {  	v57 =	vadd.s32 v12, v25;
	v31 =	vld.idx.msk [tilespmem:v51+s20+$0x0], $0xffff  }
0x1dd: {  	v58 =	vadd.s32 v12, v26;
	v34 =	vld.idx.msk [tilespmem:v53+s19+$0x0], $0xffff  }
0x1de: {  	v35 =	vld.idx.msk [tilespmem:v54+s20+$0x0], $0xffff  }
0x1df: {  	v59 =	vor.u32 v7, v27;
	v36 =	vld.idx.msk [tilespmem:v55+s19+$0x0], $0xffff  }
0x1e0: {  	v60 =	vor.u32 v8, v27;
	v37 =	vld.idx.msk [tilespmem:v56+s20+$0x0], $0xffff  }
0x1e1: {  	v61 =	vor.u32 v9, v27;
	v38 =	vld.idx.msk [tilespmem:v57+s19+$0x0], $0xffff  }
0x1e2: {  	v62 =	vor.u32 v10, v27;
	v39 =	vld.idx.msk [tilespmem:v58+s20+$0x0], $0xffff;
	v30 =	vadd.f32 v52, v30  }
0x1e3: {  	v63 =	vor.u32 v11, v27;
	v28 =	vadd.f32 v28, v32  }
0x1e4: {  	v43 =	vor.u32 v12, v27;
	v29 =	vadd.f32 v31, v29;
	[tilespmem:v59+s21+$0x0] =	vst.idx.msk $0xffff, v30  }
0x1e5: {  	v45 =	vadd.s32 v13, v25;
	v44 =	vadd.f32 v35, v34;
	[tilespmem:v60+s21+$0x0] =	vst.idx.msk $0xffff, v28  }
0x1e6: {  	v47 =	vadd.s32 v13, v26;
	v46 =	vadd.f32 v37, v36;
	[tilespmem:v61+s21+$0x0] =	vst.idx.msk $0xffff, v29  }
0x1e7: {  	v49 =	vadd.s32 v19, v25;
	v48 =	vadd.f32 v39, v38;
	[tilespmem:v62+s21+$0x0] =	vst.idx.msk $0xffff, v44  }
0x1e8: {  	v50 =	vadd.s32 v19, v26;
	[tilespmem:v63+s21+$0x0] =	vst.idx.msk $0xffff, v46  }
0x1e9: {  	v51 =	vadd.s32 v14, v25;
	[tilespmem:v43+s21+$0x0] =	vst.idx.msk $0xffff, v48  }
0x1ea: {  	v52 =	vadd.s32 v14, v26;
	v30 =	vld.idx.msk [tilespmem:v45+s19+$0x0], $0xffff  }
0x1eb: {  	v53 =	vadd.s32 v15, v25;
	v32 =	vld.idx.msk [tilespmem:v47+s20+$0x0], $0xffff  }
0x1ec: {  	v54 =	vadd.s32 v15, v26;
	v33 =	vld.idx.msk [tilespmem:v49+s19+$0x0], $0xffff  }
0x1ed: {  	v55 =	vadd.s32 v16, v25;
	v29 =	vld.idx.msk [tilespmem:v50+s20+$0x0], $0xffff  }
0x1ee: {  	v56 =	vadd.s32 v16, v26;
	v28 =	vld.idx.msk [tilespmem:v51+s19+$0x0], $0xffff  }
0x1ef: {  	v57 =	vadd.s32 v18, v25;
	v31 =	vld.idx.msk [tilespmem:v52+s20+$0x0], $0xffff  }
0x1f0: {  	v58 =	vadd.s32 v18, v26;
	v34 =	vld.idx.msk [tilespmem:v53+s19+$0x0], $0xffff  }
0x1f1: {  	v35 =	vld.idx.msk [tilespmem:v54+s20+$0x0], $0xffff  }
0x1f2: {  	v59 =	vor.u32 v13, v27;
	v36 =	vld.idx.msk [tilespmem:v55+s19+$0x0], $0xffff  }
0x1f3: {  	v60 =	vor.u32 v19, v27;
	v37 =	vld.idx.msk [tilespmem:v56+s20+$0x0], $0xffff  }
0x1f4: {  	v61 =	vor.u32 v14, v27;
	v38 =	vld.idx.msk [tilespmem:v57+s19+$0x0], $0xffff  }
0x1f5: {  	v62 =	vor.u32 v15, v27;
	v39 =	vld.idx.msk [tilespmem:v58+s20+$0x0], $0xffff;
	v30 =	vadd.f32 v32, v30  }
0x1f6: {  	v63 =	vor.u32 v16, v27;
	v29 =	vadd.f32 v29, v33  }
0x1f7: {  	v43 =	vor.u32 v18, v27;
	v28 =	vadd.f32 v31, v28;
	[tilespmem:v59+s21+$0x0] =	vst.idx.msk $0xffff, v30  }
0x1f8: {  	v45 =	vadd.s32 v21, v25;
	v44 =	vadd.f32 v35, v34;
	[tilespmem:v60+s21+$0x0] =	vst.idx.msk $0xffff, v29  }
0x1f9: {  	v47 =	vadd.s32 v21, v26;
	v46 =	vadd.f32 v37, v36;
	[tilespmem:v61+s21+$0x0] =	vst.idx.msk $0xffff, v28  }
0x1fa: {  	v49 =	vadd.s32 v23, v25;
	v48 =	vadd.f32 v39, v38;
	[tilespmem:v62+s21+$0x0] =	vst.idx.msk $0xffff, v44  }
0x1fb: {  	v50 =	vadd.s32 v23, v26;
	[tilespmem:v63+s21+$0x0] =	vst.idx.msk $0xffff, v46  }
0x1fc: {  	v51 =	vadd.s32 v17, v25;
	[tilespmem:v43+s21+$0x0] =	vst.idx.msk $0xffff, v48  }
0x1fd: {  	v52 =	vadd.s32 v17, v26;
	v30 =	vld.idx.msk [tilespmem:v45+s19+$0x0], $0xffff  }
0x1fe: {  	v53 =	vadd.s32 v20, v25;
	v33 =	vld.idx.msk [tilespmem:v47+s20+$0x0], $0xffff  }
0x1ff: {  	v54 =	vadd.s32 v20, v26;
	v32 =	vld.idx.msk [tilespmem:v49+s19+$0x0], $0xffff  }
0x200: {  	v55 =	vadd.s32 v22, v25;
	v28 =	vld.idx.msk [tilespmem:v50+s20+$0x0], $0xffff  }
0x201: {  	v56 =	vadd.s32 v22, v26;
	v29 =	vld.idx.msk [tilespmem:v51+s19+$0x0], $0xffff  }
0x202: {  	v25 =	vadd.s32 v24, v25;
	v31 =	vld.idx.msk [tilespmem:v52+s20+$0x0], $0xffff  }
0x203: {  	v26 =	vadd.s32 v24, v26;
	v34 =	vld.idx.msk [tilespmem:v53+s19+$0x0], $0xffff  }
0x204: {  	v35 =	vld.idx.msk [tilespmem:v54+s20+$0x0], $0xffff  }
0x205: {  	v57 =	vor.u32 v21, v27;
	v36 =	vld.idx.msk [tilespmem:v55+s19+$0x0], $0xffff  }
0x206: {  	v58 =	vor.u32 v23, v27;
	v37 =	vld.idx.msk [tilespmem:v56+s20+$0x0], $0xffff  }
0x207: {  	v59 =	vor.u32 v17, v27;
	v25 =	vld.idx.msk [tilespmem:v25+s19+$0x0], $0xffff  }
0x208: {  	v60 =	vor.u32 v20, v27;
	v26 =	vld.idx.msk [tilespmem:v26+s20+$0x0], $0xffff;
	v30 =	vadd.f32 v33, v30  }
0x209: {  	v61 =	vor.u32 v22, v27;
	v28 =	vadd.f32 v28, v32  }
0x20a: {  	p0 =	sne.s32 s26, $0x170;
	v27 =	vor.u32 v24, v27;
	v29 =	vadd.f32 v31, v29;
	[tilespmem:v57+s21+$0x0] =	vst.idx.msk $0xffff, v30  }
.Ltmp2:
0x20b: {  	v62 =	vadd.f32 v35, v34;
	[tilespmem:v58+s21+$0x0] =	vst.idx.msk $0xffff, v28;
	(pc) =	sbr.rel @p0 .LBB2_6-.Ltmp2, $4  }
0x20c: {  	v63 =	vadd.f32 v37, v36;
	[tilespmem:v59+s21+$0x0] =	vst.idx.msk $0xffff, v29  }
0x20d: {  	v25 =	vadd.f32 v26, v25;
	[tilespmem:v60+s21+$0x0] =	vst.idx.msk $0xffff, v62  }
0x20e: {  	s28 =	sadd.s32 $0x10, s28;
	[tilespmem:v61+s21+$0x0] =	vst.idx.msk $0xffff, v63  }
0x20f: {  	s29 =	sadd.s32 $0x10, s29;
	s30 =	sadd.s32 $0x10, s30;
	s26 =	sadd.s32 $0x10, s26;
	[tilespmem:v27+s21+$0x0] =	vst.idx.msk $0xffff, v25  }
0x210: {  	[hbm4b:s12+s4] =	stream.linear.scatter [tilespmem:s23], [sflag:$0x1], $0x4000, $0x38;
	[tilespmem:$0x12E80] =	vst v63  }
0x211: {  	s26 =	simm.s32 $0x180  }
0x212: {  	s28 =	simm.s32 $0x2980;
	s29 =	simm.s32 $0x2B80;
	s30 =	simm.s32 $0x2D80  }
.LBB2_8:
0x213: {  	v25 =	vld [tilespmem:s28+$0x0]  }
0x214: {  	v26 =	vld [tilespmem:s29+$0x0]  }
0x215: {  	v27 =	vld [tilespmem:s30+$0x0];
	_ =	sdelay $0x4  }
0x216: {  	v25 =	vmul.u32 $0x19, v25;
	v26 =	vmul.u32 $0x32, v26;
	v27 =	vmul.u32 $0x19, v27;
	_ =	sdelay $0x1  }
0x217: {  	v26 =	vadd.s32 v26, v27;
	v27 =	vadd.s32 v0, v25  }
0x218: {  	v29 =	vadd.s32 v1, v25  }
0x219: {  	v31 =	vadd.s32 v2, v25  }
0x21a: {  	v33 =	vadd.s32 v3, v25  }
0x21b: {  	v35 =	vadd.s32 v4, v25  }
0x21c: {  	v28 =	vadd.s32 v0, v26;
	v32 =	vld.idx.msk [tilespmem:v27+s19+$0x0], $0xffff  }
0x21d: {  	v27 =	vadd.s32 v2, v26;
	v29 =	vld.idx.msk [tilespmem:v29+s19+$0x0], $0xffff  }
0x21e: {  	v30 =	vadd.s32 v1, v26;
	v31 =	vld.idx.msk [tilespmem:v31+s19+$0x0], $0xffff  }
0x21f: {  	v39 =	vadd.s32 v5, v25;
	v33 =	vld.idx.msk [tilespmem:v33+s19+$0x0], $0xffff  }
0x220: {  	v34 =	vadd.s32 v3, v26;
	v35 =	vld.idx.msk [tilespmem:v35+s19+$0x0], $0xffff  }
0x221: {  	v37 =	vmov s26;
	v36 =	vadd.s32 v4, v26;
	v28 =	vld.idx.msk [tilespmem:v28+s20+$0x0], $0xffff  }
0x222: {  	v61 =	vadd.s32 v5, v26;
	v38 =	vld.idx.msk [tilespmem:v27+s20+$0x0], $0xffff;
	v27 =	vshll.u32 v37, $0x7  }
0x223: {  	v30 =	vld.idx.msk [tilespmem:v30+s20+$0x0], $0xffff;
	v27 =	vor.u32 v6, v27  }
0x224: {  	v39 =	vld.idx.msk [tilespmem:v39+s19+$0x0], $0xffff;
	v40 =	vor.u32 v0, v27  }
0x225: {  	v34 =	vld.idx.msk [tilespmem:v34+s20+$0x0], $0xffff;
	v41 =	vor.u32 v1, v27  }
0x226: {  	v36 =	vld.idx.msk [tilespmem:v36+s20+$0x0], $0xffff;
	v42 =	vor.u32 v2, v27  }
0x227: {  	v37 =	vld.idx.msk [tilespmem:v61+s20+$0x0], $0xffff;
	v28 =	vadd.f32 v28, v32;
	v62 =	vor.u32 v3, v27  }
0x228: {  	v29 =	vadd.f32 v30, v29;
	v63 =	vor.u32 v4, v27  }
0x229: {  	v38 =	vadd.f32 v38, v31;
	[tilespmem:v40+s21+$0x0] =	vst.idx.msk $0xffff, v28;
	v40 =	vor.u32 v5, v27  }
0x22a: {  	v44 =	vadd.s32 v7, v25;
	v43 =	vadd.f32 v34, v33;
	[tilespmem:v41+s21+$0x0] =	vst.idx.msk $0xffff, v29  }
0x22b: {  	v46 =	vadd.s32 v7, v26;
	v45 =	vadd.f32 v36, v35;
	[tilespmem:v42+s21+$0x0] =	vst.idx.msk $0xffff, v38  }
0x22c: {  	v48 =	vadd.s32 v8, v25;
	v47 =	vadd.f32 v37, v39;
	[tilespmem:v62+s21+$0x0] =	vst.idx.msk $0xffff, v43  }
0x22d: {  	v49 =	vadd.s32 v8, v26;
	[tilespmem:v63+s21+$0x0] =	vst.idx.msk $0xffff, v45  }
0x22e: {  	v50 =	vadd.s32 v9, v25;
	[tilespmem:v40+s21+$0x0] =	vst.idx.msk $0xffff, v47  }
0x22f: {  	v51 =	vadd.s32 v9, v26;
	v30 =	vld.idx.msk [tilespmem:v44+s19+$0x0], $0xffff  }
0x230: {  	v53 =	vadd.s32 v10, v25;
	v52 =	vld.idx.msk [tilespmem:v46+s20+$0x0], $0xffff  }
0x231: {  	v54 =	vadd.s32 v10, v26;
	v32 =	vld.idx.msk [tilespmem:v48+s19+$0x0], $0xffff  }
0x232: {  	v55 =	vadd.s32 v11, v25;
	v28 =	vld.idx.msk [tilespmem:v49+s20+$0x0], $0xffff  }
0x233: {  	v56 =	vadd.s32 v11, v26;
	v29 =	vld.idx.msk [tilespmem:v50+s19+$0x0], $0xffff  }
0x234: {  	v57 =	vadd.s32 v12, v25;
	v31 =	vld.idx.msk [tilespmem:v51+s20+$0x0], $0xffff  }
0x235: {  	v58 =	vadd.s32 v12, v26;
	v34 =	vld.idx.msk [tilespmem:v53+s19+$0x0], $0xffff  }
0x236: {  	v35 =	vld.idx.msk [tilespmem:v54+s20+$0x0], $0xffff  }
0x237: {  	v59 =	vor.u32 v7, v27;
	v36 =	vld.idx.msk [tilespmem:v55+s19+$0x0], $0xffff  }
0x238: {  	v60 =	vor.u32 v8, v27;
	v37 =	vld.idx.msk [tilespmem:v56+s20+$0x0], $0xffff  }
0x239: {  	v61 =	vor.u32 v9, v27;
	v38 =	vld.idx.msk [tilespmem:v57+s19+$0x0], $0xffff  }
0x23a: {  	v62 =	vor.u32 v10, v27;
	v39 =	vld.idx.msk [tilespmem:v58+s20+$0x0], $0xffff;
	v30 =	vadd.f32 v52, v30  }
0x23b: {  	v63 =	vor.u32 v11, v27;
	v28 =	vadd.f32 v28, v32  }
0x23c: {  	v43 =	vor.u32 v12, v27;
	v29 =	vadd.f32 v31, v29;
	[tilespmem:v59+s21+$0x0] =	vst.idx.msk $0xffff, v30  }
0x23d: {  	v45 =	vadd.s32 v13, v25;
	v44 =	vadd.f32 v35, v34;
	[tilespmem:v60+s21+$0x0] =	vst.idx.msk $0xffff, v28  }
0x23e: {  	v47 =	vadd.s32 v13, v26;
	v46 =	vadd.f32 v37, v36;
	[tilespmem:v61+s21+$0x0] =	vst.idx.msk $0xffff, v29  }
0x23f: {  	v49 =	vadd.s32 v19, v25;
	v48 =	vadd.f32 v39, v38;
	[tilespmem:v62+s21+$0x0] =	vst.idx.msk $0xffff, v44  }
0x240: {  	v50 =	vadd.s32 v19, v26;
	[tilespmem:v63+s21+$0x0] =	vst.idx.msk $0xffff, v46  }
0x241: {  	v51 =	vadd.s32 v14, v25;
	[tilespmem:v43+s21+$0x0] =	vst.idx.msk $0xffff, v48  }
0x242: {  	v52 =	vadd.s32 v14, v26;
	v30 =	vld.idx.msk [tilespmem:v45+s19+$0x0], $0xffff  }
0x243: {  	v53 =	vadd.s32 v15, v25;
	v32 =	vld.idx.msk [tilespmem:v47+s20+$0x0], $0xffff  }
0x244: {  	v54 =	vadd.s32 v15, v26;
	v33 =	vld.idx.msk [tilespmem:v49+s19+$0x0], $0xffff  }
0x245: {  	v55 =	vadd.s32 v16, v25;
	v29 =	vld.idx.msk [tilespmem:v50+s20+$0x0], $0xffff  }
0x246: {  	v56 =	vadd.s32 v16, v26;
	v28 =	vld.idx.msk [tilespmem:v51+s19+$0x0], $0xffff  }
0x247: {  	v57 =	vadd.s32 v18, v25;
	v31 =	vld.idx.msk [tilespmem:v52+s20+$0x0], $0xffff  }
0x248: {  	v58 =	vadd.s32 v18, v26;
	v34 =	vld.idx.msk [tilespmem:v53+s19+$0x0], $0xffff  }
0x249: {  	v35 =	vld.idx.msk [tilespmem:v54+s20+$0x0], $0xffff  }
0x24a: {  	v59 =	vor.u32 v13, v27;
	v36 =	vld.idx.msk [tilespmem:v55+s19+$0x0], $0xffff  }
0x24b: {  	v60 =	vor.u32 v19, v27;
	v37 =	vld.idx.msk [tilespmem:v56+s20+$0x0], $0xffff  }
0x24c: {  	v61 =	vor.u32 v14, v27;
	v38 =	vld.idx.msk [tilespmem:v57+s19+$0x0], $0xffff  }
0x24d: {  	v62 =	vor.u32 v15, v27;
	v39 =	vld.idx.msk [tilespmem:v58+s20+$0x0], $0xffff;
	v30 =	vadd.f32 v32, v30  }
0x24e: {  	v63 =	vor.u32 v16, v27;
	v29 =	vadd.f32 v29, v33  }
0x24f: {  	v43 =	vor.u32 v18, v27;
	v28 =	vadd.f32 v31, v28;
	[tilespmem:v59+s21+$0x0] =	vst.idx.msk $0xffff, v30  }
0x250: {  	v45 =	vadd.s32 v21, v25;
	v44 =	vadd.f32 v35, v34;
	[tilespmem:v60+s21+$0x0] =	vst.idx.msk $0xffff, v29  }
0x251: {  	v47 =	vadd.s32 v21, v26;
	v46 =	vadd.f32 v37, v36;
	[tilespmem:v61+s21+$0x0] =	vst.idx.msk $0xffff, v28  }
0x252: {  	v49 =	vadd.s32 v23, v25;
	v48 =	vadd.f32 v39, v38;
	[tilespmem:v62+s21+$0x0] =	vst.idx.msk $0xffff, v44  }
0x253: {  	v50 =	vadd.s32 v23, v26;
	[tilespmem:v63+s21+$0x0] =	vst.idx.msk $0xffff, v46  }
0x254: {  	v51 =	vadd.s32 v17, v25;
	[tilespmem:v43+s21+$0x0] =	vst.idx.msk $0xffff, v48  }
0x255: {  	v52 =	vadd.s32 v17, v26;
	v30 =	vld.idx.msk [tilespmem:v45+s19+$0x0], $0xffff  }
0x256: {  	v53 =	vadd.s32 v20, v25;
	v33 =	vld.idx.msk [tilespmem:v47+s20+$0x0], $0xffff  }
0x257: {  	v54 =	vadd.s32 v20, v26;
	v32 =	vld.idx.msk [tilespmem:v49+s19+$0x0], $0xffff  }
0x258: {  	v55 =	vadd.s32 v22, v25;
	v28 =	vld.idx.msk [tilespmem:v50+s20+$0x0], $0xffff  }
0x259: {  	v56 =	vadd.s32 v22, v26;
	v29 =	vld.idx.msk [tilespmem:v51+s19+$0x0], $0xffff  }
0x25a: {  	v25 =	vadd.s32 v24, v25;
	v31 =	vld.idx.msk [tilespmem:v52+s20+$0x0], $0xffff  }
0x25b: {  	v26 =	vadd.s32 v24, v26;
	v34 =	vld.idx.msk [tilespmem:v53+s19+$0x0], $0xffff  }
0x25c: {  	v35 =	vld.idx.msk [tilespmem:v54+s20+$0x0], $0xffff  }
0x25d: {  	v57 =	vor.u32 v21, v27;
	v36 =	vld.idx.msk [tilespmem:v55+s19+$0x0], $0xffff  }
0x25e: {  	v58 =	vor.u32 v23, v27;
	v37 =	vld.idx.msk [tilespmem:v56+s20+$0x0], $0xffff  }
0x25f: {  	v59 =	vor.u32 v17, v27;
	v25 =	vld.idx.msk [tilespmem:v25+s19+$0x0], $0xffff  }
0x260: {  	v60 =	vor.u32 v20, v27;
	v26 =	vld.idx.msk [tilespmem:v26+s20+$0x0], $0xffff;
	v30 =	vadd.f32 v33, v30  }
0x261: {  	v61 =	vor.u32 v22, v27;
	v28 =	vadd.f32 v28, v32  }
0x262: {  	p0 =	sne.s32 s26, $0x1F0;
	v27 =	vor.u32 v24, v27;
	v29 =	vadd.f32 v31, v29;
	[tilespmem:v57+s21+$0x0] =	vst.idx.msk $0xffff, v30  }
.Ltmp3:
0x263: {  	v62 =	vadd.f32 v35, v34;
	[tilespmem:v58+s21+$0x0] =	vst.idx.msk $0xffff, v28;
	(pc) =	sbr.rel @p0 .LBB2_8-.Ltmp3, $4  }
0x264: {  	v63 =	vadd.f32 v37, v36;
	[tilespmem:v59+s21+$0x0] =	vst.idx.msk $0xffff, v29  }
0x265: {  	v25 =	vadd.f32 v26, v25;
	[tilespmem:v60+s21+$0x0] =	vst.idx.msk $0xffff, v62  }
0x266: {  	s28 =	sadd.s32 $0x10, s28;
	[tilespmem:v61+s21+$0x0] =	vst.idx.msk $0xffff, v63  }
0x267: {  	s29 =	sadd.s32 $0x10, s29;
	s30 =	sadd.s32 $0x10, s30;
	s26 =	sadd.s32 $0x10, s26;
	[tilespmem:v27+s21+$0x0] =	vst.idx.msk $0xffff, v25  }
0x268: {  	[hbm4b:s13+s4] =	stream.linear.scatter [tilespmem:s24], [sflag:$0x1], $0x4000, $0x38;
	[tilespmem:$0x12E80] =	vst v63  }
0x269: {  	_ =	swait.ge [sflag:s18], $0x4000  }
0x26a: {  	[sflag:s18] =	ssyncset.done $0x0  }
0x26b: {  	[sflag:s18] =	ssyncadd.s32 $0xFFFFC000  }
0x26c: {  	_ =	swait.ge [sflag:s18], $0x4000  }
0x26d: {  	[sflag:s18] =	ssyncset.done $0x0  }
0x26e: {  	s25 =	sadd.s32 $0x1, s25;
	[sflag:s18] =	ssyncadd.s32 $0xFFFFC000  }
0x26f: {  	p0 =	sne.s32 s25, s14;
	_ =	swait.ge [sflag:s18], $0x4000  }
.Ltmp4:
0x270: {  	[sflag:s18] =	ssyncset.done $0x0;
	(pc) =	sbr.rel @p0 .LBB2_1-.Ltmp4, $4  }
0x271: {  	[sflag:s18] =	ssyncadd.s32 $0xFFFFC000  }
0x272: {  	_ =	swait.ge [sflag:s18], $0x4000  }
0x273: {  	[sflag:s18] =	ssyncset.done $0x0  }
0x274: {  	[sflag:s18] =	ssyncadd.s32 $0xFFFFC000  }
0x275: {  	_ =	sfence.sel $0x180000  }
0x276: {  	[bflag:$0x0] =	sbarrier.arrive $0xFFFF  }
0x277: {  	p0 =	sne.s32 s5, $0x0;
	_ =	strace $0x90000047  }
0x278: {  	s0 =	sadd.s32 @!p0 $0x100000, s3;
	[bflag:$0x2] =	sbarrier.arrive $0xFFFF  }
0x279: {  	[sflag:s0] =	ssyncadd.tile.s32 @!p0 $0x1;
	_ =	shalt  }
.Lfunc_end2:
_tile_overlayer_lowered:
.L_overlay_start_2:
0x27a: {  	(tag) =	ssettag $0x2  }
0x27b: {  	s0 =	rddreg [dreg:$0x0];
	s2 =	stileid.u32  }
0x27c: {  	s1 =	rddreg [dreg:$0x1];
	p0 =	sne.s32 s2, $0x0  }
0x27d: {  	s3 =	rddreg [dreg:$0x2];
	[bflag:$0x3] =	sbarrier.arrive $0xFFFF;
	s2 =	simm.s32 @!p0 $0x1C02  }
0x27e: {  	[timem:s3], [sflag:s2] =	dma.local @!p0 [hbm:s0], s1  }
0x27f: {  	s0 =	simm.s32 @!p0 $0x2  }
0x280: {  	_ =	swait.ge @!p0 [sflag:s0], s1  }
0x281: {  	s1 =	ssub.s32 @!p0 $0x0, s1;
	[sflag:s0] =	ssyncset.done @!p0 $0x0  }
0x282: {  	[sflag:s0] =	ssyncadd.s32 @!p0 s1  }
0x283: {  	[bflag:$0x3] =	sbarrier.arrive $0xFFFF  }
0x284: {  	_ =	shalt  }

</sc_bundles>
